<compile_context>
chip_gen: v7x
topology: tpu7x:2x2x1
jax: 0.10.2.dev20260603
libtpu: 0.0.44.dev20260713+nightly
codegen_flags: <defaults>
</compile_context>

<pallas_src>
import functools

import jax
import jax.numpy as jnp
from jax import lax
from jax.experimental import pallas as pl
from jax.experimental.pallas import tpu as pltpu
from jax.experimental.pallas import tpu_sc as plsc

BATCH = 16384
EMBED_DIM = 64
NUM_WORKERS = 32
B_PER_W = BATCH // NUM_WORKERS
GROUP = 2
GROUPS = B_PER_W // GROUP
IDX_PAD = 16

_mesh = plsc.VectorSubcoreMesh(core_axis_name="c", subcore_axis_name="s")


@functools.partial(
    pl.kernel,
    mesh=_mesh,
    compiler_params=pltpu.CompilerParams(needs_layout_passes=False),
    out_type=jax.ShapeDtypeStruct((BATCH,), jnp.float32),
    scratch_types=[
        pltpu.VMEM((B_PER_W + IDX_PAD,), jnp.int32),
        pltpu.VMEM((B_PER_W + IDX_PAD,), jnp.int32),
        pltpu.VMEM((3, GROUP, EMBED_DIM, 128), jnp.float32),
        pltpu.VMEM((3, GROUP, EMBED_DIM, 128), jnp.float32),
        pltpu.VMEM((B_PER_W,), jnp.float32),
        pltpu.SemaphoreType.DMA,
        pltpu.SemaphoreType.DMA,
        pltpu.SemaphoreType.DMA,
        pltpu.SemaphoreType.DMA,
        pltpu.SemaphoreType.DMA,
        pltpu.SemaphoreType.DMA,
    ],
)
def _dot_kernel(uid_hbm, iid_hbm, utT_hbm, itT_hbm, out_hbm,
                uidx_v, iidx_v, uslab_v, islab_v, out_v,
                sem_u0, sem_i0, sem_u1, sem_i1, sem_u2, sem_i2):
    wid = lax.axis_index("s") * 2 + lax.axis_index("c")
    base = wid * B_PER_W
    sems = ((sem_u0, sem_i0), (sem_u1, sem_i1), (sem_u2, sem_i2))

    pltpu.sync_copy(uid_hbm.at[pl.ds(base, B_PER_W)],
                    uidx_v.at[pl.ds(0, B_PER_W)])
    pltpu.sync_copy(iid_hbm.at[pl.ds(base, B_PER_W)],
                    iidx_v.at[pl.ds(0, B_PER_W)])

    zeros16 = jnp.zeros((16,), jnp.float32)

    def zero_body(i, carry):
        out_v[pl.ds(i * 16, 16)] = zeros16
        return carry
    lax.fori_loop(0, B_PER_W // 16, zero_body, 0)

    lane = lax.iota(jnp.int32, 16)
    row_of_lane = jnp.bitwise_and(lane, GROUP - 1)
    qblk = lax.shift_right_logical(lane, 1)

    def issue(phase, g):
        uvec = uidx_v[pl.ds(g * GROUP, 16)]
        ivec = iidx_v[pl.ds(g * GROUP, 16)]
        for l in range(GROUP):
            ua = pl.multiple_of(
                lax.shift_left(lax.shift_right_logical(uvec[l], 7), 7), 128)
            ia = pl.multiple_of(
                lax.shift_left(lax.shift_right_logical(ivec[l], 7), 7), 128)
            pltpu.async_copy(utT_hbm.at[:, pl.ds(ua, 128)],
                             uslab_v.at[phase, l], sems[phase][0])
            pltpu.async_copy(itT_hbm.at[:, pl.ds(ia, 128)],
                             islab_v.at[phase, l], sems[phase][1])

    def wait_phase(phase):
        for l in range(GROUP):
            pltpu.make_async_copy(utT_hbm.at[:, pl.ds(0, 128)],
                                  uslab_v.at[phase, l],
                                  sems[phase][0]).wait()
            pltpu.make_async_copy(itT_hbm.at[:, pl.ds(0, 128)],
                                  islab_v.at[phase, l],
                                  sems[phase][1]).wait()

    def compute(phase, g):
        wait_phase(phase)
        um16 = jnp.bitwise_and(
            plsc.load_gather(uidx_v, [g * GROUP + row_of_lane]), 127)
        im16 = jnp.bitwise_and(
            plsc.load_gather(iidx_v, [g * GROUP + row_of_lane]), 127)
        acc = jnp.zeros((16,), jnp.float32)
        for j in range(EMBED_DIM // 8):
            dv = lax.shift_left(qblk, 3) + j
            uu = plsc.load_gather(uslab_v.at[phase], [row_of_lane, dv, um16])
            ii = plsc.load_gather(islab_v.at[phase], [row_of_lane, dv, im16])
            acc = acc + uu * ii
        plsc.addupdate_scatter(out_v, [g * GROUP + row_of_lane], acc)

    def body(p, carry):
        for k in range(3):
            g = p * 3 + k
            compute(k, g)
            issue(k, jnp.minimum(g + 3, GROUPS - 1))
        return carry

    issue(0, 0)
    issue(1, 1)
    issue(2, 2)
    lax.fori_loop(0, (GROUPS - 1) // 3, body, 0)
    compute(0, GROUPS - 1)
    wait_phase(1)
    wait_phase(2)

    pltpu.sync_copy(out_v, out_hbm.at[pl.ds(base, B_PER_W)])


def kernel(inputs, user_table, item_table):
    user_ids = inputs[:, 0].astype(jnp.int32)
    item_ids = inputs[:, 1].astype(jnp.int32)
    return _dot_kernel(user_ids, item_ids, user_table.T, item_table.T)

# --- scband reference (transcript-rebuilt; emitter-appended) ---
"""Pipeline reference for scband-recommender-model-24386824306753 (READ-ONLY COPY).

The authoritative reference and input builder live on the scoring server;
editing this copy changes nothing except your own understanding.
"""

import jax, jax.numpy as jnp
import numpy as np

NUM_USERS = 1000000
NUM_ITEMS = 1000000
EMBED_DIM = 64
BATCH = 16384

def setup_inputs(seed: int = 0) -> dict:
    key = jax.random.key(seed)
    k1, k2, k3 = jax.random.split(key, 3)
    inputs = jax.random.randint(k1, (BATCH, 2), 0, NUM_USERS, dtype=jnp.int64) if jax.config.jax_enable_x64 else jax.random.randint(k1, (BATCH, 2), 0, NUM_USERS, dtype=jnp.int32)
    user_table = jax.random.normal(k2, (NUM_USERS, EMBED_DIM), dtype=jnp.float32) * 0.05
    item_table = jax.random.normal(k3, (NUM_ITEMS, EMBED_DIM), dtype=jnp.float32) * 0.05
    return {"inputs": inputs, "user_table": user_table, "item_table": item_table}

def reference(inputs, user_table, item_table):
    user_ids = inputs[:, 0]
    item_ids = inputs[:, 1]
    user_vector = jnp.take(user_table, user_ids, axis=0)
    item_vector = jnp.take(item_table, item_ids, axis=0)
    return jnp.sum(user_vector * item_vector, axis=1)

if __name__ == "__main__":
    import jax
    _d = setup_inputs()
    print(jax.jit(kernel)(*tuple(_d.values())))

</pallas_src>

<mosaic_0001>
#map = affine_map<(d0, d1) -> (0)>
#map1 = affine_map<(d0, d1) -> (0, 0)>
module attributes {stable_mosaic.version = 14 : i64} {
  func.func @_dot_kernel(%arg0: i32, %arg1: i32, %arg2: memref<16384xi32, #tpu.memory_space<hbm>>, %arg3: memref<16384xi32, #tpu.memory_space<hbm>>, %arg4: memref<64x1000000xf32, #tpu.memory_space<hbm>>, %arg5: memref<64x1000000xf32, #tpu.memory_space<hbm>>, %arg6: memref<16384xf32, #tpu.memory_space<hbm>>, %arg7: memref<528xi32, #tpu.memory_space<vmem>>, %arg8: memref<528xi32, #tpu.memory_space<vmem>>, %arg9: memref<3x2x64x128xf32, #tpu.memory_space<vmem>>, %arg10: memref<3x2x64x128xf32, #tpu.memory_space<vmem>>, %arg11: memref<512xf32, #tpu.memory_space<vmem>>, %arg12: memref<!tpu.dma_semaphore, #tpu.memory_space<semaphore_mem>>, %arg13: memref<!tpu.dma_semaphore, #tpu.memory_space<semaphore_mem>>, %arg14: memref<!tpu.dma_semaphore, #tpu.memory_space<semaphore_mem>>, %arg15: memref<!tpu.dma_semaphore, #tpu.memory_space<semaphore_mem>>, %arg16: memref<!tpu.dma_semaphore, #tpu.memory_space<semaphore_mem>>, %arg17: memref<!tpu.dma_semaphore, #tpu.memory_space<semaphore_mem>>) attributes {dimension_semantics = [#tpu.dimension_semantics<core_parallel>, #tpu.dimension_semantics<subcore_parallel>], iteration_bounds = array<i64: 2, 16>, scalar_prefetch = 0 : i64, scratch_operands = 11 : i64, tpu.core_type = #tpu.core_type<sc_vector_subcore>, window_params = [{transform_indices = #map}, {transform_indices = #map}, {transform_indices = #map1}, {transform_indices = #map1}, {transform_indices = #map}]} {
    %mul3A = arith.constant 2 : i32
    %mul3A_0 = arith.muli %arg1, %mul3A : i32
    %add3A = arith.addi %mul3A_0, %arg0 : i32
    %mul3A_1 = arith.constant 512 : i32
    %mul3A_2 = arith.muli %add3A, %mul3A_1 : i32
    "tpu.region"() ({
      %run_scoped3A = tpu.sem_alloc : memref<!tpu.dma_semaphore, #tpu.memory_space<semaphore_mem>>
      %dma_start3A_662 = arith.constant 0 : i32
      %dma_start3A_663 = tpu.memref_slice %arg7[%dma_start3A_662] : memref<528xi32, #tpu.memory_space<vmem>> -> memref<512xi32, #tpu.memory_space<vmem>>
      %dma_start3A_664 = tpu.memref_slice %arg2[%mul3A_2] : memref<16384xi32, #tpu.memory_space<hbm>> -> memref<512xi32, #tpu.memory_space<hbm>>
      %dma_start3A_665 = arith.constant 0 : i32
      %dma_start3A_666 = tpu.memref_slice %arg7[%dma_start3A_665] : memref<528xi32, #tpu.memory_space<vmem>> -> memref<512xi32, #tpu.memory_space<vmem>>
      %dma_start3A_667 = tpu.memref_slice %arg2[%mul3A_2] : memref<16384xi32, #tpu.memory_space<hbm>> -> memref<512xi32, #tpu.memory_space<hbm>>
      tpu.enqueue_dma source(%dma_start3A_667 : memref<512xi32, #tpu.memory_space<hbm>>) target(%dma_start3A_666 : memref<512xi32, #tpu.memory_space<vmem>>) target_semaphore(%run_scoped3A : memref<!tpu.dma_semaphore, #tpu.memory_space<semaphore_mem>>)
      %dma_wait3A_668 = arith.constant 0 : i32
      %dma_wait3A_669 = tpu.memref_slice %arg7[%dma_wait3A_668] : memref<528xi32, #tpu.memory_space<vmem>> -> memref<512xi32, #tpu.memory_space<vmem>>
      %dma_wait3A_670 = tpu.memref_slice %arg2[%mul3A_2] : memref<16384xi32, #tpu.memory_space<hbm>> -> memref<512xi32, #tpu.memory_space<hbm>>
      %dma_wait3A_671 = arith.constant 0 : i32
      %dma_wait3A_672 = tpu.memref_slice %arg7[%dma_wait3A_671] : memref<528xi32, #tpu.memory_space<vmem>> -> memref<512xi32, #tpu.memory_space<vmem>>
      %dma_wait3A_673 = tpu.memref_slice %arg2[%mul3A_2] : memref<16384xi32, #tpu.memory_space<hbm>> -> memref<512xi32, #tpu.memory_space<hbm>>
      tpu.wait_dma2 semaphore(%run_scoped3A : memref<!tpu.dma_semaphore, #tpu.memory_space<semaphore_mem>>) src(%dma_wait3A_673 : memref<512xi32, #tpu.memory_space<hbm>>) dst(%dma_wait3A_672 : memref<512xi32, #tpu.memory_space<vmem>>)
      tpu.yield
    }) : () -> ()
    "tpu.region"() ({
      %run_scoped3A = tpu.sem_alloc : memref<!tpu.dma_semaphore, #tpu.memory_space<semaphore_mem>>
      %dma_start3A_662 = arith.constant 0 : i32
      %dma_start3A_663 = tpu.memref_slice %arg8[%dma_start3A_662] : memref<528xi32, #tpu.memory_space<vmem>> -> memref<512xi32, #tpu.memory_space<vmem>>
      %dma_start3A_664 = tpu.memref_slice %arg3[%mul3A_2] : memref<16384xi32, #tpu.memory_space<hbm>> -> memref<512xi32, #tpu.memory_space<hbm>>
      %dma_start3A_665 = arith.constant 0 : i32
      %dma_start3A_666 = tpu.memref_slice %arg8[%dma_start3A_665] : memref<528xi32, #tpu.memory_space<vmem>> -> memref<512xi32, #tpu.memory_space<vmem>>
      %dma_start3A_667 = tpu.memref_slice %arg3[%mul3A_2] : memref<16384xi32, #tpu.memory_space<hbm>> -> memref<512xi32, #tpu.memory_space<hbm>>
      tpu.enqueue_dma source(%dma_start3A_667 : memref<512xi32, #tpu.memory_space<hbm>>) target(%dma_start3A_666 : memref<512xi32, #tpu.memory_space<vmem>>) target_semaphore(%run_scoped3A : memref<!tpu.dma_semaphore, #tpu.memory_space<semaphore_mem>>)
      %dma_wait3A_668 = arith.constant 0 : i32
      %dma_wait3A_669 = tpu.memref_slice %arg8[%dma_wait3A_668] : memref<528xi32, #tpu.memory_space<vmem>> -> memref<512xi32, #tpu.memory_space<vmem>>
      %dma_wait3A_670 = tpu.memref_slice %arg3[%mul3A_2] : memref<16384xi32, #tpu.memory_space<hbm>> -> memref<512xi32, #tpu.memory_space<hbm>>
      %dma_wait3A_671 = arith.constant 0 : i32
      %dma_wait3A_672 = tpu.memref_slice %arg8[%dma_wait3A_671] : memref<528xi32, #tpu.memory_space<vmem>> -> memref<512xi32, #tpu.memory_space<vmem>>
      %dma_wait3A_673 = tpu.memref_slice %arg3[%mul3A_2] : memref<16384xi32, #tpu.memory_space<hbm>> -> memref<512xi32, #tpu.memory_space<hbm>>
      tpu.wait_dma2 semaphore(%run_scoped3A : memref<!tpu.dma_semaphore, #tpu.memory_space<semaphore_mem>>) src(%dma_wait3A_673 : memref<512xi32, #tpu.memory_space<hbm>>) dst(%dma_wait3A_672 : memref<512xi32, #tpu.memory_space<vmem>>)
      tpu.yield
    }) : () -> ()
    %broadcast_in_dim3A = arith.constant 0.000000e+00 : f32
    %broadcast_in_dim3A_3 = vector.broadcast %broadcast_in_dim3A : f32 to vector<16xf32>
    %scan3A = arith.constant 0 : i32
    %scan3A_4 = arith.constant 0 : i32
    %scan3A_5 = arith.constant 32 : i32
    %scan3A_6 = arith.addi %scan3A_4, %scan3A_5 : i32
    %scan3A_7 = arith.constant 1 : i32
    scf.for %scan3A_662 = %scan3A_4 to %scan3A_6 step %scan3A_7  : i32 {
      %mul3A_663 = arith.constant 16 : i32
      %mul3A_664 = arith.muli %scan3A_662, %mul3A_663 : i32
      %swap3A = arith.index_cast %mul3A_664 : i32 to index
      %swap3A_665 = tpu.vector_load %arg11[%swap3A] {strides = array<i32>} : memref<512xf32, #tpu.memory_space<vmem>>, vector<16xf32>,
      tpu.vector_store %arg11[%swap3A], %broadcast_in_dim3A_3 {strides = array<i32>} : memref<512xf32, #tpu.memory_space<vmem>>, vector<16xf32>,
    }
    %scan3A_8 = arith.constant 32 : i32
    %iota3A = tpu.iota {dimensions = array<i32: 0>} : vector<16xi32>
    %and3A = arith.constant 1 : i32
    %and3A_9 = vector.broadcast %and3A : i32 to vector<16xi32>
    %and3A_10 = arith.andi %iota3A, %and3A_9 : vector<16xi32>
    %shift_right_logical3A = arith.constant 1 : i32
    %shift_right_logical3A_11 = vector.broadcast %shift_right_logical3A : i32 to vector<16xi32>
    %shift_right_logical3A_12 = arith.shrui %iota3A, %shift_right_logical3A_11 : vector<16xi32>
    %get3A = arith.constant 0 : index
    %get3A_13 = tpu.vector_load %arg7[%get3A] {strides = array<i32>} : memref<528xi32, #tpu.memory_space<vmem>>, vector<16xi32>,
    %get3A_14 = arith.constant 0 : index
    %get3A_15 = tpu.vector_load %arg8[%get3A_14] {strides = array<i32>} : memref<528xi32, #tpu.memory_space<vmem>>, vector<16xi32>,
    %slice3A = vector.extract_strided_slice %get3A_13 {offsets = [0], sizes = [1], strides = [1]} : vector<16xi32> to vector<1xi32>
    %squeeze3A = vector.extract %slice3A[0] : i32 from vector<1xi32>
    %shift_right_logical3A_16 = arith.constant 7 : i32
    %shift_right_logical3A_17 = arith.shrui %squeeze3A, %shift_right_logical3A_16 : i32
    %shift_left3A = arith.constant 7 : i32
    %shift_left3A_18 = arith.shli %shift_right_logical3A_17, %shift_left3A : i32
    %multiple_of3A = tpu.assume_multiple %shift_left3A_18, 128 : i32
    %slice3A_19 = vector.extract_strided_slice %get3A_15 {offsets = [0], sizes = [1], strides = [1]} : vector<16xi32> to vector<1xi32>
    %squeeze3A_20 = vector.extract %slice3A_19[0] : i32 from vector<1xi32>
    %shift_right_logical3A_21 = arith.constant 7 : i32
    %shift_right_logical3A_22 = arith.shrui %squeeze3A_20, %shift_right_logical3A_21 : i32
    %shift_left3A_23 = arith.constant 7 : i32
    %shift_left3A_24 = arith.shli %shift_right_logical3A_22, %shift_left3A_23 : i32
    %multiple_of3A_25 = tpu.assume_multiple %shift_left3A_24, 128 : i32
    %dma_start3A = arith.constant 0 : i32
    %dma_start3A_26 = arith.constant 0 : i32
    %dma_start3A_27 = arith.constant 0 : i32
    %dma_start3A_28 = arith.constant 0 : i32
    %dma_start3A_29 = tpu.memref_slice %arg9[%dma_start3A, %dma_start3A_26, %dma_start3A_27, %dma_start3A_28] : memref<3x2x64x128xf32, #tpu.memory_space<vmem>> -> memref<1x1x64x128xf32, #tpu.memory_space<vmem>>
    %dma_start3A_30 = tpu.memref_squeeze %dma_start3A_29 : memref<1x1x64x128xf32, #tpu.memory_space<vmem>> -> memref<64x128xf32, #tpu.memory_space<vmem>>
    %dma_start3A_31 = arith.constant 0 : i32
    %dma_start3A_32 = tpu.memref_slice %arg4[%dma_start3A_31, %multiple_of3A] : memref<64x1000000xf32, #tpu.memory_space<hbm>> -> memref<64x128xf32, #tpu.memory_space<hbm>>
    %dma_start3A_33 = arith.constant 0 : i32
    %dma_start3A_34 = arith.constant 0 : i32
    %dma_start3A_35 = tpu.memref_slice %arg9[%dma_start3A, %dma_start3A_26, %dma_start3A_33, %dma_start3A_34] : memref<3x2x64x128xf32, #tpu.memory_space<vmem>> -> memref<1x1x64x128xf32, #tpu.memory_space<vmem>>
    %dma_start3A_36 = tpu.memref_squeeze %dma_start3A_35 : memref<1x1x64x128xf32, #tpu.memory_space<vmem>> -> memref<64x128xf32, #tpu.memory_space<vmem>>
    %dma_start3A_37 = arith.constant 0 : i32
    %dma_start3A_38 = tpu.memref_slice %arg4[%dma_start3A_37, %multiple_of3A] : memref<64x1000000xf32, #tpu.memory_space<hbm>> -> memref<64x128xf32, #tpu.memory_space<hbm>>
    tpu.enqueue_dma source(%dma_start3A_38 : memref<64x128xf32, #tpu.memory_space<hbm>>) target(%dma_start3A_36 : memref<64x128xf32, #tpu.memory_space<vmem>>) target_semaphore(%arg12 : memref<!tpu.dma_semaphore, #tpu.memory_space<semaphore_mem>>)
    %dma_start3A_39 = arith.constant 0 : i32
    %dma_start3A_40 = arith.constant 0 : i32
    %dma_start3A_41 = arith.constant 0 : i32
    %dma_start3A_42 = arith.constant 0 : i32
    %dma_start3A_43 = tpu.memref_slice %arg10[%dma_start3A_39, %dma_start3A_40, %dma_start3A_41, %dma_start3A_42] : memref<3x2x64x128xf32, #tpu.memory_space<vmem>> -> memref<1x1x64x128xf32, #tpu.memory_space<vmem>>
    %dma_start3A_44 = tpu.memref_squeeze %dma_start3A_43 : memref<1x1x64x128xf32, #tpu.memory_space<vmem>> -> memref<64x128xf32, #tpu.memory_space<vmem>>
    %dma_start3A_45 = arith.constant 0 : i32
    %dma_start3A_46 = tpu.memref_slice %arg5[%dma_start3A_45, %multiple_of3A_25] : memref<64x1000000xf32, #tpu.memory_space<hbm>> -> memref<64x128xf32, #tpu.memory_space<hbm>>
    %dma_start3A_47 = arith.constant 0 : i32
    %dma_start3A_48 = arith.constant 0 : i32
    %dma_start3A_49 = tpu.memref_slice %arg10[%dma_start3A_39, %dma_start3A_40, %dma_start3A_47, %dma_start3A_48] : memref<3x2x64x128xf32, #tpu.memory_space<vmem>> -> memref<1x1x64x128xf32, #tpu.memory_space<vmem>>
    %dma_start3A_50 = tpu.memref_squeeze %dma_start3A_49 : memref<1x1x64x128xf32, #tpu.memory_space<vmem>> -> memref<64x128xf32, #tpu.memory_space<vmem>>
    %dma_start3A_51 = arith.constant 0 : i32
    %dma_start3A_52 = tpu.memref_slice %arg5[%dma_start3A_51, %multiple_of3A_25] : memref<64x1000000xf32, #tpu.memory_space<hbm>> -> memref<64x128xf32, #tpu.memory_space<hbm>>
    tpu.enqueue_dma source(%dma_start3A_52 : memref<64x128xf32, #tpu.memory_space<hbm>>) target(%dma_start3A_50 : memref<64x128xf32, #tpu.memory_space<vmem>>) target_semaphore(%arg13 : memref<!tpu.dma_semaphore, #tpu.memory_space<semaphore_mem>>)
    %slice3A_53 = vector.extract_strided_slice %get3A_13 {offsets = [1], sizes = [1], strides = [1]} : vector<16xi32> to vector<1xi32>
    %squeeze3A_54 = vector.extract %slice3A_53[0] : i32 from vector<1xi32>
    %shift_right_logical3A_55 = arith.constant 7 : i32
    %shift_right_logical3A_56 = arith.shrui %squeeze3A_54, %shift_right_logical3A_55 : i32
    %shift_left3A_57 = arith.constant 7 : i32
    %shift_left3A_58 = arith.shli %shift_right_logical3A_56, %shift_left3A_57 : i32
    %multiple_of3A_59 = tpu.assume_multiple %shift_left3A_58, 128 : i32
    %slice3A_60 = vector.extract_strided_slice %get3A_15 {offsets = [1], sizes = [1], strides = [1]} : vector<16xi32> to vector<1xi32>
    %squeeze3A_61 = vector.extract %slice3A_60[0] : i32 from vector<1xi32>
    %shift_right_logical3A_62 = arith.constant 7 : i32
    %shift_right_logical3A_63 = arith.shrui %squeeze3A_61, %shift_right_logical3A_62 : i32
    %shift_left3A_64 = arith.constant 7 : i32
    %shift_left3A_65 = arith.shli %shift_right_logical3A_63, %shift_left3A_64 : i32
    %multiple_of3A_66 = tpu.assume_multiple %shift_left3A_65, 128 : i32
    %dma_start3A_67 = arith.constant 0 : i32
    %dma_start3A_68 = arith.constant 1 : i32
    %dma_start3A_69 = arith.constant 0 : i32
    %dma_start3A_70 = arith.constant 0 : i32
    %dma_start3A_71 = tpu.memref_slice %arg9[%dma_start3A_67, %dma_start3A_68, %dma_start3A_69, %dma_start3A_70] : memref<3x2x64x128xf32, #tpu.memory_space<vmem>> -> memref<1x1x64x128xf32, #tpu.memory_space<vmem>>
    %dma_start3A_72 = tpu.memref_squeeze %dma_start3A_71 : memref<1x1x64x128xf32, #tpu.memory_space<vmem>> -> memref<64x128xf32, #tpu.memory_space<vmem>>
    %dma_start3A_73 = arith.constant 0 : i32
    %dma_start3A_74 = tpu.memref_slice %arg4[%dma_start3A_73, %multiple_of3A_59] : memref<64x1000000xf32, #tpu.memory_space<hbm>> -> memref<64x128xf32, #tpu.memory_space<hbm>>
    %dma_start3A_75 = arith.constant 0 : i32
    %dma_start3A_76 = arith.constant 0 : i32
    %dma_start3A_77 = tpu.memref_slice %arg9[%dma_start3A_67, %dma_start3A_68, %dma_start3A_75, %dma_start3A_76] : memref<3x2x64x128xf32, #tpu.memory_space<vmem>> -> memref<1x1x64x128xf32, #tpu.memory_space<vmem>>
    %dma_start3A_78 = tpu.memref_squeeze %dma_start3A_77 : memref<1x1x64x128xf32, #tpu.memory_space<vmem>> -> memref<64x128xf32, #tpu.memory_space<vmem>>
    %dma_start3A_79 = arith.constant 0 : i32
    %dma_start3A_80 = tpu.memref_slice %arg4[%dma_start3A_79, %multiple_of3A_59] : memref<64x1000000xf32, #tpu.memory_space<hbm>> -> memref<64x128xf32, #tpu.memory_space<hbm>>
    tpu.enqueue_dma source(%dma_start3A_80 : memref<64x128xf32, #tpu.memory_space<hbm>>) target(%dma_start3A_78 : memref<64x128xf32, #tpu.memory_space<vmem>>) target_semaphore(%arg12 : memref<!tpu.dma_semaphore, #tpu.memory_space<semaphore_mem>>)
    %dma_start3A_81 = arith.constant 0 : i32
    %dma_start3A_82 = arith.constant 1 : i32
    %dma_start3A_83 = arith.constant 0 : i32
    %dma_start3A_84 = arith.constant 0 : i32
    %dma_start3A_85 = tpu.memref_slice %arg10[%dma_start3A_81, %dma_start3A_82, %dma_start3A_83, %dma_start3A_84] : memref<3x2x64x128xf32, #tpu.memory_space<vmem>> -> memref<1x1x64x128xf32, #tpu.memory_space<vmem>>
    %dma_start3A_86 = tpu.memref_squeeze %dma_start3A_85 : memref<1x1x64x128xf32, #tpu.memory_space<vmem>> -> memref<64x128xf32, #tpu.memory_space<vmem>>
    %dma_start3A_87 = arith.constant 0 : i32
    %dma_start3A_88 = tpu.memref_slice %arg5[%dma_start3A_87, %multiple_of3A_66] : memref<64x1000000xf32, #tpu.memory_space<hbm>> -> memref<64x128xf32, #tpu.memory_space<hbm>>
    %dma_start3A_89 = arith.constant 0 : i32
    %dma_start3A_90 = arith.constant 0 : i32
    %dma_start3A_91 = tpu.memref_slice %arg10[%dma_start3A_81, %dma_start3A_82, %dma_start3A_89, %dma_start3A_90] : memref<3x2x64x128xf32, #tpu.memory_space<vmem>> -> memref<1x1x64x128xf32, #tpu.memory_space<vmem>>
    %dma_start3A_92 = tpu.memref_squeeze %dma_start3A_91 : memref<1x1x64x128xf32, #tpu.memory_space<vmem>> -> memref<64x128xf32, #tpu.memory_space<vmem>>
    %dma_start3A_93 = arith.constant 0 : i32
    %dma_start3A_94 = tpu.memref_slice %arg5[%dma_start3A_93, %multiple_of3A_66] : memref<64x1000000xf32, #tpu.memory_space<hbm>> -> memref<64x128xf32, #tpu.memory_space<hbm>>
    tpu.enqueue_dma source(%dma_start3A_94 : memref<64x128xf32, #tpu.memory_space<hbm>>) target(%dma_start3A_92 : memref<64x128xf32, #tpu.memory_space<vmem>>) target_semaphore(%arg13 : memref<!tpu.dma_semaphore, #tpu.memory_space<semaphore_mem>>)
    %get3A_95 = arith.constant 2 : index
    %get3A_96 = tpu.vector_load %arg7[%get3A_95] {strides = array<i32>} : memref<528xi32, #tpu.memory_space<vmem>>, vector<16xi32>,
    %get3A_97 = arith.constant 2 : index
    %get3A_98 = tpu.vector_load %arg8[%get3A_97] {strides = array<i32>} : memref<528xi32, #tpu.memory_space<vmem>>, vector<16xi32>,
    %slice3A_99 = vector.extract_strided_slice %get3A_96 {offsets = [0], sizes = [1], strides = [1]} : vector<16xi32> to vector<1xi32>
    %squeeze3A_100 = vector.extract %slice3A_99[0] : i32 from vector<1xi32>
    %shift_right_logical3A_101 = arith.constant 7 : i32
    %shift_right_logical3A_102 = arith.shrui %squeeze3A_100, %shift_right_logical3A_101 : i32
    %shift_left3A_103 = arith.constant 7 : i32
    %shift_left3A_104 = arith.shli %shift_right_logical3A_102, %shift_left3A_103 : i32
    %multiple_of3A_105 = tpu.assume_multiple %shift_left3A_104, 128 : i32
    %slice3A_106 = vector.extract_strided_slice %get3A_98 {offsets = [0], sizes = [1], strides = [1]} : vector<16xi32> to vector<1xi32>
    %squeeze3A_107 = vector.extract %slice3A_106[0] : i32 from vector<1xi32>
    %shift_right_logical3A_108 = arith.constant 7 : i32
    %shift_right_logical3A_109 = arith.shrui %squeeze3A_107, %shift_right_logical3A_108 : i32
    %shift_left3A_110 = arith.constant 7 : i32
    %shift_left3A_111 = arith.shli %shift_right_logical3A_109, %shift_left3A_110 : i32
    %multiple_of3A_112 = tpu.assume_multiple %shift_left3A_111, 128 : i32
    %dma_start3A_113 = arith.constant 1 : i32
    %dma_start3A_114 = arith.constant 0 : i32
    %dma_start3A_115 = arith.constant 0 : i32
    %dma_start3A_116 = arith.constant 0 : i32
    %dma_start3A_117 = tpu.memref_slice %arg9[%dma_start3A_113, %dma_start3A_114, %dma_start3A_115, %dma_start3A_116] : memref<3x2x64x128xf32, #tpu.memory_space<vmem>> -> memref<1x1x64x128xf32, #tpu.memory_space<vmem>>
    %dma_start3A_118 = tpu.memref_squeeze %dma_start3A_117 : memref<1x1x64x128xf32, #tpu.memory_space<vmem>> -> memref<64x128xf32, #tpu.memory_space<vmem>>
    %dma_start3A_119 = arith.constant 0 : i32
    %dma_start3A_120 = tpu.memref_slice %arg4[%dma_start3A_119, %multiple_of3A_105] : memref<64x1000000xf32, #tpu.memory_space<hbm>> -> memref<64x128xf32, #tpu.memory_space<hbm>>
    %dma_start3A_121 = arith.constant 0 : i32
    %dma_start3A_122 = arith.constant 0 : i32
    %dma_start3A_123 = tpu.memref_slice %arg9[%dma_start3A_113, %dma_start3A_114, %dma_start3A_121, %dma_start3A_122] : memref<3x2x64x128xf32, #tpu.memory_space<vmem>> -> memref<1x1x64x128xf32, #tpu.memory_space<vmem>>
    %dma_start3A_124 = tpu.memref_squeeze %dma_start3A_123 : memref<1x1x64x128xf32, #tpu.memory_space<vmem>> -> memref<64x128xf32, #tpu.memory_space<vmem>>
    %dma_start3A_125 = arith.constant 0 : i32
    %dma_start3A_126 = tpu.memref_slice %arg4[%dma_start3A_125, %multiple_of3A_105] : memref<64x1000000xf32, #tpu.memory_space<hbm>> -> memref<64x128xf32, #tpu.memory_space<hbm>>
    tpu.enqueue_dma source(%dma_start3A_126 : memref<64x128xf32, #tpu.memory_space<hbm>>) target(%dma_start3A_124 : memref<64x128xf32, #tpu.memory_space<vmem>>) target_semaphore(%arg14 : memref<!tpu.dma_semaphore, #tpu.memory_space<semaphore_mem>>)
    %dma_start3A_127 = arith.constant 1 : i32
    %dma_start3A_128 = arith.constant 0 : i32
    %dma_start3A_129 = arith.constant 0 : i32
    %dma_start3A_130 = arith.constant 0 : i32
    %dma_start3A_131 = tpu.memref_slice %arg10[%dma_start3A_127, %dma_start3A_128, %dma_start3A_129, %dma_start3A_130] : memref<3x2x64x128xf32, #tpu.memory_space<vmem>> -> memref<1x1x64x128xf32, #tpu.memory_space<vmem>>
    %dma_start3A_132 = tpu.memref_squeeze %dma_start3A_131 : memref<1x1x64x128xf32, #tpu.memory_space<vmem>> -> memref<64x128xf32, #tpu.memory_space<vmem>>
    %dma_start3A_133 = arith.constant 0 : i32
    %dma_start3A_134 = tpu.memref_slice %arg5[%dma_start3A_133, %multiple_of3A_112] : memref<64x1000000xf32, #tpu.memory_space<hbm>> -> memref<64x128xf32, #tpu.memory_space<hbm>>
    %dma_start3A_135 = arith.constant 0 : i32
    %dma_start3A_136 = arith.constant 0 : i32
    %dma_start3A_137 = tpu.memref_slice %arg10[%dma_start3A_127, %dma_start3A_128, %dma_start3A_135, %dma_start3A_136] : memref<3x2x64x128xf32, #tpu.memory_space<vmem>> -> memref<1x1x64x128xf32, #tpu.memory_space<vmem>>
    %dma_start3A_138 = tpu.memref_squeeze %dma_start3A_137 : memref<1x1x64x128xf32, #tpu.memory_space<vmem>> -> memref<64x128xf32, #tpu.memory_space<vmem>>
    %dma_start3A_139 = arith.constant 0 : i32
    %dma_start3A_140 = tpu.memref_slice %arg5[%dma_start3A_139, %multiple_of3A_112] : memref<64x1000000xf32, #tpu.memory_space<hbm>> -> memref<64x128xf32, #tpu.memory_space<hbm>>
    tpu.enqueue_dma source(%dma_start3A_140 : memref<64x128xf32, #tpu.memory_space<hbm>>) target(%dma_start3A_138 : memref<64x128xf32, #tpu.memory_space<vmem>>) target_semaphore(%arg15 : memref<!tpu.dma_semaphore, #tpu.memory_space<semaphore_mem>>)
    %slice3A_141 = vector.extract_strided_slice %get3A_96 {offsets = [1], sizes = [1], strides = [1]} : vector<16xi32> to vector<1xi32>
    %squeeze3A_142 = vector.extract %slice3A_141[0] : i32 from vector<1xi32>
    %shift_right_logical3A_143 = arith.constant 7 : i32
    %shift_right_logical3A_144 = arith.shrui %squeeze3A_142, %shift_right_logical3A_143 : i32
    %shift_left3A_145 = arith.constant 7 : i32
    %shift_left3A_146 = arith.shli %shift_right_logical3A_144, %shift_left3A_145 : i32
    %multiple_of3A_147 = tpu.assume_multiple %shift_left3A_146, 128 : i32
    %slice3A_148 = vector.extract_strided_slice %get3A_98 {offsets = [1], sizes = [1], strides = [1]} : vector<16xi32> to vector<1xi32>
    %squeeze3A_149 = vector.extract %slice3A_148[0] : i32 from vector<1xi32>
    %shift_right_logical3A_150 = arith.constant 7 : i32
    %shift_right_logical3A_151 = arith.shrui %squeeze3A_149, %shift_right_logical3A_150 : i32
    %shift_left3A_152 = arith.constant 7 : i32
    %shift_left3A_153 = arith.shli %shift_right_logical3A_151, %shift_left3A_152 : i32
    %multiple_of3A_154 = tpu.assume_multiple %shift_left3A_153, 128 : i32
    %dma_start3A_155 = arith.constant 1 : i32
    %dma_start3A_156 = arith.constant 1 : i32
    %dma_start3A_157 = arith.constant 0 : i32
    %dma_start3A_158 = arith.constant 0 : i32
    %dma_start3A_159 = tpu.memref_slice %arg9[%dma_start3A_155, %dma_start3A_156, %dma_start3A_157, %dma_start3A_158] : memref<3x2x64x128xf32, #tpu.memory_space<vmem>> -> memref<1x1x64x128xf32, #tpu.memory_space<vmem>>
    %dma_start3A_160 = tpu.memref_squeeze %dma_start3A_159 : memref<1x1x64x128xf32, #tpu.memory_space<vmem>> -> memref<64x128xf32, #tpu.memory_space<vmem>>
    %dma_start3A_161 = arith.constant 0 : i32
    %dma_start3A_162 = tpu.memref_slice %arg4[%dma_start3A_161, %multiple_of3A_147] : memref<64x1000000xf32, #tpu.memory_space<hbm>> -> memref<64x128xf32, #tpu.memory_space<hbm>>
    %dma_start3A_163 = arith.constant 0 : i32
    %dma_start3A_164 = arith.constant 0 : i32
    %dma_start3A_165 = tpu.memref_slice %arg9[%dma_start3A_155, %dma_start3A_156, %dma_start3A_163, %dma_start3A_164] : memref<3x2x64x128xf32, #tpu.memory_space<vmem>> -> memref<1x1x64x128xf32, #tpu.memory_space<vmem>>
    %dma_start3A_166 = tpu.memref_squeeze %dma_start3A_165 : memref<1x1x64x128xf32, #tpu.memory_space<vmem>> -> memref<64x128xf32, #tpu.memory_space<vmem>>
    %dma_start3A_167 = arith.constant 0 : i32
    %dma_start3A_168 = tpu.memref_slice %arg4[%dma_start3A_167, %multiple_of3A_147] : memref<64x1000000xf32, #tpu.memory_space<hbm>> -> memref<64x128xf32, #tpu.memory_space<hbm>>
    tpu.enqueue_dma source(%dma_start3A_168 : memref<64x128xf32, #tpu.memory_space<hbm>>) target(%dma_start3A_166 : memref<64x128xf32, #tpu.memory_space<vmem>>) target_semaphore(%arg14 : memref<!tpu.dma_semaphore, #tpu.memory_space<semaphore_mem>>)
    %dma_start3A_169 = arith.constant 1 : i32
    %dma_start3A_170 = arith.constant 1 : i32
    %dma_start3A_171 = arith.constant 0 : i32
    %dma_start3A_172 = arith.constant 0 : i32
    %dma_start3A_173 = tpu.memref_slice %arg10[%dma_start3A_169, %dma_start3A_170, %dma_start3A_171, %dma_start3A_172] : memref<3x2x64x128xf32, #tpu.memory_space<vmem>> -> memref<1x1x64x128xf32, #tpu.memory_space<vmem>>
    %dma_start3A_174 = tpu.memref_squeeze %dma_start3A_173 : memref<1x1x64x128xf32, #tpu.memory_space<vmem>> -> memref<64x128xf32, #tpu.memory_space<vmem>>
    %dma_start3A_175 = arith.constant 0 : i32
    %dma_start3A_176 = tpu.memref_slice %arg5[%dma_start3A_175, %multiple_of3A_154] : memref<64x1000000xf32, #tpu.memory_space<hbm>> -> memref<64x128xf32, #tpu.memory_space<hbm>>
    %dma_start3A_177 = arith.constant 0 : i32
    %dma_start3A_178 = arith.constant 0 : i32
    %dma_start3A_179 = tpu.memref_slice %arg10[%dma_start3A_169, %dma_start3A_170, %dma_start3A_177, %dma_start3A_178] : memref<3x2x64x128xf32, #tpu.memory_space<vmem>> -> memref<1x1x64x128xf32, #tpu.memory_space<vmem>>
    %dma_start3A_180 = tpu.memref_squeeze %dma_start3A_179 : memref<1x1x64x128xf32, #tpu.memory_space<vmem>> -> memref<64x128xf32, #tpu.memory_space<vmem>>
    %dma_start3A_181 = arith.constant 0 : i32
    %dma_start3A_182 = tpu.memref_slice %arg5[%dma_start3A_181, %multiple_of3A_154] : memref<64x1000000xf32, #tpu.memory_space<hbm>> -> memref<64x128xf32, #tpu.memory_space<hbm>>
    tpu.enqueue_dma source(%dma_start3A_182 : memref<64x128xf32, #tpu.memory_space<hbm>>) target(%dma_start3A_180 : memref<64x128xf32, #tpu.memory_space<vmem>>) target_semaphore(%arg15 : memref<!tpu.dma_semaphore, #tpu.memory_space<semaphore_mem>>)
    %get3A_183 = arith.constant 4 : index
    %get3A_184 = tpu.vector_load %arg7[%get3A_183] {strides = array<i32>} : memref<528xi32, #tpu.memory_space<vmem>>, vector<16xi32>,
    %get3A_185 = arith.constant 4 : index
    %get3A_186 = tpu.vector_load %arg8[%get3A_185] {strides = array<i32>} : memref<528xi32, #tpu.memory_space<vmem>>, vector<16xi32>,
    %slice3A_187 = vector.extract_strided_slice %get3A_184 {offsets = [0], sizes = [1], strides = [1]} : vector<16xi32> to vector<1xi32>
    %squeeze3A_188 = vector.extract %slice3A_187[0] : i32 from vector<1xi32>
    %shift_right_logical3A_189 = arith.constant 7 : i32
    %shift_right_logical3A_190 = arith.shrui %squeeze3A_188, %shift_right_logical3A_189 : i32
    %shift_left3A_191 = arith.constant 7 : i32
    %shift_left3A_192 = arith.shli %shift_right_logical3A_190, %shift_left3A_191 : i32
    %multiple_of3A_193 = tpu.assume_multiple %shift_left3A_192, 128 : i32
    %slice3A_194 = vector.extract_strided_slice %get3A_186 {offsets = [0], sizes = [1], strides = [1]} : vector<16xi32> to vector<1xi32>
    %squeeze3A_195 = vector.extract %slice3A_194[0] : i32 from vector<1xi32>
    %shift_right_logical3A_196 = arith.constant 7 : i32
    %shift_right_logical3A_197 = arith.shrui %squeeze3A_195, %shift_right_logical3A_196 : i32
    %shift_left3A_198 = arith.constant 7 : i32
    %shift_left3A_199 = arith.shli %shift_right_logical3A_197, %shift_left3A_198 : i32
    %multiple_of3A_200 = tpu.assume_multiple %shift_left3A_199, 128 : i32
    %dma_start3A_201 = arith.constant 2 : i32
    %dma_start3A_202 = arith.constant 0 : i32
    %dma_start3A_203 = arith.constant 0 : i32
    %dma_start3A_204 = arith.constant 0 : i32
    %dma_start3A_205 = tpu.memref_slice %arg9[%dma_start3A_201, %dma_start3A_202, %dma_start3A_203, %dma_start3A_204] : memref<3x2x64x128xf32, #tpu.memory_space<vmem>> -> memref<1x1x64x128xf32, #tpu.memory_space<vmem>>
    %dma_start3A_206 = tpu.memref_squeeze %dma_start3A_205 : memref<1x1x64x128xf32, #tpu.memory_space<vmem>> -> memref<64x128xf32, #tpu.memory_space<vmem>>
    %dma_start3A_207 = arith.constant 0 : i32
    %dma_start3A_208 = tpu.memref_slice %arg4[%dma_start3A_207, %multiple_of3A_193] : memref<64x1000000xf32, #tpu.memory_space<hbm>> -> memref<64x128xf32, #tpu.memory_space<hbm>>
    %dma_start3A_209 = arith.constant 0 : i32
    %dma_start3A_210 = arith.constant 0 : i32
    %dma_start3A_211 = tpu.memref_slice %arg9[%dma_start3A_201, %dma_start3A_202, %dma_start3A_209, %dma_start3A_210] : memref<3x2x64x128xf32, #tpu.memory_space<vmem>> -> memref<1x1x64x128xf32, #tpu.memory_space<vmem>>
    %dma_start3A_212 = tpu.memref_squeeze %dma_start3A_211 : memref<1x1x64x128xf32, #tpu.memory_space<vmem>> -> memref<64x128xf32, #tpu.memory_space<vmem>>
    %dma_start3A_213 = arith.constant 0 : i32
    %dma_start3A_214 = tpu.memref_slice %arg4[%dma_start3A_213, %multiple_of3A_193] : memref<64x1000000xf32, #tpu.memory_space<hbm>> -> memref<64x128xf32, #tpu.memory_space<hbm>>
    tpu.enqueue_dma source(%dma_start3A_214 : memref<64x128xf32, #tpu.memory_space<hbm>>) target(%dma_start3A_212 : memref<64x128xf32, #tpu.memory_space<vmem>>) target_semaphore(%arg16 : memref<!tpu.dma_semaphore, #tpu.memory_space<semaphore_mem>>)
    %dma_start3A_215 = arith.constant 2 : i32
    %dma_start3A_216 = arith.constant 0 : i32
    %dma_start3A_217 = arith.constant 0 : i32
    %dma_start3A_218 = arith.constant 0 : i32
    %dma_start3A_219 = tpu.memref_slice %arg10[%dma_start3A_215, %dma_start3A_216, %dma_start3A_217, %dma_start3A_218] : memref<3x2x64x128xf32, #tpu.memory_space<vmem>> -> memref<1x1x64x128xf32, #tpu.memory_space<vmem>>
    %dma_start3A_220 = tpu.memref_squeeze %dma_start3A_219 : memref<1x1x64x128xf32, #tpu.memory_space<vmem>> -> memref<64x128xf32, #tpu.memory_space<vmem>>
    %dma_start3A_221 = arith.constant 0 : i32
    %dma_start3A_222 = tpu.memref_slice %arg5[%dma_start3A_221, %multiple_of3A_200] : memref<64x1000000xf32, #tpu.memory_space<hbm>> -> memref<64x128xf32, #tpu.memory_space<hbm>>
    %dma_start3A_223 = arith.constant 0 : i32
    %dma_start3A_224 = arith.constant 0 : i32
    %dma_start3A_225 = tpu.memref_slice %arg10[%dma_start3A_215, %dma_start3A_216, %dma_start3A_223, %dma_start3A_224] : memref<3x2x64x128xf32, #tpu.memory_space<vmem>> -> memref<1x1x64x128xf32, #tpu.memory_space<vmem>>
    %dma_start3A_226 = tpu.memref_squeeze %dma_start3A_225 : memref<1x1x64x128xf32, #tpu.memory_space<vmem>> -> memref<64x128xf32, #tpu.memory_space<vmem>>
    %dma_start3A_227 = arith.constant 0 : i32
    %dma_start3A_228 = tpu.memref_slice %arg5[%dma_start3A_227, %multiple_of3A_200] : memref<64x1000000xf32, #tpu.memory_space<hbm>> -> memref<64x128xf32, #tpu.memory_space<hbm>>
    tpu.enqueue_dma source(%dma_start3A_228 : memref<64x128xf32, #tpu.memory_space<hbm>>) target(%dma_start3A_226 : memref<64x128xf32, #tpu.memory_space<vmem>>) target_semaphore(%arg17 : memref<!tpu.dma_semaphore, #tpu.memory_space<semaphore_mem>>)
    %slice3A_229 = vector.extract_strided_slice %get3A_184 {offsets = [1], sizes = [1], strides = [1]} : vector<16xi32> to vector<1xi32>
    %squeeze3A_230 = vector.extract %slice3A_229[0] : i32 from vector<1xi32>
    %shift_right_logical3A_231 = arith.constant 7 : i32
    %shift_right_logical3A_232 = arith.shrui %squeeze3A_230, %shift_right_logical3A_231 : i32
    %shift_left3A_233 = arith.constant 7 : i32
    %shift_left3A_234 = arith.shli %shift_right_logical3A_232, %shift_left3A_233 : i32
    %multiple_of3A_235 = tpu.assume_multiple %shift_left3A_234, 128 : i32
    %slice3A_236 = vector.extract_strided_slice %get3A_186 {offsets = [1], sizes = [1], strides = [1]} : vector<16xi32> to vector<1xi32>
    %squeeze3A_237 = vector.extract %slice3A_236[0] : i32 from vector<1xi32>
    %shift_right_logical3A_238 = arith.constant 7 : i32
    %shift_right_logical3A_239 = arith.shrui %squeeze3A_237, %shift_right_logical3A_238 : i32
    %shift_left3A_240 = arith.constant 7 : i32
    %shift_left3A_241 = arith.shli %shift_right_logical3A_239, %shift_left3A_240 : i32
    %multiple_of3A_242 = tpu.assume_multiple %shift_left3A_241, 128 : i32
    %dma_start3A_243 = arith.constant 2 : i32
    %dma_start3A_244 = arith.constant 1 : i32
    %dma_start3A_245 = arith.constant 0 : i32
    %dma_start3A_246 = arith.constant 0 : i32
    %dma_start3A_247 = tpu.memref_slice %arg9[%dma_start3A_243, %dma_start3A_244, %dma_start3A_245, %dma_start3A_246] : memref<3x2x64x128xf32, #tpu.memory_space<vmem>> -> memref<1x1x64x128xf32, #tpu.memory_space<vmem>>
    %dma_start3A_248 = tpu.memref_squeeze %dma_start3A_247 : memref<1x1x64x128xf32, #tpu.memory_space<vmem>> -> memref<64x128xf32, #tpu.memory_space<vmem>>
    %dma_start3A_249 = arith.constant 0 : i32
    %dma_start3A_250 = tpu.memref_slice %arg4[%dma_start3A_249, %multiple_of3A_235] : memref<64x1000000xf32, #tpu.memory_space<hbm>> -> memref<64x128xf32, #tpu.memory_space<hbm>>
    %dma_start3A_251 = arith.constant 0 : i32
    %dma_start3A_252 = arith.constant 0 : i32
    %dma_start3A_253 = tpu.memref_slice %arg9[%dma_start3A_243, %dma_start3A_244, %dma_start3A_251, %dma_start3A_252] : memref<3x2x64x128xf32, #tpu.memory_space<vmem>> -> memref<1x1x64x128xf32, #tpu.memory_space<vmem>>
    %dma_start3A_254 = tpu.memref_squeeze %dma_start3A_253 : memref<1x1x64x128xf32, #tpu.memory_space<vmem>> -> memref<64x128xf32, #tpu.memory_space<vmem>>
    %dma_start3A_255 = arith.constant 0 : i32
    %dma_start3A_256 = tpu.memref_slice %arg4[%dma_start3A_255, %multiple_of3A_235] : memref<64x1000000xf32, #tpu.memory_space<hbm>> -> memref<64x128xf32, #tpu.memory_space<hbm>>
    tpu.enqueue_dma source(%dma_start3A_256 : memref<64x128xf32, #tpu.memory_space<hbm>>) target(%dma_start3A_254 : memref<64x128xf32, #tpu.memory_space<vmem>>) target_semaphore(%arg16 : memref<!tpu.dma_semaphore, #tpu.memory_space<semaphore_mem>>)
    %dma_start3A_257 = arith.constant 2 : i32
    %dma_start3A_258 = arith.constant 1 : i32
    %dma_start3A_259 = arith.constant 0 : i32
    %dma_start3A_260 = arith.constant 0 : i32
    %dma_start3A_261 = tpu.memref_slice %arg10[%dma_start3A_257, %dma_start3A_258, %dma_start3A_259, %dma_start3A_260] : memref<3x2x64x128xf32, #tpu.memory_space<vmem>> -> memref<1x1x64x128xf32, #tpu.memory_space<vmem>>
    %dma_start3A_262 = tpu.memref_squeeze %dma_start3A_261 : memref<1x1x64x128xf32, #tpu.memory_space<vmem>> -> memref<64x128xf32, #tpu.memory_space<vmem>>
    %dma_start3A_263 = arith.constant 0 : i32
    %dma_start3A_264 = tpu.memref_slice %arg5[%dma_start3A_263, %multiple_of3A_242] : memref<64x1000000xf32, #tpu.memory_space<hbm>> -> memref<64x128xf32, #tpu.memory_space<hbm>>
    %dma_start3A_265 = arith.constant 0 : i32
    %dma_start3A_266 = arith.constant 0 : i32
    %dma_start3A_267 = tpu.memref_slice %arg10[%dma_start3A_257, %dma_start3A_258, %dma_start3A_265, %dma_start3A_266] : memref<3x2x64x128xf32, #tpu.memory_space<vmem>> -> memref<1x1x64x128xf32, #tpu.memory_space<vmem>>
    %dma_start3A_268 = tpu.memref_squeeze %dma_start3A_267 : memref<1x1x64x128xf32, #tpu.memory_space<vmem>> -> memref<64x128xf32, #tpu.memory_space<vmem>>
    %dma_start3A_269 = arith.constant 0 : i32
    %dma_start3A_270 = tpu.memref_slice %arg5[%dma_start3A_269, %multiple_of3A_242] : memref<64x1000000xf32, #tpu.memory_space<hbm>> -> memref<64x128xf32, #tpu.memory_space<hbm>>
    tpu.enqueue_dma source(%dma_start3A_270 : memref<64x128xf32, #tpu.memory_space<hbm>>) target(%dma_start3A_268 : memref<64x128xf32, #tpu.memory_space<vmem>>) target_semaphore(%arg17 : memref<!tpu.dma_semaphore, #tpu.memory_space<semaphore_mem>>)
    %scan3A_271 = arith.constant 0 : i32
    %scan3A_272 = arith.constant 0 : i32
    %scan3A_273 = arith.constant 85 : i32
    %scan3A_274 = arith.addi %scan3A_272, %scan3A_273 : i32
    %scan3A_275 = arith.constant 1 : i32
    scf.for %scan3A_662 = %scan3A_272 to %scan3A_274 step %scan3A_275  : i32 {
      %mul3A_663 = arith.constant 3 : i32
      %mul3A_664 = arith.muli %scan3A_662, %mul3A_663 : i32
      %add3A_665 = arith.constant 0 : i32
      %add3A_666 = arith.addi %mul3A_664, %add3A_665 : i32
      %dma_wait3A_667 = arith.constant 0 : i32
      %dma_wait3A_668 = arith.constant 0 : i32
      %dma_wait3A_669 = arith.constant 0 : i32
      %dma_wait3A_670 = arith.constant 0 : i32
      %dma_wait3A_671 = tpu.memref_slice %arg9[%dma_wait3A_667, %dma_wait3A_668, %dma_wait3A_669, %dma_wait3A_670] : memref<3x2x64x128xf32, #tpu.memory_space<vmem>> -> memref<1x1x64x128xf32, #tpu.memory_space<vmem>>
      %dma_wait3A_672 = tpu.memref_squeeze %dma_wait3A_671 : memref<1x1x64x128xf32, #tpu.memory_space<vmem>> -> memref<64x128xf32, #tpu.memory_space<vmem>>
      %dma_wait3A_673 = arith.constant 0 : i32
      %dma_wait3A_674 = arith.constant 0 : i32
      %dma_wait3A_675 = tpu.memref_slice %arg4[%dma_wait3A_673, %dma_wait3A_674] : memref<64x1000000xf32, #tpu.memory_space<hbm>> -> memref<64x128xf32, #tpu.memory_space<hbm>>
      %dma_wait3A_676 = arith.constant 0 : i32
      %dma_wait3A_677 = arith.constant 0 : i32
      %dma_wait3A_678 = tpu.memref_slice %arg9[%dma_wait3A_667, %dma_wait3A_668, %dma_wait3A_676, %dma_wait3A_677] : memref<3x2x64x128xf32, #tpu.memory_space<vmem>> -> memref<1x1x64x128xf32, #tpu.memory_space<vmem>>
      %dma_wait3A_679 = tpu.memref_squeeze %dma_wait3A_678 : memref<1x1x64x128xf32, #tpu.memory_space<vmem>> -> memref<64x128xf32, #tpu.memory_space<vmem>>
      %dma_wait3A_680 = arith.constant 0 : i32
      %dma_wait3A_681 = arith.constant 0 : i32
      %dma_wait3A_682 = tpu.memref_slice %arg4[%dma_wait3A_680, %dma_wait3A_681] : memref<64x1000000xf32, #tpu.memory_space<hbm>> -> memref<64x128xf32, #tpu.memory_space<hbm>>
      tpu.wait_dma2 semaphore(%arg12 : memref<!tpu.dma_semaphore, #tpu.memory_space<semaphore_mem>>) src(%dma_wait3A_682 : memref<64x128xf32, #tpu.memory_space<hbm>>) dst(%dma_wait3A_679 : memref<64x128xf32, #tpu.memory_space<vmem>>)
      %dma_wait3A_683 = arith.constant 0 : i32
      %dma_wait3A_684 = arith.constant 0 : i32
      %dma_wait3A_685 = arith.constant 0 : i32
      %dma_wait3A_686 = arith.constant 0 : i32
      %dma_wait3A_687 = tpu.memref_slice %arg10[%dma_wait3A_683, %dma_wait3A_684, %dma_wait3A_685, %dma_wait3A_686] : memref<3x2x64x128xf32, #tpu.memory_space<vmem>> -> memref<1x1x64x128xf32, #tpu.memory_space<vmem>>
      %dma_wait3A_688 = tpu.memref_squeeze %dma_wait3A_687 : memref<1x1x64x128xf32, #tpu.memory_space<vmem>> -> memref<64x128xf32, #tpu.memory_space<vmem>>
      %dma_wait3A_689 = arith.constant 0 : i32
      %dma_wait3A_690 = arith.constant 0 : i32
      %dma_wait3A_691 = tpu.memref_slice %arg5[%dma_wait3A_689, %dma_wait3A_690] : memref<64x1000000xf32, #tpu.memory_space<hbm>> -> memref<64x128xf32, #tpu.memory_space<hbm>>
      %dma_wait3A_692 = arith.constant 0 : i32
      %dma_wait3A_693 = arith.constant 0 : i32
      %dma_wait3A_694 = tpu.memref_slice %arg10[%dma_wait3A_683, %dma_wait3A_684, %dma_wait3A_692, %dma_wait3A_693] : memref<3x2x64x128xf32, #tpu.memory_space<vmem>> -> memref<1x1x64x128xf32, #tpu.memory_space<vmem>>
      %dma_wait3A_695 = tpu.memref_squeeze %dma_wait3A_694 : memref<1x1x64x128xf32, #tpu.memory_space<vmem>> -> memref<64x128xf32, #tpu.memory_space<vmem>>
      %dma_wait3A_696 = arith.constant 0 : i32
      %dma_wait3A_697 = arith.constant 0 : i32
      %dma_wait3A_698 = tpu.memref_slice %arg5[%dma_wait3A_696, %dma_wait3A_697] : memref<64x1000000xf32, #tpu.memory_space<hbm>> -> memref<64x128xf32, #tpu.memory_space<hbm>>
      tpu.wait_dma2 semaphore(%arg13 : memref<!tpu.dma_semaphore, #tpu.memory_space<semaphore_mem>>) src(%dma_wait3A_698 : memref<64x128xf32, #tpu.memory_space<hbm>>) dst(%dma_wait3A_695 : memref<64x128xf32, #tpu.memory_space<vmem>>)
      %dma_wait3A_699 = arith.constant 0 : i32
      %dma_wait3A_700 = arith.constant 1 : i32
      %dma_wait3A_701 = arith.constant 0 : i32
      %dma_wait3A_702 = arith.constant 0 : i32
      %dma_wait3A_703 = tpu.memref_slice %arg9[%dma_wait3A_699, %dma_wait3A_700, %dma_wait3A_701, %dma_wait3A_702] : memref<3x2x64x128xf32, #tpu.memory_space<vmem>> -> memref<1x1x64x128xf32, #tpu.memory_space<vmem>>
      %dma_wait3A_704 = tpu.memref_squeeze %dma_wait3A_703 : memref<1x1x64x128xf32, #tpu.memory_space<vmem>> -> memref<64x128xf32, #tpu.memory_space<vmem>>
      %dma_wait3A_705 = arith.constant 0 : i32
      %dma_wait3A_706 = arith.constant 0 : i32
      %dma_wait3A_707 = tpu.memref_slice %arg4[%dma_wait3A_705, %dma_wait3A_706] : memref<64x1000000xf32, #tpu.memory_space<hbm>> -> memref<64x128xf32, #tpu.memory_space<hbm>>
      %dma_wait3A_708 = arith.constant 0 : i32
      %dma_wait3A_709 = arith.constant 0 : i32
      %dma_wait3A_710 = tpu.memref_slice %arg9[%dma_wait3A_699, %dma_wait3A_700, %dma_wait3A_708, %dma_wait3A_709] : memref<3x2x64x128xf32, #tpu.memory_space<vmem>> -> memref<1x1x64x128xf32, #tpu.memory_space<vmem>>
      %dma_wait3A_711 = tpu.memref_squeeze %dma_wait3A_710 : memref<1x1x64x128xf32, #tpu.memory_space<vmem>> -> memref<64x128xf32, #tpu.memory_space<vmem>>
      %dma_wait3A_712 = arith.constant 0 : i32
      %dma_wait3A_713 = arith.constant 0 : i32
      %dma_wait3A_714 = tpu.memref_slice %arg4[%dma_wait3A_712, %dma_wait3A_713] : memref<64x1000000xf32, #tpu.memory_space<hbm>> -> memref<64x128xf32, #tpu.memory_space<hbm>>
      tpu.wait_dma2 semaphore(%arg12 : memref<!tpu.dma_semaphore, #tpu.memory_space<semaphore_mem>>) src(%dma_wait3A_714 : memref<64x128xf32, #tpu.memory_space<hbm>>) dst(%dma_wait3A_711 : memref<64x128xf32, #tpu.memory_space<vmem>>)
      %dma_wait3A_715 = arith.constant 0 : i32
      %dma_wait3A_716 = arith.constant 1 : i32
      %dma_wait3A_717 = arith.constant 0 : i32
      %dma_wait3A_718 = arith.constant 0 : i32
      %dma_wait3A_719 = tpu.memref_slice %arg10[%dma_wait3A_715, %dma_wait3A_716, %dma_wait3A_717, %dma_wait3A_718] : memref<3x2x64x128xf32, #tpu.memory_space<vmem>> -> memref<1x1x64x128xf32, #tpu.memory_space<vmem>>
      %dma_wait3A_720 = tpu.memref_squeeze %dma_wait3A_719 : memref<1x1x64x128xf32, #tpu.memory_space<vmem>> -> memref<64x128xf32, #tpu.memory_space<vmem>>
      %dma_wait3A_721 = arith.constant 0 : i32
      %dma_wait3A_722 = arith.constant 0 : i32
      %dma_wait3A_723 = tpu.memref_slice %arg5[%dma_wait3A_721, %dma_wait3A_722] : memref<64x1000000xf32, #tpu.memory_space<hbm>> -> memref<64x128xf32, #tpu.memory_space<hbm>>
      %dma_wait3A_724 = arith.constant 0 : i32
      %dma_wait3A_725 = arith.constant 0 : i32
      %dma_wait3A_726 = tpu.memref_slice %arg10[%dma_wait3A_715, %dma_wait3A_716, %dma_wait3A_724, %dma_wait3A_725] : memref<3x2x64x128xf32, #tpu.memory_space<vmem>> -> memref<1x1x64x128xf32, #tpu.memory_space<vmem>>
      %dma_wait3A_727 = tpu.memref_squeeze %dma_wait3A_726 : memref<1x1x64x128xf32, #tpu.memory_space<vmem>> -> memref<64x128xf32, #tpu.memory_space<vmem>>
      %dma_wait3A_728 = arith.constant 0 : i32
      %dma_wait3A_729 = arith.constant 0 : i32
      %dma_wait3A_730 = tpu.memref_slice %arg5[%dma_wait3A_728, %dma_wait3A_729] : memref<64x1000000xf32, #tpu.memory_space<hbm>> -> memref<64x128xf32, #tpu.memory_space<hbm>>
      tpu.wait_dma2 semaphore(%arg13 : memref<!tpu.dma_semaphore, #tpu.memory_space<semaphore_mem>>) src(%dma_wait3A_730 : memref<64x128xf32, #tpu.memory_space<hbm>>) dst(%dma_wait3A_727 : memref<64x128xf32, #tpu.memory_space<vmem>>)
      %mul3A_731 = arith.constant 2 : i32
      %mul3A_732 = arith.muli %add3A_666, %mul3A_731 : i32
      %add3A_733 = vector.broadcast %mul3A_732 : i32 to vector<16xi32>
      %add3A_734 = arith.addi %add3A_733, %and3A_10 : vector<16xi32>
      %gather3A_735 = tpu.vector_load_idx %arg7[%add3A_734] : memref<528xi32, #tpu.memory_space<vmem>>[vector<16xi32>], vector<16xi32>,
      %and3A_736 = arith.constant 127 : i32
      %and3A_737 = vector.broadcast %and3A_736 : i32 to vector<16xi32>
      %and3A_738 = arith.andi %gather3A_735, %and3A_737 : vector<16xi32>
      %mul3A_739 = arith.constant 2 : i32
      %mul3A_740 = arith.muli %add3A_666, %mul3A_739 : i32
      %add3A_741 = vector.broadcast %mul3A_740 : i32 to vector<16xi32>
      %add3A_742 = arith.addi %add3A_741, %and3A_10 : vector<16xi32>
      %gather3A_743 = tpu.vector_load_idx %arg8[%add3A_742] : memref<528xi32, #tpu.memory_space<vmem>>[vector<16xi32>], vector<16xi32>,
      %and3A_744 = arith.constant 127 : i32
      %and3A_745 = vector.broadcast %and3A_744 : i32 to vector<16xi32>
      %and3A_746 = arith.andi %gather3A_743, %and3A_745 : vector<16xi32>
      %broadcast_in_dim3A_747 = arith.constant 0.000000e+00 : f32
      %broadcast_in_dim3A_748 = vector.broadcast %broadcast_in_dim3A_747 : f32 to vector<16xf32>
      %shift_left3A_749 = arith.constant 3 : i32
      %shift_left3A_750 = vector.broadcast %shift_left3A_749 : i32 to vector<16xi32>
      %shift_left3A_751 = arith.shli %shift_right_logical3A_12, %shift_left3A_750 : vector<16xi32>
      %add3A_752 = arith.constant 0 : i32
      %add3A_753 = vector.broadcast %add3A_752 : i32 to vector<16xi32>
      %add3A_754 = arith.addi %shift_left3A_751, %add3A_753 : vector<16xi32>
      %gather3A_755 = arith.constant 0 : i32
      %gather3A_756 = arith.constant 0 : i32
      %gather3A_757 = arith.constant 0 : i32
      %gather3A_758 = arith.constant 0 : i32
      %gather3A_759 = tpu.memref_slice %arg9[%gather3A_755, %gather3A_756, %gather3A_757, %gather3A_758] : memref<3x2x64x128xf32, #tpu.memory_space<vmem>> -> memref<1x2x64x128xf32, #tpu.memory_space<vmem>>
      %gather3A_760 = tpu.memref_squeeze %gather3A_759 : memref<1x2x64x128xf32, #tpu.memory_space<vmem>> -> memref<2x64x128xf32, #tpu.memory_space<vmem>>
      %gather3A_761 = tpu.vector_load_idx %gather3A_760[%and3A_10, %add3A_754, %and3A_738] : memref<2x64x128xf32, #tpu.memory_space<vmem>>[vector<16xi32>, vector<16xi32>, vector<16xi32>], vector<16xf32>,
      %gather3A_762 = arith.constant 0 : i32
      %gather3A_763 = arith.constant 0 : i32
      %gather3A_764 = arith.constant 0 : i32
      %gather3A_765 = arith.constant 0 : i32
      %gather3A_766 = tpu.memref_slice %arg10[%gather3A_762, %gather3A_763, %gather3A_764, %gather3A_765] : memref<3x2x64x128xf32, #tpu.memory_space<vmem>> -> memref<1x2x64x128xf32, #tpu.memory_space<vmem>>
      %gather3A_767 = tpu.memref_squeeze %gather3A_766 : memref<1x2x64x128xf32, #tpu.memory_space<vmem>> -> memref<2x64x128xf32, #tpu.memory_space<vmem>>
      %gather3A_768 = tpu.vector_load_idx %gather3A_767[%and3A_10, %add3A_754, %and3A_746] : memref<2x64x128xf32, #tpu.memory_space<vmem>>[vector<16xi32>, vector<16xi32>, vector<16xi32>], vector<16xf32>,
      %mul3A_769 = arith.mulf %gather3A_761, %gather3A_768 : vector<16xf32>
      %add3A_770 = arith.addf %broadcast_in_dim3A_748, %mul3A_769 : vector<16xf32>
      %shift_left3A_771 = arith.constant 3 : i32
      %shift_left3A_772 = vector.broadcast %shift_left3A_771 : i32 to vector<16xi32>
      %shift_left3A_773 = arith.shli %shift_right_logical3A_12, %shift_left3A_772 : vector<16xi32>
      %add3A_774 = arith.constant 1 : i32
      %add3A_775 = vector.broadcast %add3A_774 : i32 to vector<16xi32>
      %add3A_776 = arith.addi %shift_left3A_773, %add3A_775 : vector<16xi32>
      %gather3A_777 = arith.constant 0 : i32
      %gather3A_778 = arith.constant 0 : i32
      %gather3A_779 = arith.constant 0 : i32
      %gather3A_780 = arith.constant 0 : i32
      %gather3A_781 = tpu.memref_slice %arg9[%gather3A_777, %gather3A_778, %gather3A_779, %gather3A_780] : memref<3x2x64x128xf32, #tpu.memory_space<vmem>> -> memref<1x2x64x128xf32, #tpu.memory_space<vmem>>
      %gather3A_782 = tpu.memref_squeeze %gather3A_781 : memref<1x2x64x128xf32, #tpu.memory_space<vmem>> -> memref<2x64x128xf32, #tpu.memory_space<vmem>>
      %gather3A_783 = tpu.vector_load_idx %gather3A_782[%and3A_10, %add3A_776, %and3A_738] : memref<2x64x128xf32, #tpu.memory_space<vmem>>[vector<16xi32>, vector<16xi32>, vector<16xi32>], vector<16xf32>,
      %gather3A_784 = arith.constant 0 : i32
      %gather3A_785 = arith.constant 0 : i32
      %gather3A_786 = arith.constant 0 : i32
      %gather3A_787 = arith.constant 0 : i32
      %gather3A_788 = tpu.memref_slice %arg10[%gather3A_784, %gather3A_785, %gather3A_786, %gather3A_787] : memref<3x2x64x128xf32, #tpu.memory_space<vmem>> -> memref<1x2x64x128xf32, #tpu.memory_space<vmem>>
      %gather3A_789 = tpu.memref_squeeze %gather3A_788 : memref<1x2x64x128xf32, #tpu.memory_space<vmem>> -> memref<2x64x128xf32, #tpu.memory_space<vmem>>
      %gather3A_790 = tpu.vector_load_idx %gather3A_789[%and3A_10, %add3A_776, %and3A_746] : memref<2x64x128xf32, #tpu.memory_space<vmem>>[vector<16xi32>, vector<16xi32>, vector<16xi32>], vector<16xf32>,
      %mul3A_791 = arith.mulf %gather3A_783, %gather3A_790 : vector<16xf32>
      %add3A_792 = arith.addf %add3A_770, %mul3A_791 : vector<16xf32>
      %shift_left3A_793 = arith.constant 3 : i32
      %shift_left3A_794 = vector.broadcast %shift_left3A_793 : i32 to vector<16xi32>
      %shift_left3A_795 = arith.shli %shift_right_logical3A_12, %shift_left3A_794 : vector<16xi32>
      %add3A_796 = arith.constant 2 : i32
      %add3A_797 = vector.broadcast %add3A_796 : i32 to vector<16xi32>
      %add3A_798 = arith.addi %shift_left3A_795, %add3A_797 : vector<16xi32>
      %gather3A_799 = arith.constant 0 : i32
      %gather3A_800 = arith.constant 0 : i32
      %gather3A_801 = arith.constant 0 : i32
      %gather3A_802 = arith.constant 0 : i32
      %gather3A_803 = tpu.memref_slice %arg9[%gather3A_799, %gather3A_800, %gather3A_801, %gather3A_802] : memref<3x2x64x128xf32, #tpu.memory_space<vmem>> -> memref<1x2x64x128xf32, #tpu.memory_space<vmem>>
      %gather3A_804 = tpu.memref_squeeze %gather3A_803 : memref<1x2x64x128xf32, #tpu.memory_space<vmem>> -> memref<2x64x128xf32, #tpu.memory_space<vmem>>
      %gather3A_805 = tpu.vector_load_idx %gather3A_804[%and3A_10, %add3A_798, %and3A_738] : memref<2x64x128xf32, #tpu.memory_space<vmem>>[vector<16xi32>, vector<16xi32>, vector<16xi32>], vector<16xf32>,
      %gather3A_806 = arith.constant 0 : i32
      %gather3A_807 = arith.constant 0 : i32
      %gather3A_808 = arith.constant 0 : i32
      %gather3A_809 = arith.constant 0 : i32
      %gather3A_810 = tpu.memref_slice %arg10[%gather3A_806, %gather3A_807, %gather3A_808, %gather3A_809] : memref<3x2x64x128xf32, #tpu.memory_space<vmem>> -> memref<1x2x64x128xf32, #tpu.memory_space<vmem>>
      %gather3A_811 = tpu.memref_squeeze %gather3A_810 : memref<1x2x64x128xf32, #tpu.memory_space<vmem>> -> memref<2x64x128xf32, #tpu.memory_space<vmem>>
      %gather3A_812 = tpu.vector_load_idx %gather3A_811[%and3A_10, %add3A_798, %and3A_746] : memref<2x64x128xf32, #tpu.memory_space<vmem>>[vector<16xi32>, vector<16xi32>, vector<16xi32>], vector<16xf32>,
      %mul3A_813 = arith.mulf %gather3A_805, %gather3A_812 : vector<16xf32>
      %add3A_814 = arith.addf %add3A_792, %mul3A_813 : vector<16xf32>
      %shift_left3A_815 = arith.constant 3 : i32
      %shift_left3A_816 = vector.broadcast %shift_left3A_815 : i32 to vector<16xi32>
      %shift_left3A_817 = arith.shli %shift_right_logical3A_12, %shift_left3A_816 : vector<16xi32>
      %add3A_818 = arith.constant 3 : i32
      %add3A_819 = vector.broadcast %add3A_818 : i32 to vector<16xi32>
      %add3A_820 = arith.addi %shift_left3A_817, %add3A_819 : vector<16xi32>
      %gather3A_821 = arith.constant 0 : i32
      %gather3A_822 = arith.constant 0 : i32
      %gather3A_823 = arith.constant 0 : i32
      %gather3A_824 = arith.constant 0 : i32
      %gather3A_825 = tpu.memref_slice %arg9[%gather3A_821, %gather3A_822, %gather3A_823, %gather3A_824] : memref<3x2x64x128xf32, #tpu.memory_space<vmem>> -> memref<1x2x64x128xf32, #tpu.memory_space<vmem>>
      %gather3A_826 = tpu.memref_squeeze %gather3A_825 : memref<1x2x64x128xf32, #tpu.memory_space<vmem>> -> memref<2x64x128xf32, #tpu.memory_space<vmem>>
      %gather3A_827 = tpu.vector_load_idx %gather3A_826[%and3A_10, %add3A_820, %and3A_738] : memref<2x64x128xf32, #tpu.memory_space<vmem>>[vector<16xi32>, vector<16xi32>, vector<16xi32>], vector<16xf32>,
      %gather3A_828 = arith.constant 0 : i32
      %gather3A_829 = arith.constant 0 : i32
      %gather3A_830 = arith.constant 0 : i32
      %gather3A_831 = arith.constant 0 : i32
      %gather3A_832 = tpu.memref_slice %arg10[%gather3A_828, %gather3A_829, %gather3A_830, %gather3A_831] : memref<3x2x64x128xf32, #tpu.memory_space<vmem>> -> memref<1x2x64x128xf32, #tpu.memory_space<vmem>>
      %gather3A_833 = tpu.memref_squeeze %gather3A_832 : memref<1x2x64x128xf32, #tpu.memory_space<vmem>> -> memref<2x64x128xf32, #tpu.memory_space<vmem>>
      %gather3A_834 = tpu.vector_load_idx %gather3A_833[%and3A_10, %add3A_820, %and3A_746] : memref<2x64x128xf32, #tpu.memory_space<vmem>>[vector<16xi32>, vector<16xi32>, vector<16xi32>], vector<16xf32>,
      %mul3A_835 = arith.mulf %gather3A_827, %gather3A_834 : vector<16xf32>
      %add3A_836 = arith.addf %add3A_814, %mul3A_835 : vector<16xf32>
      %shift_left3A_837 = arith.constant 3 : i32
      %shift_left3A_838 = vector.broadcast %shift_left3A_837 : i32 to vector<16xi32>
      %shift_left3A_839 = arith.shli %shift_right_logical3A_12, %shift_left3A_838 : vector<16xi32>
      %add3A_840 = arith.constant 4 : i32
      %add3A_841 = vector.broadcast %add3A_840 : i32 to vector<16xi32>
      %add3A_842 = arith.addi %shift_left3A_839, %add3A_841 : vector<16xi32>
      %gather3A_843 = arith.constant 0 : i32
      %gather3A_844 = arith.constant 0 : i32
      %gather3A_845 = arith.constant 0 : i32
      %gather3A_846 = arith.constant 0 : i32
      %gather3A_847 = tpu.memref_slice %arg9[%gather3A_843, %gather3A_844, %gather3A_845, %gather3A_846] : memref<3x2x64x128xf32, #tpu.memory_space<vmem>> -> memref<1x2x64x128xf32, #tpu.memory_space<vmem>>
      %gather3A_848 = tpu.memref_squeeze %gather3A_847 : memref<1x2x64x128xf32, #tpu.memory_space<vmem>> -> memref<2x64x128xf32, #tpu.memory_space<vmem>>
      %gather3A_849 = tpu.vector_load_idx %gather3A_848[%and3A_10, %add3A_842, %and3A_738] : memref<2x64x128xf32, #tpu.memory_space<vmem>>[vector<16xi32>, vector<16xi32>, vector<16xi32>], vector<16xf32>,
      %gather3A_850 = arith.constant 0 : i32
      %gather3A_851 = arith.constant 0 : i32
      %gather3A_852 = arith.constant 0 : i32
      %gather3A_853 = arith.constant 0 : i32
      %gather3A_854 = tpu.memref_slice %arg10[%gather3A_850, %gather3A_851, %gather3A_852, %gather3A_853] : memref<3x2x64x128xf32, #tpu.memory_space<vmem>> -> memref<1x2x64x128xf32, #tpu.memory_space<vmem>>
      %gather3A_855 = tpu.memref_squeeze %gather3A_854 : memref<1x2x64x128xf32, #tpu.memory_space<vmem>> -> memref<2x64x128xf32, #tpu.memory_space<vmem>>
      %gather3A_856 = tpu.vector_load_idx %gather3A_855[%and3A_10, %add3A_842, %and3A_746] : memref<2x64x128xf32, #tpu.memory_space<vmem>>[vector<16xi32>, vector<16xi32>, vector<16xi32>], vector<16xf32>,
      %mul3A_857 = arith.mulf %gather3A_849, %gather3A_856 : vector<16xf32>
      %add3A_858 = arith.addf %add3A_836, %mul3A_857 : vector<16xf32>
      %shift_left3A_859 = arith.constant 3 : i32
      %shift_left3A_860 = vector.broadcast %shift_left3A_859 : i32 to vector<16xi32>
      %shift_left3A_861 = arith.shli %shift_right_logical3A_12, %shift_left3A_860 : vector<16xi32>
      %add3A_862 = arith.constant 5 : i32
      %add3A_863 = vector.broadcast %add3A_862 : i32 to vector<16xi32>
      %add3A_864 = arith.addi %shift_left3A_861, %add3A_863 : vector<16xi32>
      %gather3A_865 = arith.constant 0 : i32
      %gather3A_866 = arith.constant 0 : i32
      %gather3A_867 = arith.constant 0 : i32
      %gather3A_868 = arith.constant 0 : i32
      %gather3A_869 = tpu.memref_slice %arg9[%gather3A_865, %gather3A_866, %gather3A_867, %gather3A_868] : memref<3x2x64x128xf32, #tpu.memory_space<vmem>> -> memref<1x2x64x128xf32, #tpu.memory_space<vmem>>
      %gather3A_870 = tpu.memref_squeeze %gather3A_869 : memref<1x2x64x128xf32, #tpu.memory_space<vmem>> -> memref<2x64x128xf32, #tpu.memory_space<vmem>>
      %gather3A_871 = tpu.vector_load_idx %gather3A_870[%and3A_10, %add3A_864, %and3A_738] : memref<2x64x128xf32, #tpu.memory_space<vmem>>[vector<16xi32>, vector<16xi32>, vector<16xi32>], vector<16xf32>,
      %gather3A_872 = arith.constant 0 : i32
      %gather3A_873 = arith.constant 0 : i32
      %gather3A_874 = arith.constant 0 : i32
      %gather3A_875 = arith.constant 0 : i32
      %gather3A_876 = tpu.memref_slice %arg10[%gather3A_872, %gather3A_873, %gather3A_874, %gather3A_875] : memref<3x2x64x128xf32, #tpu.memory_space<vmem>> -> memref<1x2x64x128xf32, #tpu.memory_space<vmem>>
      %gather3A_877 = tpu.memref_squeeze %gather3A_876 : memref<1x2x64x128xf32, #tpu.memory_space<vmem>> -> memref<2x64x128xf32, #tpu.memory_space<vmem>>
      %gather3A_878 = tpu.vector_load_idx %gather3A_877[%and3A_10, %add3A_864, %and3A_746] : memref<2x64x128xf32, #tpu.memory_space<vmem>>[vector<16xi32>, vector<16xi32>, vector<16xi32>], vector<16xf32>,
      %mul3A_879 = arith.mulf %gather3A_871, %gather3A_878 : vector<16xf32>
      %add3A_880 = arith.addf %add3A_858, %mul3A_879 : vector<16xf32>
      %shift_left3A_881 = arith.constant 3 : i32
      %shift_left3A_882 = vector.broadcast %shift_left3A_881 : i32 to vector<16xi32>
      %shift_left3A_883 = arith.shli %shift_right_logical3A_12, %shift_left3A_882 : vector<16xi32>
      %add3A_884 = arith.constant 6 : i32
      %add3A_885 = vector.broadcast %add3A_884 : i32 to vector<16xi32>
      %add3A_886 = arith.addi %shift_left3A_883, %add3A_885 : vector<16xi32>
      %gather3A_887 = arith.constant 0 : i32
      %gather3A_888 = arith.constant 0 : i32
      %gather3A_889 = arith.constant 0 : i32
      %gather3A_890 = arith.constant 0 : i32
      %gather3A_891 = tpu.memref_slice %arg9[%gather3A_887, %gather3A_888, %gather3A_889, %gather3A_890] : memref<3x2x64x128xf32, #tpu.memory_space<vmem>> -> memref<1x2x64x128xf32, #tpu.memory_space<vmem>>
      %gather3A_892 = tpu.memref_squeeze %gather3A_891 : memref<1x2x64x128xf32, #tpu.memory_space<vmem>> -> memref<2x64x128xf32, #tpu.memory_space<vmem>>
      %gather3A_893 = tpu.vector_load_idx %gather3A_892[%and3A_10, %add3A_886, %and3A_738] : memref<2x64x128xf32, #tpu.memory_space<vmem>>[vector<16xi32>, vector<16xi32>, vector<16xi32>], vector<16xf32>,
      %gather3A_894 = arith.constant 0 : i32
      %gather3A_895 = arith.constant 0 : i32
      %gather3A_896 = arith.constant 0 : i32
      %gather3A_897 = arith.constant 0 : i32
      %gather3A_898 = tpu.memref_slice %arg10[%gather3A_894, %gather3A_895, %gather3A_896, %gather3A_897] : memref<3x2x64x128xf32, #tpu.memory_space<vmem>> -> memref<1x2x64x128xf32, #tpu.memory_space<vmem>>
      %gather3A_899 = tpu.memref_squeeze %gather3A_898 : memref<1x2x64x128xf32, #tpu.memory_space<vmem>> -> memref<2x64x128xf32, #tpu.memory_space<vmem>>
      %gather3A_900 = tpu.vector_load_idx %gather3A_899[%and3A_10, %add3A_886, %and3A_746] : memref<2x64x128xf32, #tpu.memory_space<vmem>>[vector<16xi32>, vector<16xi32>, vector<16xi32>], vector<16xf32>,
      %mul3A_901 = arith.mulf %gather3A_893, %gather3A_900 : vector<16xf32>
      %add3A_902 = arith.addf %add3A_880, %mul3A_901 : vector<16xf32>
      %shift_left3A_903 = arith.constant 3 : i32
      %shift_left3A_904 = vector.broadcast %shift_left3A_903 : i32 to vector<16xi32>
      %shift_left3A_905 = arith.shli %shift_right_logical3A_12, %shift_left3A_904 : vector<16xi32>
      %add3A_906 = arith.constant 7 : i32
      %add3A_907 = vector.broadcast %add3A_906 : i32 to vector<16xi32>
      %add3A_908 = arith.addi %shift_left3A_905, %add3A_907 : vector<16xi32>
      %gather3A_909 = arith.constant 0 : i32
      %gather3A_910 = arith.constant 0 : i32
      %gather3A_911 = arith.constant 0 : i32
      %gather3A_912 = arith.constant 0 : i32
      %gather3A_913 = tpu.memref_slice %arg9[%gather3A_909, %gather3A_910, %gather3A_911, %gather3A_912] : memref<3x2x64x128xf32, #tpu.memory_space<vmem>> -> memref<1x2x64x128xf32, #tpu.memory_space<vmem>>
      %gather3A_914 = tpu.memref_squeeze %gather3A_913 : memref<1x2x64x128xf32, #tpu.memory_space<vmem>> -> memref<2x64x128xf32, #tpu.memory_space<vmem>>
      %gather3A_915 = tpu.vector_load_idx %gather3A_914[%and3A_10, %add3A_908, %and3A_738] : memref<2x64x128xf32, #tpu.memory_space<vmem>>[vector<16xi32>, vector<16xi32>, vector<16xi32>], vector<16xf32>,
      %gather3A_916 = arith.constant 0 : i32
      %gather3A_917 = arith.constant 0 : i32
      %gather3A_918 = arith.constant 0 : i32
      %gather3A_919 = arith.constant 0 : i32
      %gather3A_920 = tpu.memref_slice %arg10[%gather3A_916, %gather3A_917, %gather3A_918, %gather3A_919] : memref<3x2x64x128xf32, #tpu.memory_space<vmem>> -> memref<1x2x64x128xf32, #tpu.memory_space<vmem>>
      %gather3A_921 = tpu.memref_squeeze %gather3A_920 : memref<1x2x64x128xf32, #tpu.memory_space<vmem>> -> memref<2x64x128xf32, #tpu.memory_space<vmem>>
      %gather3A_922 = tpu.vector_load_idx %gather3A_921[%and3A_10, %add3A_908, %and3A_746] : memref<2x64x128xf32, #tpu.memory_space<vmem>>[vector<16xi32>, vector<16xi32>, vector<16xi32>], vector<16xf32>,
      %mul3A_923 = arith.mulf %gather3A_915, %gather3A_922 : vector<16xf32>
      %add3A_924 = arith.addf %add3A_902, %mul3A_923 : vector<16xf32>
      %mul3A_925 = arith.constant 2 : i32
      %mul3A_926 = arith.muli %add3A_666, %mul3A_925 : i32
      %add3A_927 = vector.broadcast %mul3A_926 : i32 to vector<16xi32>
      %add3A_928 = arith.addi %add3A_927, %and3A_10 : vector<16xi32>
      tpu.vector_store_idx %arg11[%add3A_928], %add3A_924 {add = true} : memref<512xf32, #tpu.memory_space<vmem>>[vector<16xi32>], vector<16xf32>,
      %add3A_929 = arith.constant 3 : i32
      %add3A_930 = arith.addi %add3A_666, %add3A_929 : i32
      %min3A = arith.constant 255 : i32
      %min3A_931 = arith.minsi %add3A_930, %min3A : i32
      %mul3A_932 = arith.constant 2 : i32
      %mul3A_933 = arith.muli %min3A_931, %mul3A_932 : i32
      %get3A_934 = arith.index_cast %mul3A_933 : i32 to index
      %get3A_935 = tpu.vector_load %arg7[%get3A_934] {strides = array<i32>} : memref<528xi32, #tpu.memory_space<vmem>>, vector<16xi32>,
      %mul3A_936 = arith.constant 2 : i32
      %mul3A_937 = arith.muli %min3A_931, %mul3A_936 : i32
      %get3A_938 = arith.index_cast %mul3A_937 : i32 to index
      %get3A_939 = tpu.vector_load %arg8[%get3A_938] {strides = array<i32>} : memref<528xi32, #tpu.memory_space<vmem>>, vector<16xi32>,
      %slice3A_940 = vector.extract_strided_slice %get3A_935 {offsets = [0], sizes = [1], strides = [1]} : vector<16xi32> to vector<1xi32>
      %squeeze3A_941 = vector.extract %slice3A_940[0] : i32 from vector<1xi32>
      %shift_right_logical3A_942 = arith.constant 7 : i32
      %shift_right_logical3A_943 = arith.shrui %squeeze3A_941, %shift_right_logical3A_942 : i32
      %shift_left3A_944 = arith.constant 7 : i32
      %shift_left3A_945 = arith.shli %shift_right_logical3A_943, %shift_left3A_944 : i32
      %multiple_of3A_946 = tpu.assume_multiple %shift_left3A_945, 128 : i32
      %slice3A_947 = vector.extract_strided_slice %get3A_939 {offsets = [0], sizes = [1], strides = [1]} : vector<16xi32> to vector<1xi32>
      %squeeze3A_948 = vector.extract %slice3A_947[0] : i32 from vector<1xi32>
      %shift_right_logical3A_949 = arith.constant 7 : i32
      %shift_right_logical3A_950 = arith.shrui %squeeze3A_948, %shift_right_logical3A_949 : i32
      %shift_left3A_951 = arith.constant 7 : i32
      %shift_left3A_952 = arith.shli %shift_right_logical3A_950, %shift_left3A_951 : i32
      %multiple_of3A_953 = tpu.assume_multiple %shift_left3A_952, 128 : i32
      %dma_start3A_954 = arith.constant 0 : i32
      %dma_start3A_955 = arith.constant 0 : i32
      %dma_start3A_956 = arith.constant 0 : i32
      %dma_start3A_957 = arith.constant 0 : i32
      %dma_start3A_958 = tpu.memref_slice %arg9[%dma_start3A_954, %dma_start3A_955, %dma_start3A_956, %dma_start3A_957] : memref<3x2x64x128xf32, #tpu.memory_space<vmem>> -> memref<1x1x64x128xf32, #tpu.memory_space<vmem>>
      %dma_start3A_959 = tpu.memref_squeeze %dma_start3A_958 : memref<1x1x64x128xf32, #tpu.memory_space<vmem>> -> memref<64x128xf32, #tpu.memory_space<vmem>>
      %dma_start3A_960 = arith.constant 0 : i32
      %dma_start3A_961 = tpu.memref_slice %arg4[%dma_start3A_960, %multiple_of3A_946] : memref<64x1000000xf32, #tpu.memory_space<hbm>> -> memref<64x128xf32, #tpu.memory_space<hbm>>
      %dma_start3A_962 = arith.constant 0 : i32
      %dma_start3A_963 = arith.constant 0 : i32
      %dma_start3A_964 = tpu.memref_slice %arg9[%dma_start3A_954, %dma_start3A_955, %dma_start3A_962, %dma_start3A_963] : memref<3x2x64x128xf32, #tpu.memory_space<vmem>> -> memref<1x1x64x128xf32, #tpu.memory_space<vmem>>
      %dma_start3A_965 = tpu.memref_squeeze %dma_start3A_964 : memref<1x1x64x128xf32, #tpu.memory_space<vmem>> -> memref<64x128xf32, #tpu.memory_space<vmem>>
      %dma_start3A_966 = arith.constant 0 : i32
      %dma_start3A_967 = tpu.memref_slice %arg4[%dma_start3A_966, %multiple_of3A_946] : memref<64x1000000xf32, #tpu.memory_space<hbm>> -> memref<64x128xf32, #tpu.memory_space<hbm>>
      tpu.enqueue_dma source(%dma_start3A_967 : memref<64x128xf32, #tpu.memory_space<hbm>>) target(%dma_start3A_965 : memref<64x128xf32, #tpu.memory_space<vmem>>) target_semaphore(%arg12 : memref<!tpu.dma_semaphore, #tpu.memory_space<semaphore_mem>>)
      %dma_start3A_968 = arith.constant 0 : i32
      %dma_start3A_969 = arith.constant 0 : i32
      %dma_start3A_970 = arith.constant 0 : i32
      %dma_start3A_971 = arith.constant 0 : i32
      %dma_start3A_972 = tpu.memref_slice %arg10[%dma_start3A_968, %dma_start3A_969, %dma_start3A_970, %dma_start3A_971] : memref<3x2x64x128xf32, #tpu.memory_space<vmem>> -> memref<1x1x64x128xf32, #tpu.memory_space<vmem>>
      %dma_start3A_973 = tpu.memref_squeeze %dma_start3A_972 : memref<1x1x64x128xf32, #tpu.memory_space<vmem>> -> memref<64x128xf32, #tpu.memory_space<vmem>>
      %dma_start3A_974 = arith.constant 0 : i32
      %dma_start3A_975 = tpu.memref_slice %arg5[%dma_start3A_974, %multiple_of3A_953] : memref<64x1000000xf32, #tpu.memory_space<hbm>> -> memref<64x128xf32, #tpu.memory_space<hbm>>
      %dma_start3A_976 = arith.constant 0 : i32
      %dma_start3A_977 = arith.constant 0 : i32
      %dma_start3A_978 = tpu.memref_slice %arg10[%dma_start3A_968, %dma_start3A_969, %dma_start3A_976, %dma_start3A_977] : memref<3x2x64x128xf32, #tpu.memory_space<vmem>> -> memref<1x1x64x128xf32, #tpu.memory_space<vmem>>
      %dma_start3A_979 = tpu.memref_squeeze %dma_start3A_978 : memref<1x1x64x128xf32, #tpu.memory_space<vmem>> -> memref<64x128xf32, #tpu.memory_space<vmem>>
      %dma_start3A_980 = arith.constant 0 : i32
      %dma_start3A_981 = tpu.memref_slice %arg5[%dma_start3A_980, %multiple_of3A_953] : memref<64x1000000xf32, #tpu.memory_space<hbm>> -> memref<64x128xf32, #tpu.memory_space<hbm>>
      tpu.enqueue_dma source(%dma_start3A_981 : memref<64x128xf32, #tpu.memory_space<hbm>>) target(%dma_start3A_979 : memref<64x128xf32, #tpu.memory_space<vmem>>) target_semaphore(%arg13 : memref<!tpu.dma_semaphore, #tpu.memory_space<semaphore_mem>>)
      %slice3A_982 = vector.extract_strided_slice %get3A_935 {offsets = [1], sizes = [1], strides = [1]} : vector<16xi32> to vector<1xi32>
      %squeeze3A_983 = vector.extract %slice3A_982[0] : i32 from vector<1xi32>
      %shift_right_logical3A_984 = arith.constant 7 : i32
      %shift_right_logical3A_985 = arith.shrui %squeeze3A_983, %shift_right_logical3A_984 : i32
      %shift_left3A_986 = arith.constant 7 : i32
      %shift_left3A_987 = arith.shli %shift_right_logical3A_985, %shift_left3A_986 : i32
      %multiple_of3A_988 = tpu.assume_multiple %shift_left3A_987, 128 : i32
      %slice3A_989 = vector.extract_strided_slice %get3A_939 {offsets = [1], sizes = [1], strides = [1]} : vector<16xi32> to vector<1xi32>
      %squeeze3A_990 = vector.extract %slice3A_989[0] : i32 from vector<1xi32>
      %shift_right_logical3A_991 = arith.constant 7 : i32
      %shift_right_logical3A_992 = arith.shrui %squeeze3A_990, %shift_right_logical3A_991 : i32
      %shift_left3A_993 = arith.constant 7 : i32
      %shift_left3A_994 = arith.shli %shift_right_logical3A_992, %shift_left3A_993 : i32
      %multiple_of3A_995 = tpu.assume_multiple %shift_left3A_994, 128 : i32
      %dma_start3A_996 = arith.constant 0 : i32
      %dma_start3A_997 = arith.constant 1 : i32
      %dma_start3A_998 = arith.constant 0 : i32
      %dma_start3A_999 = arith.constant 0 : i32
      %dma_start3A_1000 = tpu.memref_slice %arg9[%dma_start3A_996, %dma_start3A_997, %dma_start3A_998, %dma_start3A_999] : memref<3x2x64x128xf32, #tpu.memory_space<vmem>> -> memref<1x1x64x128xf32, #tpu.memory_space<vmem>>
      %dma_start3A_1001 = tpu.memref_squeeze %dma_start3A_1000 : memref<1x1x64x128xf32, #tpu.memory_space<vmem>> -> memref<64x128xf32, #tpu.memory_space<vmem>>
      %dma_start3A_1002 = arith.constant 0 : i32
      %dma_start3A_1003 = tpu.memref_slice %arg4[%dma_start3A_1002, %multiple_of3A_988] : memref<64x1000000xf32, #tpu.memory_space<hbm>> -> memref<64x128xf32, #tpu.memory_space<hbm>>
      %dma_start3A_1004 = arith.constant 0 : i32
      %dma_start3A_1005 = arith.constant 0 : i32
      %dma_start3A_1006 = tpu.memref_slice %arg9[%dma_start3A_996, %dma_start3A_997, %dma_start3A_1004, %dma_start3A_1005] : memref<3x2x64x128xf32, #tpu.memory_space<vmem>> -> memref<1x1x64x128xf32, #tpu.memory_space<vmem>>
      %dma_start3A_1007 = tpu.memref_squeeze %dma_start3A_1006 : memref<1x1x64x128xf32, #tpu.memory_space<vmem>> -> memref<64x128xf32, #tpu.memory_space<vmem>>
      %dma_start3A_1008 = arith.constant 0 : i32
      %dma_start3A_1009 = tpu.memref_slice %arg4[%dma_start3A_1008, %multiple_of3A_988] : memref<64x1000000xf32, #tpu.memory_space<hbm>> -> memref<64x128xf32, #tpu.memory_space<hbm>>
      tpu.enqueue_dma source(%dma_start3A_1009 : memref<64x128xf32, #tpu.memory_space<hbm>>) target(%dma_start3A_1007 : memref<64x128xf32, #tpu.memory_space<vmem>>) target_semaphore(%arg12 : memref<!tpu.dma_semaphore, #tpu.memory_space<semaphore_mem>>)
      %dma_start3A_1010 = arith.constant 0 : i32
      %dma_start3A_1011 = arith.constant 1 : i32
      %dma_start3A_1012 = arith.constant 0 : i32
      %dma_start3A_1013 = arith.constant 0 : i32
      %dma_start3A_1014 = tpu.memref_slice %arg10[%dma_start3A_1010, %dma_start3A_1011, %dma_start3A_1012, %dma_start3A_1013] : memref<3x2x64x128xf32, #tpu.memory_space<vmem>> -> memref<1x1x64x128xf32, #tpu.memory_space<vmem>>
      %dma_start3A_1015 = tpu.memref_squeeze %dma_start3A_1014 : memref<1x1x64x128xf32, #tpu.memory_space<vmem>> -> memref<64x128xf32, #tpu.memory_space<vmem>>
      %dma_start3A_1016 = arith.constant 0 : i32
      %dma_start3A_1017 = tpu.memref_slice %arg5[%dma_start3A_1016, %multiple_of3A_995] : memref<64x1000000xf32, #tpu.memory_space<hbm>> -> memref<64x128xf32, #tpu.memory_space<hbm>>
      %dma_start3A_1018 = arith.constant 0 : i32
      %dma_start3A_1019 = arith.constant 0 : i32
      %dma_start3A_1020 = tpu.memref_slice %arg10[%dma_start3A_1010, %dma_start3A_1011, %dma_start3A_1018, %dma_start3A_1019] : memref<3x2x64x128xf32, #tpu.memory_space<vmem>> -> memref<1x1x64x128xf32, #tpu.memory_space<vmem>>
      %dma_start3A_1021 = tpu.memref_squeeze %dma_start3A_1020 : memref<1x1x64x128xf32, #tpu.memory_space<vmem>> -> memref<64x128xf32, #tpu.memory_space<vmem>>
      %dma_start3A_1022 = arith.constant 0 : i32
      %dma_start3A_1023 = tpu.memref_slice %arg5[%dma_start3A_1022, %multiple_of3A_995] : memref<64x1000000xf32, #tpu.memory_space<hbm>> -> memref<64x128xf32, #tpu.memory_space<hbm>>
      tpu.enqueue_dma source(%dma_start3A_1023 : memref<64x128xf32, #tpu.memory_space<hbm>>) target(%dma_start3A_1021 : memref<64x128xf32, #tpu.memory_space<vmem>>) target_semaphore(%arg13 : memref<!tpu.dma_semaphore, #tpu.memory_space<semaphore_mem>>)
      %mul3A_1024 = arith.constant 3 : i32
      %mul3A_1025 = arith.muli %scan3A_662, %mul3A_1024 : i32
      %add3A_1026 = arith.constant 1 : i32
      %add3A_1027 = arith.addi %mul3A_1025, %add3A_1026 : i32
      %dma_wait3A_1028 = arith.constant 1 : i32
      %dma_wait3A_1029 = arith.constant 0 : i32
      %dma_wait3A_1030 = arith.constant 0 : i32
      %dma_wait3A_1031 = arith.constant 0 : i32
      %dma_wait3A_1032 = tpu.memref_slice %arg9[%dma_wait3A_1028, %dma_wait3A_1029, %dma_wait3A_1030, %dma_wait3A_1031] : memref<3x2x64x128xf32, #tpu.memory_space<vmem>> -> memref<1x1x64x128xf32, #tpu.memory_space<vmem>>
      %dma_wait3A_1033 = tpu.memref_squeeze %dma_wait3A_1032 : memref<1x1x64x128xf32, #tpu.memory_space<vmem>> -> memref<64x128xf32, #tpu.memory_space<vmem>>
      %dma_wait3A_1034 = arith.constant 0 : i32
      %dma_wait3A_1035 = arith.constant 0 : i32
      %dma_wait3A_1036 = tpu.memref_slice %arg4[%dma_wait3A_1034, %dma_wait3A_1035] : memref<64x1000000xf32, #tpu.memory_space<hbm>> -> memref<64x128xf32, #tpu.memory_space<hbm>>
      %dma_wait3A_1037 = arith.constant 0 : i32
      %dma_wait3A_1038 = arith.constant 0 : i32
      %dma_wait3A_1039 = tpu.memref_slice %arg9[%dma_wait3A_1028, %dma_wait3A_1029, %dma_wait3A_1037, %dma_wait3A_1038] : memref<3x2x64x128xf32, #tpu.memory_space<vmem>> -> memref<1x1x64x128xf32, #tpu.memory_space<vmem>>
      %dma_wait3A_1040 = tpu.memref_squeeze %dma_wait3A_1039 : memref<1x1x64x128xf32, #tpu.memory_space<vmem>> -> memref<64x128xf32, #tpu.memory_space<vmem>>
      %dma_wait3A_1041 = arith.constant 0 : i32
      %dma_wait3A_1042 = arith.constant 0 : i32
      %dma_wait3A_1043 = tpu.memref_slice %arg4[%dma_wait3A_1041, %dma_wait3A_1042] : memref<64x1000000xf32, #tpu.memory_space<hbm>> -> memref<64x128xf32, #tpu.memory_space<hbm>>
      tpu.wait_dma2 semaphore(%arg14 : memref<!tpu.dma_semaphore, #tpu.memory_space<semaphore_mem>>) src(%dma_wait3A_1043 : memref<64x128xf32, #tpu.memory_space<hbm>>) dst(%dma_wait3A_1040 : memref<64x128xf32, #tpu.memory_space<vmem>>)
      %dma_wait3A_1044 = arith.constant 1 : i32
      %dma_wait3A_1045 = arith.constant 0 : i32
      %dma_wait3A_1046 = arith.constant 0 : i32
      %dma_wait3A_1047 = arith.constant 0 : i32
      %dma_wait3A_1048 = tpu.memref_slice %arg10[%dma_wait3A_1044, %dma_wait3A_1045, %dma_wait3A_1046, %dma_wait3A_1047] : memref<3x2x64x128xf32, #tpu.memory_space<vmem>> -> memref<1x1x64x128xf32, #tpu.memory_space<vmem>>
      %dma_wait3A_1049 = tpu.memref_squeeze %dma_wait3A_1048 : memref<1x1x64x128xf32, #tpu.memory_space<vmem>> -> memref<64x128xf32, #tpu.memory_space<vmem>>
      %dma_wait3A_1050 = arith.constant 0 : i32
      %dma_wait3A_1051 = arith.constant 0 : i32
      %dma_wait3A_1052 = tpu.memref_slice %arg5[%dma_wait3A_1050, %dma_wait3A_1051] : memref<64x1000000xf32, #tpu.memory_space<hbm>> -> memref<64x128xf32, #tpu.memory_space<hbm>>
      %dma_wait3A_1053 = arith.constant 0 : i32
      %dma_wait3A_1054 = arith.constant 0 : i32
      %dma_wait3A_1055 = tpu.memref_slice %arg10[%dma_wait3A_1044, %dma_wait3A_1045, %dma_wait3A_1053, %dma_wait3A_1054] : memref<3x2x64x128xf32, #tpu.memory_space<vmem>> -> memref<1x1x64x128xf32, #tpu.memory_space<vmem>>
      %dma_wait3A_1056 = tpu.memref_squeeze %dma_wait3A_1055 : memref<1x1x64x128xf32, #tpu.memory_space<vmem>> -> memref<64x128xf32, #tpu.memory_space<vmem>>
      %dma_wait3A_1057 = arith.constant 0 : i32
      %dma_wait3A_1058 = arith.constant 0 : i32
      %dma_wait3A_1059 = tpu.memref_slice %arg5[%dma_wait3A_1057, %dma_wait3A_1058] : memref<64x1000000xf32, #tpu.memory_space<hbm>> -> memref<64x128xf32, #tpu.memory_space<hbm>>
      tpu.wait_dma2 semaphore(%arg15 : memref<!tpu.dma_semaphore, #tpu.memory_space<semaphore_mem>>) src(%dma_wait3A_1059 : memref<64x128xf32, #tpu.memory_space<hbm>>) dst(%dma_wait3A_1056 : memref<64x128xf32, #tpu.memory_space<vmem>>)
      %dma_wait3A_1060 = arith.constant 1 : i32
      %dma_wait3A_1061 = arith.constant 1 : i32
      %dma_wait3A_1062 = arith.constant 0 : i32
      %dma_wait3A_1063 = arith.constant 0 : i32
      %dma_wait3A_1064 = tpu.memref_slice %arg9[%dma_wait3A_1060, %dma_wait3A_1061, %dma_wait3A_1062, %dma_wait3A_1063] : memref<3x2x64x128xf32, #tpu.memory_space<vmem>> -> memref<1x1x64x128xf32, #tpu.memory_space<vmem>>
      %dma_wait3A_1065 = tpu.memref_squeeze %dma_wait3A_1064 : memref<1x1x64x128xf32, #tpu.memory_space<vmem>> -> memref<64x128xf32, #tpu.memory_space<vmem>>
      %dma_wait3A_1066 = arith.constant 0 : i32
      %dma_wait3A_1067 = arith.constant 0 : i32
      %dma_wait3A_1068 = tpu.memref_slice %arg4[%dma_wait3A_1066, %dma_wait3A_1067] : memref<64x1000000xf32, #tpu.memory_space<hbm>> -> memref<64x128xf32, #tpu.memory_space<hbm>>
      %dma_wait3A_1069 = arith.constant 0 : i32
      %dma_wait3A_1070 = arith.constant 0 : i32
      %dma_wait3A_1071 = tpu.memref_slice %arg9[%dma_wait3A_1060, %dma_wait3A_1061, %dma_wait3A_1069, %dma_wait3A_1070] : memref<3x2x64x128xf32, #tpu.memory_space<vmem>> -> memref<1x1x64x128xf32, #tpu.memory_space<vmem>>
      %dma_wait3A_1072 = tpu.memref_squeeze %dma_wait3A_1071 : memref<1x1x64x128xf32, #tpu.memory_space<vmem>> -> memref<64x128xf32, #tpu.memory_space<vmem>>
      %dma_wait3A_1073 = arith.constant 0 : i32
      %dma_wait3A_1074 = arith.constant 0 : i32
      %dma_wait3A_1075 = tpu.memref_slice %arg4[%dma_wait3A_1073, %dma_wait3A_1074] : memref<64x1000000xf32, #tpu.memory_space<hbm>> -> memref<64x128xf32, #tpu.memory_space<hbm>>
      tpu.wait_dma2 semaphore(%arg14 : memref<!tpu.dma_semaphore, #tpu.memory_space<semaphore_mem>>) src(%dma_wait3A_1075 : memref<64x128xf32, #tpu.memory_space<hbm>>) dst(%dma_wait3A_1072 : memref<64x128xf32, #tpu.memory_space<vmem>>)
      %dma_wait3A_1076 = arith.constant 1 : i32
      %dma_wait3A_1077 = arith.constant 1 : i32
      %dma_wait3A_1078 = arith.constant 0 : i32
      %dma_wait3A_1079 = arith.constant 0 : i32
      %dma_wait3A_1080 = tpu.memref_slice %arg10[%dma_wait3A_1076, %dma_wait3A_1077, %dma_wait3A_1078, %dma_wait3A_1079] : memref<3x2x64x128xf32, #tpu.memory_space<vmem>> -> memref<1x1x64x128xf32, #tpu.memory_space<vmem>>
      %dma_wait3A_1081 = tpu.memref_squeeze %dma_wait3A_1080 : memref<1x1x64x128xf32, #tpu.memory_space<vmem>> -> memref<64x128xf32, #tpu.memory_space<vmem>>
      %dma_wait3A_1082 = arith.constant 0 : i32
      %dma_wait3A_1083 = arith.constant 0 : i32
      %dma_wait3A_1084 = tpu.memref_slice %arg5[%dma_wait3A_1082, %dma_wait3A_1083] : memref<64x1000000xf32, #tpu.memory_space<hbm>> -> memref<64x128xf32, #tpu.memory_space<hbm>>
      %dma_wait3A_1085 = arith.constant 0 : i32
      %dma_wait3A_1086 = arith.constant 0 : i32
      %dma_wait3A_1087 = tpu.memref_slice %arg10[%dma_wait3A_1076, %dma_wait3A_1077, %dma_wait3A_1085, %dma_wait3A_1086] : memref<3x2x64x128xf32, #tpu.memory_space<vmem>> -> memref<1x1x64x128xf32, #tpu.memory_space<vmem>>
      %dma_wait3A_1088 = tpu.memref_squeeze %dma_wait3A_1087 : memref<1x1x64x128xf32, #tpu.memory_space<vmem>> -> memref<64x128xf32, #tpu.memory_space<vmem>>
      %dma_wait3A_1089 = arith.constant 0 : i32
      %dma_wait3A_1090 = arith.constant 0 : i32
      %dma_wait3A_1091 = tpu.memref_slice %arg5[%dma_wait3A_1089, %dma_wait3A_1090] : memref<64x1000000xf32, #tpu.memory_space<hbm>> -> memref<64x128xf32, #tpu.memory_space<hbm>>
      tpu.wait_dma2 semaphore(%arg15 : memref<!tpu.dma_semaphore, #tpu.memory_space<semaphore_mem>>) src(%dma_wait3A_1091 : memref<64x128xf32, #tpu.memory_space<hbm>>) dst(%dma_wait3A_1088 : memref<64x128xf32, #tpu.memory_space<vmem>>)
      %mul3A_1092 = arith.constant 2 : i32
      %mul3A_1093 = arith.muli %add3A_1027, %mul3A_1092 : i32
      %add3A_1094 = vector.broadcast %mul3A_1093 : i32 to vector<16xi32>
      %add3A_1095 = arith.addi %add3A_1094, %and3A_10 : vector<16xi32>
      %gather3A_1096 = tpu.vector_load_idx %arg7[%add3A_1095] : memref<528xi32, #tpu.memory_space<vmem>>[vector<16xi32>], vector<16xi32>,
      %and3A_1097 = arith.constant 127 : i32
      %and3A_1098 = vector.broadcast %and3A_1097 : i32 to vector<16xi32>
      %and3A_1099 = arith.andi %gather3A_1096, %and3A_1098 : vector<16xi32>
      %mul3A_1100 = arith.constant 2 : i32
      %mul3A_1101 = arith.muli %add3A_1027, %mul3A_1100 : i32
      %add3A_1102 = vector.broadcast %mul3A_1101 : i32 to vector<16xi32>
      %add3A_1103 = arith.addi %add3A_1102, %and3A_10 : vector<16xi32>
      %gather3A_1104 = tpu.vector_load_idx %arg8[%add3A_1103] : memref<528xi32, #tpu.memory_space<vmem>>[vector<16xi32>], vector<16xi32>,
      %and3A_1105 = arith.constant 127 : i32
      %and3A_1106 = vector.broadcast %and3A_1105 : i32 to vector<16xi32>
      %and3A_1107 = arith.andi %gather3A_1104, %and3A_1106 : vector<16xi32>
      %broadcast_in_dim3A_1108 = arith.constant 0.000000e+00 : f32
      %broadcast_in_dim3A_1109 = vector.broadcast %broadcast_in_dim3A_1108 : f32 to vector<16xf32>
      %shift_left3A_1110 = arith.constant 3 : i32
      %shift_left3A_1111 = vector.broadcast %shift_left3A_1110 : i32 to vector<16xi32>
      %shift_left3A_1112 = arith.shli %shift_right_logical3A_12, %shift_left3A_1111 : vector<16xi32>
      %add3A_1113 = arith.constant 0 : i32
      %add3A_1114 = vector.broadcast %add3A_1113 : i32 to vector<16xi32>
      %add3A_1115 = arith.addi %shift_left3A_1112, %add3A_1114 : vector<16xi32>
      %gather3A_1116 = arith.constant 1 : i32
      %gather3A_1117 = arith.constant 0 : i32
      %gather3A_1118 = arith.constant 0 : i32
      %gather3A_1119 = arith.constant 0 : i32
      %gather3A_1120 = tpu.memref_slice %arg9[%gather3A_1116, %gather3A_1117, %gather3A_1118, %gather3A_1119] : memref<3x2x64x128xf32, #tpu.memory_space<vmem>> -> memref<1x2x64x128xf32, #tpu.memory_space<vmem>>
      %gather3A_1121 = tpu.memref_squeeze %gather3A_1120 : memref<1x2x64x128xf32, #tpu.memory_space<vmem>> -> memref<2x64x128xf32, #tpu.memory_space<vmem>>
      %gather3A_1122 = tpu.vector_load_idx %gather3A_1121[%and3A_10, %add3A_1115, %and3A_1099] : memref<2x64x128xf32, #tpu.memory_space<vmem>>[vector<16xi32>, vector<16xi32>, vector<16xi32>], vector<16xf32>,
      %gather3A_1123 = arith.constant 1 : i32
      %gather3A_1124 = arith.constant 0 : i32
      %gather3A_1125 = arith.constant 0 : i32
      %gather3A_1126 = arith.constant 0 : i32
      %gather3A_1127 = tpu.memref_slice %arg10[%gather3A_1123, %gather3A_1124, %gather3A_1125, %gather3A_1126] : memref<3x2x64x128xf32, #tpu.memory_space<vmem>> -> memref<1x2x64x128xf32, #tpu.memory_space<vmem>>
      %gather3A_1128 = tpu.memref_squeeze %gather3A_1127 : memref<1x2x64x128xf32, #tpu.memory_space<vmem>> -> memref<2x64x128xf32, #tpu.memory_space<vmem>>
      %gather3A_1129 = tpu.vector_load_idx %gather3A_1128[%and3A_10, %add3A_1115, %and3A_1107] : memref<2x64x128xf32, #tpu.memory_space<vmem>>[vector<16xi32>, vector<16xi32>, vector<16xi32>], vector<16xf32>,
      %mul3A_1130 = arith.mulf %gather3A_1122, %gather3A_1129 : vector<16xf32>
      %add3A_1131 = arith.addf %broadcast_in_dim3A_1109, %mul3A_1130 : vector<16xf32>
      %shift_left3A_1132 = arith.constant 3 : i32
      %shift_left3A_1133 = vector.broadcast %shift_left3A_1132 : i32 to vector<16xi32>
      %shift_left3A_1134 = arith.shli %shift_right_logical3A_12, %shift_left3A_1133 : vector<16xi32>
      %add3A_1135 = arith.constant 1 : i32
      %add3A_1136 = vector.broadcast %add3A_1135 : i32 to vector<16xi32>
      %add3A_1137 = arith.addi %shift_left3A_1134, %add3A_1136 : vector<16xi32>
      %gather3A_1138 = arith.constant 1 : i32
      %gather3A_1139 = arith.constant 0 : i32
      %gather3A_1140 = arith.constant 0 : i32
      %gather3A_1141 = arith.constant 0 : i32
      %gather3A_1142 = tpu.memref_slice %arg9[%gather3A_1138, %gather3A_1139, %gather3A_1140, %gather3A_1141] : memref<3x2x64x128xf32, #tpu.memory_space<vmem>> -> memref<1x2x64x128xf32, #tpu.memory_space<vmem>>
      %gather3A_1143 = tpu.memref_squeeze %gather3A_1142 : memref<1x2x64x128xf32, #tpu.memory_space<vmem>> -> memref<2x64x128xf32, #tpu.memory_space<vmem>>
      %gather3A_1144 = tpu.vector_load_idx %gather3A_1143[%and3A_10, %add3A_1137, %and3A_1099] : memref<2x64x128xf32, #tpu.memory_space<vmem>>[vector<16xi32>, vector<16xi32>, vector<16xi32>], vector<16xf32>,
      %gather3A_1145 = arith.constant 1 : i32
      %gather3A_1146 = arith.constant 0 : i32
      %gather3A_1147 = arith.constant 0 : i32
      %gather3A_1148 = arith.constant 0 : i32
      %gather3A_1149 = tpu.memref_slice %arg10[%gather3A_1145, %gather3A_1146, %gather3A_1147, %gather3A_1148] : memref<3x2x64x128xf32, #tpu.memory_space<vmem>> -> memref<1x2x64x128xf32, #tpu.memory_space<vmem>>
      %gather3A_1150 = tpu.memref_squeeze %gather3A_1149 : memref<1x2x64x128xf32, #tpu.memory_space<vmem>> -> memref<2x64x128xf32, #tpu.memory_space<vmem>>
      %gather3A_1151 = tpu.vector_load_idx %gather3A_1150[%and3A_10, %add3A_1137, %and3A_1107] : memref<2x64x128xf32, #tpu.memory_space<vmem>>[vector<16xi32>, vector<16xi32>, vector<16xi32>], vector<16xf32>,
      %mul3A_1152 = arith.mulf %gather3A_1144, %gather3A_1151 : vector<16xf32>
      %add3A_1153 = arith.addf %add3A_1131, %mul3A_1152 : vector<16xf32>
      %shift_left3A_1154 = arith.constant 3 : i32
      %shift_left3A_1155 = vector.broadcast %shift_left3A_1154 : i32 to vector<16xi32>
      %shift_left3A_1156 = arith.shli %shift_right_logical3A_12, %shift_left3A_1155 : vector<16xi32>
      %add3A_1157 = arith.constant 2 : i32
      %add3A_1158 = vector.broadcast %add3A_1157 : i32 to vector<16xi32>
      %add3A_1159 = arith.addi %shift_left3A_1156, %add3A_1158 : vector<16xi32>
      %gather3A_1160 = arith.constant 1 : i32
      %gather3A_1161 = arith.constant 0 : i32
      %gather3A_1162 = arith.constant 0 : i32
      %gather3A_1163 = arith.constant 0 : i32
      %gather3A_1164 = tpu.memref_slice %arg9[%gather3A_1160, %gather3A_1161, %gather3A_1162, %gather3A_1163] : memref<3x2x64x128xf32, #tpu.memory_space<vmem>> -> memref<1x2x64x128xf32, #tpu.memory_space<vmem>>
      %gather3A_1165 = tpu.memref_squeeze %gather3A_1164 : memref<1x2x64x128xf32, #tpu.memory_space<vmem>> -> memref<2x64x128xf32, #tpu.memory_space<vmem>>
      %gather3A_1166 = tpu.vector_load_idx %gather3A_1165[%and3A_10, %add3A_1159, %and3A_1099] : memref<2x64x128xf32, #tpu.memory_space<vmem>>[vector<16xi32>, vector<16xi32>, vector<16xi32>], vector<16xf32>,
      %gather3A_1167 = arith.constant 1 : i32
      %gather3A_1168 = arith.constant 0 : i32
      %gather3A_1169 = arith.constant 0 : i32
      %gather3A_1170 = arith.constant 0 : i32
      %gather3A_1171 = tpu.memref_slice %arg10[%gather3A_1167, %gather3A_1168, %gather3A_1169, %gather3A_1170] : memref<3x2x64x128xf32, #tpu.memory_space<vmem>> -> memref<1x2x64x128xf32, #tpu.memory_space<vmem>>
      %gather3A_1172 = tpu.memref_squeeze %gather3A_1171 : memref<1x2x64x128xf32, #tpu.memory_space<vmem>> -> memref<2x64x128xf32, #tpu.memory_space<vmem>>
      %gather3A_1173 = tpu.vector_load_idx %gather3A_1172[%and3A_10, %add3A_1159, %and3A_1107] : memref<2x64x128xf32, #tpu.memory_space<vmem>>[vector<16xi32>, vector<16xi32>, vector<16xi32>], vector<16xf32>,
      %mul3A_1174 = arith.mulf %gather3A_1166, %gather3A_1173 : vector<16xf32>
      %add3A_1175 = arith.addf %add3A_1153, %mul3A_1174 : vector<16xf32>
      %shift_left3A_1176 = arith.constant 3 : i32
      %shift_left3A_1177 = vector.broadcast %shift_left3A_1176 : i32 to vector<16xi32>
      %shift_left3A_1178 = arith.shli %shift_right_logical3A_12, %shift_left3A_1177 : vector<16xi32>
      %add3A_1179 = arith.constant 3 : i32
      %add3A_1180 = vector.broadcast %add3A_1179 : i32 to vector<16xi32>
      %add3A_1181 = arith.addi %shift_left3A_1178, %add3A_1180 : vector<16xi32>
      %gather3A_1182 = arith.constant 1 : i32
      %gather3A_1183 = arith.constant 0 : i32
      %gather3A_1184 = arith.constant 0 : i32
      %gather3A_1185 = arith.constant 0 : i32
      %gather3A_1186 = tpu.memref_slice %arg9[%gather3A_1182, %gather3A_1183, %gather3A_1184, %gather3A_1185] : memref<3x2x64x128xf32, #tpu.memory_space<vmem>> -> memref<1x2x64x128xf32, #tpu.memory_space<vmem>>
      %gather3A_1187 = tpu.memref_squeeze %gather3A_1186 : memref<1x2x64x128xf32, #tpu.memory_space<vmem>> -> memref<2x64x128xf32, #tpu.memory_space<vmem>>
      %gather3A_1188 = tpu.vector_load_idx %gather3A_1187[%and3A_10, %add3A_1181, %and3A_1099] : memref<2x64x128xf32, #tpu.memory_space<vmem>>[vector<16xi32>, vector<16xi32>, vector<16xi32>], vector<16xf32>,
      %gather3A_1189 = arith.constant 1 : i32
      %gather3A_1190 = arith.constant 0 : i32
      %gather3A_1191 = arith.constant 0 : i32
      %gather3A_1192 = arith.constant 0 : i32
      %gather3A_1193 = tpu.memref_slice %arg10[%gather3A_1189, %gather3A_1190, %gather3A_1191, %gather3A_1192] : memref<3x2x64x128xf32, #tpu.memory_space<vmem>> -> memref<1x2x64x128xf32, #tpu.memory_space<vmem>>
      %gather3A_1194 = tpu.memref_squeeze %gather3A_1193 : memref<1x2x64x128xf32, #tpu.memory_space<vmem>> -> memref<2x64x128xf32, #tpu.memory_space<vmem>>
      %gather3A_1195 = tpu.vector_load_idx %gather3A_1194[%and3A_10, %add3A_1181, %and3A_1107] : memref<2x64x128xf32, #tpu.memory_space<vmem>>[vector<16xi32>, vector<16xi32>, vector<16xi32>], vector<16xf32>,
      %mul3A_1196 = arith.mulf %gather3A_1188, %gather3A_1195 : vector<16xf32>
      %add3A_1197 = arith.addf %add3A_1175, %mul3A_1196 : vector<16xf32>
      %shift_left3A_1198 = arith.constant 3 : i32
      %shift_left3A_1199 = vector.broadcast %shift_left3A_1198 : i32 to vector<16xi32>
      %shift_left3A_1200 = arith.shli %shift_right_logical3A_12, %shift_left3A_1199 : vector<16xi32>
      %add3A_1201 = arith.constant 4 : i32
      %add3A_1202 = vector.broadcast %add3A_1201 : i32 to vector<16xi32>
      %add3A_1203 = arith.addi %shift_left3A_1200, %add3A_1202 : vector<16xi32>
      %gather3A_1204 = arith.constant 1 : i32
      %gather3A_1205 = arith.constant 0 : i32
      %gather3A_1206 = arith.constant 0 : i32
      %gather3A_1207 = arith.constant 0 : i32
      %gather3A_1208 = tpu.memref_slice %arg9[%gather3A_1204, %gather3A_1205, %gather3A_1206, %gather3A_1207] : memref<3x2x64x128xf32, #tpu.memory_space<vmem>> -> memref<1x2x64x128xf32, #tpu.memory_space<vmem>>
      %gather3A_1209 = tpu.memref_squeeze %gather3A_1208 : memref<1x2x64x128xf32, #tpu.memory_space<vmem>> -> memref<2x64x128xf32, #tpu.memory_space<vmem>>
      %gather3A_1210 = tpu.vector_load_idx %gather3A_1209[%and3A_10, %add3A_1203, %and3A_1099] : memref<2x64x128xf32, #tpu.memory_space<vmem>>[vector<16xi32>, vector<16xi32>, vector<16xi32>], vector<16xf32>,
      %gather3A_1211 = arith.constant 1 : i32
      %gather3A_1212 = arith.constant 0 : i32
      %gather3A_1213 = arith.constant 0 : i32
      %gather3A_1214 = arith.constant 0 : i32
      %gather3A_1215 = tpu.memref_slice %arg10[%gather3A_1211, %gather3A_1212, %gather3A_1213, %gather3A_1214] : memref<3x2x64x128xf32, #tpu.memory_space<vmem>> -> memref<1x2x64x128xf32, #tpu.memory_space<vmem>>
      %gather3A_1216 = tpu.memref_squeeze %gather3A_1215 : memref<1x2x64x128xf32, #tpu.memory_space<vmem>> -> memref<2x64x128xf32, #tpu.memory_space<vmem>>
      %gather3A_1217 = tpu.vector_load_idx %gather3A_1216[%and3A_10, %add3A_1203, %and3A_1107] : memref<2x64x128xf32, #tpu.memory_space<vmem>>[vector<16xi32>, vector<16xi32>, vector<16xi32>], vector<16xf32>,
      %mul3A_1218 = arith.mulf %gather3A_1210, %gather3A_1217 : vector<16xf32>
      %add3A_1219 = arith.addf %add3A_1197, %mul3A_1218 : vector<16xf32>
      %shift_left3A_1220 = arith.constant 3 : i32
      %shift_left3A_1221 = vector.broadcast %shift_left3A_1220 : i32 to vector<16xi32>
      %shift_left3A_1222 = arith.shli %shift_right_logical3A_12, %shift_left3A_1221 : vector<16xi32>
      %add3A_1223 = arith.constant 5 : i32
      %add3A_1224 = vector.broadcast %add3A_1223 : i32 to vector<16xi32>
      %add3A_1225 = arith.addi %shift_left3A_1222, %add3A_1224 : vector<16xi32>
      %gather3A_1226 = arith.constant 1 : i32
      %gather3A_1227 = arith.constant 0 : i32
      %gather3A_1228 = arith.constant 0 : i32
      %gather3A_1229 = arith.constant 0 : i32
      %gather3A_1230 = tpu.memref_slice %arg9[%gather3A_1226, %gather3A_1227, %gather3A_1228, %gather3A_1229] : memref<3x2x64x128xf32, #tpu.memory_space<vmem>> -> memref<1x2x64x128xf32, #tpu.memory_space<vmem>>
      %gather3A_1231 = tpu.memref_squeeze %gather3A_1230 : memref<1x2x64x128xf32, #tpu.memory_space<vmem>> -> memref<2x64x128xf32, #tpu.memory_space<vmem>>
      %gather3A_1232 = tpu.vector_load_idx %gather3A_1231[%and3A_10, %add3A_1225, %and3A_1099] : memref<2x64x128xf32, #tpu.memory_space<vmem>>[vector<16xi32>, vector<16xi32>, vector<16xi32>], vector<16xf32>,
      %gather3A_1233 = arith.constant 1 : i32
      %gather3A_1234 = arith.constant 0 : i32
      %gather3A_1235 = arith.constant 0 : i32
      %gather3A_1236 = arith.constant 0 : i32
      %gather3A_1237 = tpu.memref_slice %arg10[%gather3A_1233, %gather3A_1234, %gather3A_1235, %gather3A_1236] : memref<3x2x64x128xf32, #tpu.memory_space<vmem>> -> memref<1x2x64x128xf32, #tpu.memory_space<vmem>>
      %gather3A_1238 = tpu.memref_squeeze %gather3A_1237 : memref<1x2x64x128xf32, #tpu.memory_space<vmem>> -> memref<2x64x128xf32, #tpu.memory_space<vmem>>
      %gather3A_1239 = tpu.vector_load_idx %gather3A_1238[%and3A_10, %add3A_1225, %and3A_1107] : memref<2x64x128xf32, #tpu.memory_space<vmem>>[vector<16xi32>, vector<16xi32>, vector<16xi32>], vector<16xf32>,
      %mul3A_1240 = arith.mulf %gather3A_1232, %gather3A_1239 : vector<16xf32>
      %add3A_1241 = arith.addf %add3A_1219, %mul3A_1240 : vector<16xf32>
      %shift_left3A_1242 = arith.constant 3 : i32
      %shift_left3A_1243 = vector.broadcast %shift_left3A_1242 : i32 to vector<16xi32>
      %shift_left3A_1244 = arith.shli %shift_right_logical3A_12, %shift_left3A_1243 : vector<16xi32>
      %add3A_1245 = arith.constant 6 : i32
      %add3A_1246 = vector.broadcast %add3A_1245 : i32 to vector<16xi32>
      %add3A_1247 = arith.addi %shift_left3A_1244, %add3A_1246 : vector<16xi32>
      %gather3A_1248 = arith.constant 1 : i32
      %gather3A_1249 = arith.constant 0 : i32
      %gather3A_1250 = arith.constant 0 : i32
      %gather3A_1251 = arith.constant 0 : i32
      %gather3A_1252 = tpu.memref_slice %arg9[%gather3A_1248, %gather3A_1249, %gather3A_1250, %gather3A_1251] : memref<3x2x64x128xf32, #tpu.memory_space<vmem>> -> memref<1x2x64x128xf32, #tpu.memory_space<vmem>>
      %gather3A_1253 = tpu.memref_squeeze %gather3A_1252 : memref<1x2x64x128xf32, #tpu.memory_space<vmem>> -> memref<2x64x128xf32, #tpu.memory_space<vmem>>
      %gather3A_1254 = tpu.vector_load_idx %gather3A_1253[%and3A_10, %add3A_1247, %and3A_1099] : memref<2x64x128xf32, #tpu.memory_space<vmem>>[vector<16xi32>, vector<16xi32>, vector<16xi32>], vector<16xf32>,
      %gather3A_1255 = arith.constant 1 : i32
      %gather3A_1256 = arith.constant 0 : i32
      %gather3A_1257 = arith.constant 0 : i32
      %gather3A_1258 = arith.constant 0 : i32
      %gather3A_1259 = tpu.memref_slice %arg10[%gather3A_1255, %gather3A_1256, %gather3A_1257, %gather3A_1258] : memref<3x2x64x128xf32, #tpu.memory_space<vmem>> -> memref<1x2x64x128xf32, #tpu.memory_space<vmem>>
      %gather3A_1260 = tpu.memref_squeeze %gather3A_1259 : memref<1x2x64x128xf32, #tpu.memory_space<vmem>> -> memref<2x64x128xf32, #tpu.memory_space<vmem>>
      %gather3A_1261 = tpu.vector_load_idx %gather3A_1260[%and3A_10, %add3A_1247, %and3A_1107] : memref<2x64x128xf32, #tpu.memory_space<vmem>>[vector<16xi32>, vector<16xi32>, vector<16xi32>], vector<16xf32>,
      %mul3A_1262 = arith.mulf %gather3A_1254, %gather3A_1261 : vector<16xf32>
      %add3A_1263 = arith.addf %add3A_1241, %mul3A_1262 : vector<16xf32>
      %shift_left3A_1264 = arith.constant 3 : i32
      %shift_left3A_1265 = vector.broadcast %shift_left3A_1264 : i32 to vector<16xi32>
      %shift_left3A_1266 = arith.shli %shift_right_logical3A_12, %shift_left3A_1265 : vector<16xi32>
      %add3A_1267 = arith.constant 7 : i32
      %add3A_1268 = vector.broadcast %add3A_1267 : i32 to vector<16xi32>
      %add3A_1269 = arith.addi %shift_left3A_1266, %add3A_1268 : vector<16xi32>
      %gather3A_1270 = arith.constant 1 : i32
      %gather3A_1271 = arith.constant 0 : i32
      %gather3A_1272 = arith.constant 0 : i32
      %gather3A_1273 = arith.constant 0 : i32
      %gather3A_1274 = tpu.memref_slice %arg9[%gather3A_1270, %gather3A_1271, %gather3A_1272, %gather3A_1273] : memref<3x2x64x128xf32, #tpu.memory_space<vmem>> -> memref<1x2x64x128xf32, #tpu.memory_space<vmem>>
      %gather3A_1275 = tpu.memref_squeeze %gather3A_1274 : memref<1x2x64x128xf32, #tpu.memory_space<vmem>> -> memref<2x64x128xf32, #tpu.memory_space<vmem>>
      %gather3A_1276 = tpu.vector_load_idx %gather3A_1275[%and3A_10, %add3A_1269, %and3A_1099] : memref<2x64x128xf32, #tpu.memory_space<vmem>>[vector<16xi32>, vector<16xi32>, vector<16xi32>], vector<16xf32>,
      %gather3A_1277 = arith.constant 1 : i32
      %gather3A_1278 = arith.constant 0 : i32
      %gather3A_1279 = arith.constant 0 : i32
      %gather3A_1280 = arith.constant 0 : i32
      %gather3A_1281 = tpu.memref_slice %arg10[%gather3A_1277, %gather3A_1278, %gather3A_1279, %gather3A_1280] : memref<3x2x64x128xf32, #tpu.memory_space<vmem>> -> memref<1x2x64x128xf32, #tpu.memory_space<vmem>>
      %gather3A_1282 = tpu.memref_squeeze %gather3A_1281 : memref<1x2x64x128xf32, #tpu.memory_space<vmem>> -> memref<2x64x128xf32, #tpu.memory_space<vmem>>
      %gather3A_1283 = tpu.vector_load_idx %gather3A_1282[%and3A_10, %add3A_1269, %and3A_1107] : memref<2x64x128xf32, #tpu.memory_space<vmem>>[vector<16xi32>, vector<16xi32>, vector<16xi32>], vector<16xf32>,
      %mul3A_1284 = arith.mulf %gather3A_1276, %gather3A_1283 : vector<16xf32>
      %add3A_1285 = arith.addf %add3A_1263, %mul3A_1284 : vector<16xf32>
      %mul3A_1286 = arith.constant 2 : i32
      %mul3A_1287 = arith.muli %add3A_1027, %mul3A_1286 : i32
      %add3A_1288 = vector.broadcast %mul3A_1287 : i32 to vector<16xi32>
      %add3A_1289 = arith.addi %add3A_1288, %and3A_10 : vector<16xi32>
      tpu.vector_store_idx %arg11[%add3A_1289], %add3A_1285 {add = true} : memref<512xf32, #tpu.memory_space<vmem>>[vector<16xi32>], vector<16xf32>,
      %add3A_1290 = arith.constant 3 : i32
      %add3A_1291 = arith.addi %add3A_1027, %add3A_1290 : i32
      %min3A_1292 = arith.constant 255 : i32
      %min3A_1293 = arith.minsi %add3A_1291, %min3A_1292 : i32
      %mul3A_1294 = arith.constant 2 : i32
      %mul3A_1295 = arith.muli %min3A_1293, %mul3A_1294 : i32
      %get3A_1296 = arith.index_cast %mul3A_1295 : i32 to index
      %get3A_1297 = tpu.vector_load %arg7[%get3A_1296] {strides = array<i32>} : memref<528xi32, #tpu.memory_space<vmem>>, vector<16xi32>,
      %mul3A_1298 = arith.constant 2 : i32
      %mul3A_1299 = arith.muli %min3A_1293, %mul3A_1298 : i32
      %get3A_1300 = arith.index_cast %mul3A_1299 : i32 to index
      %get3A_1301 = tpu.vector_load %arg8[%get3A_1300] {strides = array<i32>} : memref<528xi32, #tpu.memory_space<vmem>>, vector<16xi32>,
      %slice3A_1302 = vector.extract_strided_slice %get3A_1297 {offsets = [0], sizes = [1], strides = [1]} : vector<16xi32> to vector<1xi32>
      %squeeze3A_1303 = vector.extract %slice3A_1302[0] : i32 from vector<1xi32>
      %shift_right_logical3A_1304 = arith.constant 7 : i32
      %shift_right_logical3A_1305 = arith.shrui %squeeze3A_1303, %shift_right_logical3A_1304 : i32
      %shift_left3A_1306 = arith.constant 7 : i32
      %shift_left3A_1307 = arith.shli %shift_right_logical3A_1305, %shift_left3A_1306 : i32
      %multiple_of3A_1308 = tpu.assume_multiple %shift_left3A_1307, 128 : i32
      %slice3A_1309 = vector.extract_strided_slice %get3A_1301 {offsets = [0], sizes = [1], strides = [1]} : vector<16xi32> to vector<1xi32>
      %squeeze3A_1310 = vector.extract %slice3A_1309[0] : i32 from vector<1xi32>
      %shift_right_logical3A_1311 = arith.constant 7 : i32
      %shift_right_logical3A_1312 = arith.shrui %squeeze3A_1310, %shift_right_logical3A_1311 : i32
      %shift_left3A_1313 = arith.constant 7 : i32
      %shift_left3A_1314 = arith.shli %shift_right_logical3A_1312, %shift_left3A_1313 : i32
      %multiple_of3A_1315 = tpu.assume_multiple %shift_left3A_1314, 128 : i32
      %dma_start3A_1316 = arith.constant 1 : i32
      %dma_start3A_1317 = arith.constant 0 : i32
      %dma_start3A_1318 = arith.constant 0 : i32
      %dma_start3A_1319 = arith.constant 0 : i32
      %dma_start3A_1320 = tpu.memref_slice %arg9[%dma_start3A_1316, %dma_start3A_1317, %dma_start3A_1318, %dma_start3A_1319] : memref<3x2x64x128xf32, #tpu.memory_space<vmem>> -> memref<1x1x64x128xf32, #tpu.memory_space<vmem>>
      %dma_start3A_1321 = tpu.memref_squeeze %dma_start3A_1320 : memref<1x1x64x128xf32, #tpu.memory_space<vmem>> -> memref<64x128xf32, #tpu.memory_space<vmem>>
      %dma_start3A_1322 = arith.constant 0 : i32
      %dma_start3A_1323 = tpu.memref_slice %arg4[%dma_start3A_1322, %multiple_of3A_1308] : memref<64x1000000xf32, #tpu.memory_space<hbm>> -> memref<64x128xf32, #tpu.memory_space<hbm>>
      %dma_start3A_1324 = arith.constant 0 : i32
      %dma_start3A_1325 = arith.constant 0 : i32
      %dma_start3A_1326 = tpu.memref_slice %arg9[%dma_start3A_1316, %dma_start3A_1317, %dma_start3A_1324, %dma_start3A_1325] : memref<3x2x64x128xf32, #tpu.memory_space<vmem>> -> memref<1x1x64x128xf32, #tpu.memory_space<vmem>>
      %dma_start3A_1327 = tpu.memref_squeeze %dma_start3A_1326 : memref<1x1x64x128xf32, #tpu.memory_space<vmem>> -> memref<64x128xf32, #tpu.memory_space<vmem>>
      %dma_start3A_1328 = arith.constant 0 : i32
      %dma_start3A_1329 = tpu.memref_slice %arg4[%dma_start3A_1328, %multiple_of3A_1308] : memref<64x1000000xf32, #tpu.memory_space<hbm>> -> memref<64x128xf32, #tpu.memory_space<hbm>>
      tpu.enqueue_dma source(%dma_start3A_1329 : memref<64x128xf32, #tpu.memory_space<hbm>>) target(%dma_start3A_1327 : memref<64x128xf32, #tpu.memory_space<vmem>>) target_semaphore(%arg14 : memref<!tpu.dma_semaphore, #tpu.memory_space<semaphore_mem>>)
      %dma_start3A_1330 = arith.constant 1 : i32
      %dma_start3A_1331 = arith.constant 0 : i32
      %dma_start3A_1332 = arith.constant 0 : i32
      %dma_start3A_1333 = arith.constant 0 : i32
      %dma_start3A_1334 = tpu.memref_slice %arg10[%dma_start3A_1330, %dma_start3A_1331, %dma_start3A_1332, %dma_start3A_1333] : memref<3x2x64x128xf32, #tpu.memory_space<vmem>> -> memref<1x1x64x128xf32, #tpu.memory_space<vmem>>
      %dma_start3A_1335 = tpu.memref_squeeze %dma_start3A_1334 : memref<1x1x64x128xf32, #tpu.memory_space<vmem>> -> memref<64x128xf32, #tpu.memory_space<vmem>>
      %dma_start3A_1336 = arith.constant 0 : i32
      %dma_start3A_1337 = tpu.memref_slice %arg5[%dma_start3A_1336, %multiple_of3A_1315] : memref<64x1000000xf32, #tpu.memory_space<hbm>> -> memref<64x128xf32, #tpu.memory_space<hbm>>
      %dma_start3A_1338 = arith.constant 0 : i32
      %dma_start3A_1339 = arith.constant 0 : i32
      %dma_start3A_1340 = tpu.memref_slice %arg10[%dma_start3A_1330, %dma_start3A_1331, %dma_start3A_1338, %dma_start3A_1339] : memref<3x2x64x128xf32, #tpu.memory_space<vmem>> -> memref<1x1x64x128xf32, #tpu.memory_space<vmem>>
      %dma_start3A_1341 = tpu.memref_squeeze %dma_start3A_1340 : memref<1x1x64x128xf32, #tpu.memory_space<vmem>> -> memref<64x128xf32, #tpu.memory_space<vmem>>
      %dma_start3A_1342 = arith.constant 0 : i32
      %dma_start3A_1343 = tpu.memref_slice %arg5[%dma_start3A_1342, %multiple_of3A_1315] : memref<64x1000000xf32, #tpu.memory_space<hbm>> -> memref<64x128xf32, #tpu.memory_space<hbm>>
      tpu.enqueue_dma source(%dma_start3A_1343 : memref<64x128xf32, #tpu.memory_space<hbm>>) target(%dma_start3A_1341 : memref<64x128xf32, #tpu.memory_space<vmem>>) target_semaphore(%arg15 : memref<!tpu.dma_semaphore, #tpu.memory_space<semaphore_mem>>)
      %slice3A_1344 = vector.extract_strided_slice %get3A_1297 {offsets = [1], sizes = [1], strides = [1]} : vector<16xi32> to vector<1xi32>
      %squeeze3A_1345 = vector.extract %slice3A_1344[0] : i32 from vector<1xi32>
      %shift_right_logical3A_1346 = arith.constant 7 : i32
      %shift_right_logical3A_1347 = arith.shrui %squeeze3A_1345, %shift_right_logical3A_1346 : i32
      %shift_left3A_1348 = arith.constant 7 : i32
      %shift_left3A_1349 = arith.shli %shift_right_logical3A_1347, %shift_left3A_1348 : i32
      %multiple_of3A_1350 = tpu.assume_multiple %shift_left3A_1349, 128 : i32
      %slice3A_1351 = vector.extract_strided_slice %get3A_1301 {offsets = [1], sizes = [1], strides = [1]} : vector<16xi32> to vector<1xi32>
      %squeeze3A_1352 = vector.extract %slice3A_1351[0] : i32 from vector<1xi32>
      %shift_right_logical3A_1353 = arith.constant 7 : i32
      %shift_right_logical3A_1354 = arith.shrui %squeeze3A_1352, %shift_right_logical3A_1353 : i32
      %shift_left3A_1355 = arith.constant 7 : i32
      %shift_left3A_1356 = arith.shli %shift_right_logical3A_1354, %shift_left3A_1355 : i32
      %multiple_of3A_1357 = tpu.assume_multiple %shift_left3A_1356, 128 : i32
      %dma_start3A_1358 = arith.constant 1 : i32
      %dma_start3A_1359 = arith.constant 1 : i32
      %dma_start3A_1360 = arith.constant 0 : i32
      %dma_start3A_1361 = arith.constant 0 : i32
      %dma_start3A_1362 = tpu.memref_slice %arg9[%dma_start3A_1358, %dma_start3A_1359, %dma_start3A_1360, %dma_start3A_1361] : memref<3x2x64x128xf32, #tpu.memory_space<vmem>> -> memref<1x1x64x128xf32, #tpu.memory_space<vmem>>
      %dma_start3A_1363 = tpu.memref_squeeze %dma_start3A_1362 : memref<1x1x64x128xf32, #tpu.memory_space<vmem>> -> memref<64x128xf32, #tpu.memory_space<vmem>>
      %dma_start3A_1364 = arith.constant 0 : i32
      %dma_start3A_1365 = tpu.memref_slice %arg4[%dma_start3A_1364, %multiple_of3A_1350] : memref<64x1000000xf32, #tpu.memory_space<hbm>> -> memref<64x128xf32, #tpu.memory_space<hbm>>
      %dma_start3A_1366 = arith.constant 0 : i32
      %dma_start3A_1367 = arith.constant 0 : i32
      %dma_start3A_1368 = tpu.memref_slice %arg9[%dma_start3A_1358, %dma_start3A_1359, %dma_start3A_1366, %dma_start3A_1367] : memref<3x2x64x128xf32, #tpu.memory_space<vmem>> -> memref<1x1x64x128xf32, #tpu.memory_space<vmem>>
      %dma_start3A_1369 = tpu.memref_squeeze %dma_start3A_1368 : memref<1x1x64x128xf32, #tpu.memory_space<vmem>> -> memref<64x128xf32, #tpu.memory_space<vmem>>
      %dma_start3A_1370 = arith.constant 0 : i32
      %dma_start3A_1371 = tpu.memref_slice %arg4[%dma_start3A_1370, %multiple_of3A_1350] : memref<64x1000000xf32, #tpu.memory_space<hbm>> -> memref<64x128xf32, #tpu.memory_space<hbm>>
      tpu.enqueue_dma source(%dma_start3A_1371 : memref<64x128xf32, #tpu.memory_space<hbm>>) target(%dma_start3A_1369 : memref<64x128xf32, #tpu.memory_space<vmem>>) target_semaphore(%arg14 : memref<!tpu.dma_semaphore, #tpu.memory_space<semaphore_mem>>)
      %dma_start3A_1372 = arith.constant 1 : i32
      %dma_start3A_1373 = arith.constant 1 : i32
      %dma_start3A_1374 = arith.constant 0 : i32
      %dma_start3A_1375 = arith.constant 0 : i32
      %dma_start3A_1376 = tpu.memref_slice %arg10[%dma_start3A_1372, %dma_start3A_1373, %dma_start3A_1374, %dma_start3A_1375] : memref<3x2x64x128xf32, #tpu.memory_space<vmem>> -> memref<1x1x64x128xf32, #tpu.memory_space<vmem>>
      %dma_start3A_1377 = tpu.memref_squeeze %dma_start3A_1376 : memref<1x1x64x128xf32, #tpu.memory_space<vmem>> -> memref<64x128xf32, #tpu.memory_space<vmem>>
      %dma_start3A_1378 = arith.constant 0 : i32
      %dma_start3A_1379 = tpu.memref_slice %arg5[%dma_start3A_1378, %multiple_of3A_1357] : memref<64x1000000xf32, #tpu.memory_space<hbm>> -> memref<64x128xf32, #tpu.memory_space<hbm>>
      %dma_start3A_1380 = arith.constant 0 : i32
      %dma_start3A_1381 = arith.constant 0 : i32
      %dma_start3A_1382 = tpu.memref_slice %arg10[%dma_start3A_1372, %dma_start3A_1373, %dma_start3A_1380, %dma_start3A_1381] : memref<3x2x64x128xf32, #tpu.memory_space<vmem>> -> memref<1x1x64x128xf32, #tpu.memory_space<vmem>>
      %dma_start3A_1383 = tpu.memref_squeeze %dma_start3A_1382 : memref<1x1x64x128xf32, #tpu.memory_space<vmem>> -> memref<64x128xf32, #tpu.memory_space<vmem>>
      %dma_start3A_1384 = arith.constant 0 : i32
      %dma_start3A_1385 = tpu.memref_slice %arg5[%dma_start3A_1384, %multiple_of3A_1357] : memref<64x1000000xf32, #tpu.memory_space<hbm>> -> memref<64x128xf32, #tpu.memory_space<hbm>>
      tpu.enqueue_dma source(%dma_start3A_1385 : memref<64x128xf32, #tpu.memory_space<hbm>>) target(%dma_start3A_1383 : memref<64x128xf32, #tpu.memory_space<vmem>>) target_semaphore(%arg15 : memref<!tpu.dma_semaphore, #tpu.memory_space<semaphore_mem>>)
      %mul3A_1386 = arith.constant 3 : i32
      %mul3A_1387 = arith.muli %scan3A_662, %mul3A_1386 : i32
      %add3A_1388 = arith.constant 2 : i32
      %add3A_1389 = arith.addi %mul3A_1387, %add3A_1388 : i32
      %dma_wait3A_1390 = arith.constant 2 : i32
      %dma_wait3A_1391 = arith.constant 0 : i32
      %dma_wait3A_1392 = arith.constant 0 : i32
      %dma_wait3A_1393 = arith.constant 0 : i32
      %dma_wait3A_1394 = tpu.memref_slice %arg9[%dma_wait3A_1390, %dma_wait3A_1391, %dma_wait3A_1392, %dma_wait3A_1393] : memref<3x2x64x128xf32, #tpu.memory_space<vmem>> -> memref<1x1x64x128xf32, #tpu.memory_space<vmem>>
      %dma_wait3A_1395 = tpu.memref_squeeze %dma_wait3A_1394 : memref<1x1x64x128xf32, #tpu.memory_space<vmem>> -> memref<64x128xf32, #tpu.memory_space<vmem>>
      %dma_wait3A_1396 = arith.constant 0 : i32
      %dma_wait3A_1397 = arith.constant 0 : i32
      %dma_wait3A_1398 = tpu.memref_slice %arg4[%dma_wait3A_1396, %dma_wait3A_1397] : memref<64x1000000xf32, #tpu.memory_space<hbm>> -> memref<64x128xf32, #tpu.memory_space<hbm>>
      %dma_wait3A_1399 = arith.constant 0 : i32
      %dma_wait3A_1400 = arith.constant 0 : i32
      %dma_wait3A_1401 = tpu.memref_slice %arg9[%dma_wait3A_1390, %dma_wait3A_1391, %dma_wait3A_1399, %dma_wait3A_1400] : memref<3x2x64x128xf32, #tpu.memory_space<vmem>> -> memref<1x1x64x128xf32, #tpu.memory_space<vmem>>
      %dma_wait3A_1402 = tpu.memref_squeeze %dma_wait3A_1401 : memref<1x1x64x128xf32, #tpu.memory_space<vmem>> -> memref<64x128xf32, #tpu.memory_space<vmem>>
      %dma_wait3A_1403 = arith.constant 0 : i32
      %dma_wait3A_1404 = arith.constant 0 : i32
      %dma_wait3A_1405 = tpu.memref_slice %arg4[%dma_wait3A_1403, %dma_wait3A_1404] : memref<64x1000000xf32, #tpu.memory_space<hbm>> -> memref<64x128xf32, #tpu.memory_space<hbm>>
      tpu.wait_dma2 semaphore(%arg16 : memref<!tpu.dma_semaphore, #tpu.memory_space<semaphore_mem>>) src(%dma_wait3A_1405 : memref<64x128xf32, #tpu.memory_space<hbm>>) dst(%dma_wait3A_1402 : memref<64x128xf32, #tpu.memory_space<vmem>>)
      %dma_wait3A_1406 = arith.constant 2 : i32
      %dma_wait3A_1407 = arith.constant 0 : i32
      %dma_wait3A_1408 = arith.constant 0 : i32
      %dma_wait3A_1409 = arith.constant 0 : i32
      %dma_wait3A_1410 = tpu.memref_slice %arg10[%dma_wait3A_1406, %dma_wait3A_1407, %dma_wait3A_1408, %dma_wait3A_1409] : memref<3x2x64x128xf32, #tpu.memory_space<vmem>> -> memref<1x1x64x128xf32, #tpu.memory_space<vmem>>
      %dma_wait3A_1411 = tpu.memref_squeeze %dma_wait3A_1410 : memref<1x1x64x128xf32, #tpu.memory_space<vmem>> -> memref<64x128xf32, #tpu.memory_space<vmem>>
      %dma_wait3A_1412 = arith.constant 0 : i32
      %dma_wait3A_1413 = arith.constant 0 : i32
      %dma_wait3A_1414 = tpu.memref_slice %arg5[%dma_wait3A_1412, %dma_wait3A_1413] : memref<64x1000000xf32, #tpu.memory_space<hbm>> -> memref<64x128xf32, #tpu.memory_space<hbm>>
      %dma_wait3A_1415 = arith.constant 0 : i32
      %dma_wait3A_1416 = arith.constant 0 : i32
      %dma_wait3A_1417 = tpu.memref_slice %arg10[%dma_wait3A_1406, %dma_wait3A_1407, %dma_wait3A_1415, %dma_wait3A_1416] : memref<3x2x64x128xf32, #tpu.memory_space<vmem>> -> memref<1x1x64x128xf32, #tpu.memory_space<vmem>>
      %dma_wait3A_1418 = tpu.memref_squeeze %dma_wait3A_1417 : memref<1x1x64x128xf32, #tpu.memory_space<vmem>> -> memref<64x128xf32, #tpu.memory_space<vmem>>
      %dma_wait3A_1419 = arith.constant 0 : i32
      %dma_wait3A_1420 = arith.constant 0 : i32
      %dma_wait3A_1421 = tpu.memref_slice %arg5[%dma_wait3A_1419, %dma_wait3A_1420] : memref<64x1000000xf32, #tpu.memory_space<hbm>> -> memref<64x128xf32, #tpu.memory_space<hbm>>
      tpu.wait_dma2 semaphore(%arg17 : memref<!tpu.dma_semaphore, #tpu.memory_space<semaphore_mem>>) src(%dma_wait3A_1421 : memref<64x128xf32, #tpu.memory_space<hbm>>) dst(%dma_wait3A_1418 : memref<64x128xf32, #tpu.memory_space<vmem>>)
      %dma_wait3A_1422 = arith.constant 2 : i32
      %dma_wait3A_1423 = arith.constant 1 : i32
      %dma_wait3A_1424 = arith.constant 0 : i32
      %dma_wait3A_1425 = arith.constant 0 : i32
      %dma_wait3A_1426 = tpu.memref_slice %arg9[%dma_wait3A_1422, %dma_wait3A_1423, %dma_wait3A_1424, %dma_wait3A_1425] : memref<3x2x64x128xf32, #tpu.memory_space<vmem>> -> memref<1x1x64x128xf32, #tpu.memory_space<vmem>>
      %dma_wait3A_1427 = tpu.memref_squeeze %dma_wait3A_1426 : memref<1x1x64x128xf32, #tpu.memory_space<vmem>> -> memref<64x128xf32, #tpu.memory_space<vmem>>
      %dma_wait3A_1428 = arith.constant 0 : i32
      %dma_wait3A_1429 = arith.constant 0 : i32
      %dma_wait3A_1430 = tpu.memref_slice %arg4[%dma_wait3A_1428, %dma_wait3A_1429] : memref<64x1000000xf32, #tpu.memory_space<hbm>> -> memref<64x128xf32, #tpu.memory_space<hbm>>
      %dma_wait3A_1431 = arith.constant 0 : i32
      %dma_wait3A_1432 = arith.constant 0 : i32
      %dma_wait3A_1433 = tpu.memref_slice %arg9[%dma_wait3A_1422, %dma_wait3A_1423, %dma_wait3A_1431, %dma_wait3A_1432] : memref<3x2x64x128xf32, #tpu.memory_space<vmem>> -> memref<1x1x64x128xf32, #tpu.memory_space<vmem>>
      %dma_wait3A_1434 = tpu.memref_squeeze %dma_wait3A_1433 : memref<1x1x64x128xf32, #tpu.memory_space<vmem>> -> memref<64x128xf32, #tpu.memory_space<vmem>>
      %dma_wait3A_1435 = arith.constant 0 : i32
      %dma_wait3A_1436 = arith.constant 0 : i32
      %dma_wait3A_1437 = tpu.memref_slice %arg4[%dma_wait3A_1435, %dma_wait3A_1436] : memref<64x1000000xf32, #tpu.memory_space<hbm>> -> memref<64x128xf32, #tpu.memory_space<hbm>>
      tpu.wait_dma2 semaphore(%arg16 : memref<!tpu.dma_semaphore, #tpu.memory_space<semaphore_mem>>) src(%dma_wait3A_1437 : memref<64x128xf32, #tpu.memory_space<hbm>>) dst(%dma_wait3A_1434 : memref<64x128xf32, #tpu.memory_space<vmem>>)
      %dma_wait3A_1438 = arith.constant 2 : i32
      %dma_wait3A_1439 = arith.constant 1 : i32
      %dma_wait3A_1440 = arith.constant 0 : i32
      %dma_wait3A_1441 = arith.constant 0 : i32
      %dma_wait3A_1442 = tpu.memref_slice %arg10[%dma_wait3A_1438, %dma_wait3A_1439, %dma_wait3A_1440, %dma_wait3A_1441] : memref<3x2x64x128xf32, #tpu.memory_space<vmem>> -> memref<1x1x64x128xf32, #tpu.memory_space<vmem>>
      %dma_wait3A_1443 = tpu.memref_squeeze %dma_wait3A_1442 : memref<1x1x64x128xf32, #tpu.memory_space<vmem>> -> memref<64x128xf32, #tpu.memory_space<vmem>>
      %dma_wait3A_1444 = arith.constant 0 : i32
      %dma_wait3A_1445 = arith.constant 0 : i32
      %dma_wait3A_1446 = tpu.memref_slice %arg5[%dma_wait3A_1444, %dma_wait3A_1445] : memref<64x1000000xf32, #tpu.memory_space<hbm>> -> memref<64x128xf32, #tpu.memory_space<hbm>>
      %dma_wait3A_1447 = arith.constant 0 : i32
      %dma_wait3A_1448 = arith.constant 0 : i32
      %dma_wait3A_1449 = tpu.memref_slice %arg10[%dma_wait3A_1438, %dma_wait3A_1439, %dma_wait3A_1447, %dma_wait3A_1448] : memref<3x2x64x128xf32, #tpu.memory_space<vmem>> -> memref<1x1x64x128xf32, #tpu.memory_space<vmem>>
      %dma_wait3A_1450 = tpu.memref_squeeze %dma_wait3A_1449 : memref<1x1x64x128xf32, #tpu.memory_space<vmem>> -> memref<64x128xf32, #tpu.memory_space<vmem>>
      %dma_wait3A_1451 = arith.constant 0 : i32
      %dma_wait3A_1452 = arith.constant 0 : i32
      %dma_wait3A_1453 = tpu.memref_slice %arg5[%dma_wait3A_1451, %dma_wait3A_1452] : memref<64x1000000xf32, #tpu.memory_space<hbm>> -> memref<64x128xf32, #tpu.memory_space<hbm>>
      tpu.wait_dma2 semaphore(%arg17 : memref<!tpu.dma_semaphore, #tpu.memory_space<semaphore_mem>>) src(%dma_wait3A_1453 : memref<64x128xf32, #tpu.memory_space<hbm>>) dst(%dma_wait3A_1450 : memref<64x128xf32, #tpu.memory_space<vmem>>)
      %mul3A_1454 = arith.constant 2 : i32
      %mul3A_1455 = arith.muli %add3A_1389, %mul3A_1454 : i32
      %add3A_1456 = vector.broadcast %mul3A_1455 : i32 to vector<16xi32>
      %add3A_1457 = arith.addi %add3A_1456, %and3A_10 : vector<16xi32>
      %gather3A_1458 = tpu.vector_load_idx %arg7[%add3A_1457] : memref<528xi32, #tpu.memory_space<vmem>>[vector<16xi32>], vector<16xi32>,
      %and3A_1459 = arith.constant 127 : i32
      %and3A_1460 = vector.broadcast %and3A_1459 : i32 to vector<16xi32>
      %and3A_1461 = arith.andi %gather3A_1458, %and3A_1460 : vector<16xi32>
      %mul3A_1462 = arith.constant 2 : i32
      %mul3A_1463 = arith.muli %add3A_1389, %mul3A_1462 : i32
      %add3A_1464 = vector.broadcast %mul3A_1463 : i32 to vector<16xi32>
      %add3A_1465 = arith.addi %add3A_1464, %and3A_10 : vector<16xi32>
      %gather3A_1466 = tpu.vector_load_idx %arg8[%add3A_1465] : memref<528xi32, #tpu.memory_space<vmem>>[vector<16xi32>], vector<16xi32>,
      %and3A_1467 = arith.constant 127 : i32
      %and3A_1468 = vector.broadcast %and3A_1467 : i32 to vector<16xi32>
      %and3A_1469 = arith.andi %gather3A_1466, %and3A_1468 : vector<16xi32>
      %broadcast_in_dim3A_1470 = arith.constant 0.000000e+00 : f32
      %broadcast_in_dim3A_1471 = vector.broadcast %broadcast_in_dim3A_1470 : f32 to vector<16xf32>
      %shift_left3A_1472 = arith.constant 3 : i32
      %shift_left3A_1473 = vector.broadcast %shift_left3A_1472 : i32 to vector<16xi32>
      %shift_left3A_1474 = arith.shli %shift_right_logical3A_12, %shift_left3A_1473 : vector<16xi32>
      %add3A_1475 = arith.constant 0 : i32
      %add3A_1476 = vector.broadcast %add3A_1475 : i32 to vector<16xi32>
      %add3A_1477 = arith.addi %shift_left3A_1474, %add3A_1476 : vector<16xi32>
      %gather3A_1478 = arith.constant 2 : i32
      %gather3A_1479 = arith.constant 0 : i32
      %gather3A_1480 = arith.constant 0 : i32
      %gather3A_1481 = arith.constant 0 : i32
      %gather3A_1482 = tpu.memref_slice %arg9[%gather3A_1478, %gather3A_1479, %gather3A_1480, %gather3A_1481] : memref<3x2x64x128xf32, #tpu.memory_space<vmem>> -> memref<1x2x64x128xf32, #tpu.memory_space<vmem>>
      %gather3A_1483 = tpu.memref_squeeze %gather3A_1482 : memref<1x2x64x128xf32, #tpu.memory_space<vmem>> -> memref<2x64x128xf32, #tpu.memory_space<vmem>>
      %gather3A_1484 = tpu.vector_load_idx %gather3A_1483[%and3A_10, %add3A_1477, %and3A_1461] : memref<2x64x128xf32, #tpu.memory_space<vmem>>[vector<16xi32>, vector<16xi32>, vector<16xi32>], vector<16xf32>,
      %gather3A_1485 = arith.constant 2 : i32
      %gather3A_1486 = arith.constant 0 : i32
      %gather3A_1487 = arith.constant 0 : i32
      %gather3A_1488 = arith.constant 0 : i32
      %gather3A_1489 = tpu.memref_slice %arg10[%gather3A_1485, %gather3A_1486, %gather3A_1487, %gather3A_1488] : memref<3x2x64x128xf32, #tpu.memory_space<vmem>> -> memref<1x2x64x128xf32, #tpu.memory_space<vmem>>
      %gather3A_1490 = tpu.memref_squeeze %gather3A_1489 : memref<1x2x64x128xf32, #tpu.memory_space<vmem>> -> memref<2x64x128xf32, #tpu.memory_space<vmem>>
      %gather3A_1491 = tpu.vector_load_idx %gather3A_1490[%and3A_10, %add3A_1477, %and3A_1469] : memref<2x64x128xf32, #tpu.memory_space<vmem>>[vector<16xi32>, vector<16xi32>, vector<16xi32>], vector<16xf32>,
      %mul3A_1492 = arith.mulf %gather3A_1484, %gather3A_1491 : vector<16xf32>
      %add3A_1493 = arith.addf %broadcast_in_dim3A_1471, %mul3A_1492 : vector<16xf32>
      %shift_left3A_1494 = arith.constant 3 : i32
      %shift_left3A_1495 = vector.broadcast %shift_left3A_1494 : i32 to vector<16xi32>
      %shift_left3A_1496 = arith.shli %shift_right_logical3A_12, %shift_left3A_1495 : vector<16xi32>
      %add3A_1497 = arith.constant 1 : i32
      %add3A_1498 = vector.broadcast %add3A_1497 : i32 to vector<16xi32>
      %add3A_1499 = arith.addi %shift_left3A_1496, %add3A_1498 : vector<16xi32>
      %gather3A_1500 = arith.constant 2 : i32
      %gather3A_1501 = arith.constant 0 : i32
      %gather3A_1502 = arith.constant 0 : i32
      %gather3A_1503 = arith.constant 0 : i32
      %gather3A_1504 = tpu.memref_slice %arg9[%gather3A_1500, %gather3A_1501, %gather3A_1502, %gather3A_1503] : memref<3x2x64x128xf32, #tpu.memory_space<vmem>> -> memref<1x2x64x128xf32, #tpu.memory_space<vmem>>
      %gather3A_1505 = tpu.memref_squeeze %gather3A_1504 : memref<1x2x64x128xf32, #tpu.memory_space<vmem>> -> memref<2x64x128xf32, #tpu.memory_space<vmem>>
      %gather3A_1506 = tpu.vector_load_idx %gather3A_1505[%and3A_10, %add3A_1499, %and3A_1461] : memref<2x64x128xf32, #tpu.memory_space<vmem>>[vector<16xi32>, vector<16xi32>, vector<16xi32>], vector<16xf32>,
      %gather3A_1507 = arith.constant 2 : i32
      %gather3A_1508 = arith.constant 0 : i32
      %gather3A_1509 = arith.constant 0 : i32
      %gather3A_1510 = arith.constant 0 : i32
      %gather3A_1511 = tpu.memref_slice %arg10[%gather3A_1507, %gather3A_1508, %gather3A_1509, %gather3A_1510] : memref<3x2x64x128xf32, #tpu.memory_space<vmem>> -> memref<1x2x64x128xf32, #tpu.memory_space<vmem>>
      %gather3A_1512 = tpu.memref_squeeze %gather3A_1511 : memref<1x2x64x128xf32, #tpu.memory_space<vmem>> -> memref<2x64x128xf32, #tpu.memory_space<vmem>>
      %gather3A_1513 = tpu.vector_load_idx %gather3A_1512[%and3A_10, %add3A_1499, %and3A_1469] : memref<2x64x128xf32, #tpu.memory_space<vmem>>[vector<16xi32>, vector<16xi32>, vector<16xi32>], vector<16xf32>,
      %mul3A_1514 = arith.mulf %gather3A_1506, %gather3A_1513 : vector<16xf32>
      %add3A_1515 = arith.addf %add3A_1493, %mul3A_1514 : vector<16xf32>
      %shift_left3A_1516 = arith.constant 3 : i32
      %shift_left3A_1517 = vector.broadcast %shift_left3A_1516 : i32 to vector<16xi32>
      %shift_left3A_1518 = arith.shli %shift_right_logical3A_12, %shift_left3A_1517 : vector<16xi32>
      %add3A_1519 = arith.constant 2 : i32
      %add3A_1520 = vector.broadcast %add3A_1519 : i32 to vector<16xi32>
      %add3A_1521 = arith.addi %shift_left3A_1518, %add3A_1520 : vector<16xi32>
      %gather3A_1522 = arith.constant 2 : i32
      %gather3A_1523 = arith.constant 0 : i32
      %gather3A_1524 = arith.constant 0 : i32
      %gather3A_1525 = arith.constant 0 : i32
      %gather3A_1526 = tpu.memref_slice %arg9[%gather3A_1522, %gather3A_1523, %gather3A_1524, %gather3A_1525] : memref<3x2x64x128xf32, #tpu.memory_space<vmem>> -> memref<1x2x64x128xf32, #tpu.memory_space<vmem>>
      %gather3A_1527 = tpu.memref_squeeze %gather3A_1526 : memref<1x2x64x128xf32, #tpu.memory_space<vmem>> -> memref<2x64x128xf32, #tpu.memory_space<vmem>>
      %gather3A_1528 = tpu.vector_load_idx %gather3A_1527[%and3A_10, %add3A_1521, %and3A_1461] : memref<2x64x128xf32, #tpu.memory_space<vmem>>[vector<16xi32>, vector<16xi32>, vector<16xi32>], vector<16xf32>,
      %gather3A_1529 = arith.constant 2 : i32
      %gather3A_1530 = arith.constant 0 : i32
      %gather3A_1531 = arith.constant 0 : i32
      %gather3A_1532 = arith.constant 0 : i32
      %gather3A_1533 = tpu.memref_slice %arg10[%gather3A_1529, %gather3A_1530, %gather3A_1531, %gather3A_1532] : memref<3x2x64x128xf32, #tpu.memory_space<vmem>> -> memref<1x2x64x128xf32, #tpu.memory_space<vmem>>
      %gather3A_1534 = tpu.memref_squeeze %gather3A_1533 : memref<1x2x64x128xf32, #tpu.memory_space<vmem>> -> memref<2x64x128xf32, #tpu.memory_space<vmem>>
      %gather3A_1535 = tpu.vector_load_idx %gather3A_1534[%and3A_10, %add3A_1521, %and3A_1469] : memref<2x64x128xf32, #tpu.memory_space<vmem>>[vector<16xi32>, vector<16xi32>, vector<16xi32>], vector<16xf32>,
      %mul3A_1536 = arith.mulf %gather3A_1528, %gather3A_1535 : vector<16xf32>
      %add3A_1537 = arith.addf %add3A_1515, %mul3A_1536 : vector<16xf32>
      %shift_left3A_1538 = arith.constant 3 : i32
      %shift_left3A_1539 = vector.broadcast %shift_left3A_1538 : i32 to vector<16xi32>
      %shift_left3A_1540 = arith.shli %shift_right_logical3A_12, %shift_left3A_1539 : vector<16xi32>
      %add3A_1541 = arith.constant 3 : i32
      %add3A_1542 = vector.broadcast %add3A_1541 : i32 to vector<16xi32>
      %add3A_1543 = arith.addi %shift_left3A_1540, %add3A_1542 : vector<16xi32>
      %gather3A_1544 = arith.constant 2 : i32
      %gather3A_1545 = arith.constant 0 : i32
      %gather3A_1546 = arith.constant 0 : i32
      %gather3A_1547 = arith.constant 0 : i32
      %gather3A_1548 = tpu.memref_slice %arg9[%gather3A_1544, %gather3A_1545, %gather3A_1546, %gather3A_1547] : memref<3x2x64x128xf32, #tpu.memory_space<vmem>> -> memref<1x2x64x128xf32, #tpu.memory_space<vmem>>
      %gather3A_1549 = tpu.memref_squeeze %gather3A_1548 : memref<1x2x64x128xf32, #tpu.memory_space<vmem>> -> memref<2x64x128xf32, #tpu.memory_space<vmem>>
      %gather3A_1550 = tpu.vector_load_idx %gather3A_1549[%and3A_10, %add3A_1543, %and3A_1461] : memref<2x64x128xf32, #tpu.memory_space<vmem>>[vector<16xi32>, vector<16xi32>, vector<16xi32>], vector<16xf32>,
      %gather3A_1551 = arith.constant 2 : i32
      %gather3A_1552 = arith.constant 0 : i32
      %gather3A_1553 = arith.constant 0 : i32
      %gather3A_1554 = arith.constant 0 : i32
      %gather3A_1555 = tpu.memref_slice %arg10[%gather3A_1551, %gather3A_1552, %gather3A_1553, %gather3A_1554] : memref<3x2x64x128xf32, #tpu.memory_space<vmem>> -> memref<1x2x64x128xf32, #tpu.memory_space<vmem>>
      %gather3A_1556 = tpu.memref_squeeze %gather3A_1555 : memref<1x2x64x128xf32, #tpu.memory_space<vmem>> -> memref<2x64x128xf32, #tpu.memory_space<vmem>>
      %gather3A_1557 = tpu.vector_load_idx %gather3A_1556[%and3A_10, %add3A_1543, %and3A_1469] : memref<2x64x128xf32, #tpu.memory_space<vmem>>[vector<16xi32>, vector<16xi32>, vector<16xi32>], vector<16xf32>,
      %mul3A_1558 = arith.mulf %gather3A_1550, %gather3A_1557 : vector<16xf32>
      %add3A_1559 = arith.addf %add3A_1537, %mul3A_1558 : vector<16xf32>
      %shift_left3A_1560 = arith.constant 3 : i32
      %shift_left3A_1561 = vector.broadcast %shift_left3A_1560 : i32 to vector<16xi32>
      %shift_left3A_1562 = arith.shli %shift_right_logical3A_12, %shift_left3A_1561 : vector<16xi32>
      %add3A_1563 = arith.constant 4 : i32
      %add3A_1564 = vector.broadcast %add3A_1563 : i32 to vector<16xi32>
      %add3A_1565 = arith.addi %shift_left3A_1562, %add3A_1564 : vector<16xi32>
      %gather3A_1566 = arith.constant 2 : i32
      %gather3A_1567 = arith.constant 0 : i32
      %gather3A_1568 = arith.constant 0 : i32
      %gather3A_1569 = arith.constant 0 : i32
      %gather3A_1570 = tpu.memref_slice %arg9[%gather3A_1566, %gather3A_1567, %gather3A_1568, %gather3A_1569] : memref<3x2x64x128xf32, #tpu.memory_space<vmem>> -> memref<1x2x64x128xf32, #tpu.memory_space<vmem>>
      %gather3A_1571 = tpu.memref_squeeze %gather3A_1570 : memref<1x2x64x128xf32, #tpu.memory_space<vmem>> -> memref<2x64x128xf32, #tpu.memory_space<vmem>>
      %gather3A_1572 = tpu.vector_load_idx %gather3A_1571[%and3A_10, %add3A_1565, %and3A_1461] : memref<2x64x128xf32, #tpu.memory_space<vmem>>[vector<16xi32>, vector<16xi32>, vector<16xi32>], vector<16xf32>,
      %gather3A_1573 = arith.constant 2 : i32
      %gather3A_1574 = arith.constant 0 : i32
      %gather3A_1575 = arith.constant 0 : i32
      %gather3A_1576 = arith.constant 0 : i32
      %gather3A_1577 = tpu.memref_slice %arg10[%gather3A_1573, %gather3A_1574, %gather3A_1575, %gather3A_1576] : memref<3x2x64x128xf32, #tpu.memory_space<vmem>> -> memref<1x2x64x128xf32, #tpu.memory_space<vmem>>
      %gather3A_1578 = tpu.memref_squeeze %gather3A_1577 : memref<1x2x64x128xf32, #tpu.memory_space<vmem>> -> memref<2x64x128xf32, #tpu.memory_space<vmem>>
      %gather3A_1579 = tpu.vector_load_idx %gather3A_1578[%and3A_10, %add3A_1565, %and3A_1469] : memref<2x64x128xf32, #tpu.memory_space<vmem>>[vector<16xi32>, vector<16xi32>, vector<16xi32>], vector<16xf32>,
      %mul3A_1580 = arith.mulf %gather3A_1572, %gather3A_1579 : vector<16xf32>
      %add3A_1581 = arith.addf %add3A_1559, %mul3A_1580 : vector<16xf32>
      %shift_left3A_1582 = arith.constant 3 : i32
      %shift_left3A_1583 = vector.broadcast %shift_left3A_1582 : i32 to vector<16xi32>
      %shift_left3A_1584 = arith.shli %shift_right_logical3A_12, %shift_left3A_1583 : vector<16xi32>
      %add3A_1585 = arith.constant 5 : i32
      %add3A_1586 = vector.broadcast %add3A_1585 : i32 to vector<16xi32>
      %add3A_1587 = arith.addi %shift_left3A_1584, %add3A_1586 : vector<16xi32>
      %gather3A_1588 = arith.constant 2 : i32
      %gather3A_1589 = arith.constant 0 : i32
      %gather3A_1590 = arith.constant 0 : i32
      %gather3A_1591 = arith.constant 0 : i32
      %gather3A_1592 = tpu.memref_slice %arg9[%gather3A_1588, %gather3A_1589, %gather3A_1590, %gather3A_1591] : memref<3x2x64x128xf32, #tpu.memory_space<vmem>> -> memref<1x2x64x128xf32, #tpu.memory_space<vmem>>
      %gather3A_1593 = tpu.memref_squeeze %gather3A_1592 : memref<1x2x64x128xf32, #tpu.memory_space<vmem>> -> memref<2x64x128xf32, #tpu.memory_space<vmem>>
      %gather3A_1594 = tpu.vector_load_idx %gather3A_1593[%and3A_10, %add3A_1587, %and3A_1461] : memref<2x64x128xf32, #tpu.memory_space<vmem>>[vector<16xi32>, vector<16xi32>, vector<16xi32>], vector<16xf32>,
      %gather3A_1595 = arith.constant 2 : i32
      %gather3A_1596 = arith.constant 0 : i32
      %gather3A_1597 = arith.constant 0 : i32
      %gather3A_1598 = arith.constant 0 : i32
      %gather3A_1599 = tpu.memref_slice %arg10[%gather3A_1595, %gather3A_1596, %gather3A_1597, %gather3A_1598] : memref<3x2x64x128xf32, #tpu.memory_space<vmem>> -> memref<1x2x64x128xf32, #tpu.memory_space<vmem>>
      %gather3A_1600 = tpu.memref_squeeze %gather3A_1599 : memref<1x2x64x128xf32, #tpu.memory_space<vmem>> -> memref<2x64x128xf32, #tpu.memory_space<vmem>>
      %gather3A_1601 = tpu.vector_load_idx %gather3A_1600[%and3A_10, %add3A_1587, %and3A_1469] : memref<2x64x128xf32, #tpu.memory_space<vmem>>[vector<16xi32>, vector<16xi32>, vector<16xi32>], vector<16xf32>,
      %mul3A_1602 = arith.mulf %gather3A_1594, %gather3A_1601 : vector<16xf32>
      %add3A_1603 = arith.addf %add3A_1581, %mul3A_1602 : vector<16xf32>
      %shift_left3A_1604 = arith.constant 3 : i32
      %shift_left3A_1605 = vector.broadcast %shift_left3A_1604 : i32 to vector<16xi32>
      %shift_left3A_1606 = arith.shli %shift_right_logical3A_12, %shift_left3A_1605 : vector<16xi32>
      %add3A_1607 = arith.constant 6 : i32
      %add3A_1608 = vector.broadcast %add3A_1607 : i32 to vector<16xi32>
      %add3A_1609 = arith.addi %shift_left3A_1606, %add3A_1608 : vector<16xi32>
      %gather3A_1610 = arith.constant 2 : i32
      %gather3A_1611 = arith.constant 0 : i32
      %gather3A_1612 = arith.constant 0 : i32
      %gather3A_1613 = arith.constant 0 : i32
      %gather3A_1614 = tpu.memref_slice %arg9[%gather3A_1610, %gather3A_1611, %gather3A_1612, %gather3A_1613] : memref<3x2x64x128xf32, #tpu.memory_space<vmem>> -> memref<1x2x64x128xf32, #tpu.memory_space<vmem>>
      %gather3A_1615 = tpu.memref_squeeze %gather3A_1614 : memref<1x2x64x128xf32, #tpu.memory_space<vmem>> -> memref<2x64x128xf32, #tpu.memory_space<vmem>>
      %gather3A_1616 = tpu.vector_load_idx %gather3A_1615[%and3A_10, %add3A_1609, %and3A_1461] : memref<2x64x128xf32, #tpu.memory_space<vmem>>[vector<16xi32>, vector<16xi32>, vector<16xi32>], vector<16xf32>,
      %gather3A_1617 = arith.constant 2 : i32
      %gather3A_1618 = arith.constant 0 : i32
      %gather3A_1619 = arith.constant 0 : i32
      %gather3A_1620 = arith.constant 0 : i32
      %gather3A_1621 = tpu.memref_slice %arg10[%gather3A_1617, %gather3A_1618, %gather3A_1619, %gather3A_1620] : memref<3x2x64x128xf32, #tpu.memory_space<vmem>> -> memref<1x2x64x128xf32, #tpu.memory_space<vmem>>
      %gather3A_1622 = tpu.memref_squeeze %gather3A_1621 : memref<1x2x64x128xf32, #tpu.memory_space<vmem>> -> memref<2x64x128xf32, #tpu.memory_space<vmem>>
      %gather3A_1623 = tpu.vector_load_idx %gather3A_1622[%and3A_10, %add3A_1609, %and3A_1469] : memref<2x64x128xf32, #tpu.memory_space<vmem>>[vector<16xi32>, vector<16xi32>, vector<16xi32>], vector<16xf32>,
      %mul3A_1624 = arith.mulf %gather3A_1616, %gather3A_1623 : vector<16xf32>
      %add3A_1625 = arith.addf %add3A_1603, %mul3A_1624 : vector<16xf32>
      %shift_left3A_1626 = arith.constant 3 : i32
      %shift_left3A_1627 = vector.broadcast %shift_left3A_1626 : i32 to vector<16xi32>
      %shift_left3A_1628 = arith.shli %shift_right_logical3A_12, %shift_left3A_1627 : vector<16xi32>
      %add3A_1629 = arith.constant 7 : i32
      %add3A_1630 = vector.broadcast %add3A_1629 : i32 to vector<16xi32>
      %add3A_1631 = arith.addi %shift_left3A_1628, %add3A_1630 : vector<16xi32>
      %gather3A_1632 = arith.constant 2 : i32
      %gather3A_1633 = arith.constant 0 : i32
      %gather3A_1634 = arith.constant 0 : i32
      %gather3A_1635 = arith.constant 0 : i32
      %gather3A_1636 = tpu.memref_slice %arg9[%gather3A_1632, %gather3A_1633, %gather3A_1634, %gather3A_1635] : memref<3x2x64x128xf32, #tpu.memory_space<vmem>> -> memref<1x2x64x128xf32, #tpu.memory_space<vmem>>
      %gather3A_1637 = tpu.memref_squeeze %gather3A_1636 : memref<1x2x64x128xf32, #tpu.memory_space<vmem>> -> memref<2x64x128xf32, #tpu.memory_space<vmem>>
      %gather3A_1638 = tpu.vector_load_idx %gather3A_1637[%and3A_10, %add3A_1631, %and3A_1461] : memref<2x64x128xf32, #tpu.memory_space<vmem>>[vector<16xi32>, vector<16xi32>, vector<16xi32>], vector<16xf32>,
      %gather3A_1639 = arith.constant 2 : i32
      %gather3A_1640 = arith.constant 0 : i32
      %gather3A_1641 = arith.constant 0 : i32
      %gather3A_1642 = arith.constant 0 : i32
      %gather3A_1643 = tpu.memref_slice %arg10[%gather3A_1639, %gather3A_1640, %gather3A_1641, %gather3A_1642] : memref<3x2x64x128xf32, #tpu.memory_space<vmem>> -> memref<1x2x64x128xf32, #tpu.memory_space<vmem>>
      %gather3A_1644 = tpu.memref_squeeze %gather3A_1643 : memref<1x2x64x128xf32, #tpu.memory_space<vmem>> -> memref<2x64x128xf32, #tpu.memory_space<vmem>>
      %gather3A_1645 = tpu.vector_load_idx %gather3A_1644[%and3A_10, %add3A_1631, %and3A_1469] : memref<2x64x128xf32, #tpu.memory_space<vmem>>[vector<16xi32>, vector<16xi32>, vector<16xi32>], vector<16xf32>,
      %mul3A_1646 = arith.mulf %gather3A_1638, %gather3A_1645 : vector<16xf32>
      %add3A_1647 = arith.addf %add3A_1625, %mul3A_1646 : vector<16xf32>
      %mul3A_1648 = arith.constant 2 : i32
      %mul3A_1649 = arith.muli %add3A_1389, %mul3A_1648 : i32
      %add3A_1650 = vector.broadcast %mul3A_1649 : i32 to vector<16xi32>
      %add3A_1651 = arith.addi %add3A_1650, %and3A_10 : vector<16xi32>
      tpu.vector_store_idx %arg11[%add3A_1651], %add3A_1647 {add = true} : memref<512xf32, #tpu.memory_space<vmem>>[vector<16xi32>], vector<16xf32>,
      %add3A_1652 = arith.constant 3 : i32
      %add3A_1653 = arith.addi %add3A_1389, %add3A_1652 : i32
      %min3A_1654 = arith.constant 255 : i32
      %min3A_1655 = arith.minsi %add3A_1653, %min3A_1654 : i32
      %mul3A_1656 = arith.constant 2 : i32
      %mul3A_1657 = arith.muli %min3A_1655, %mul3A_1656 : i32
      %get3A_1658 = arith.index_cast %mul3A_1657 : i32 to index
      %get3A_1659 = tpu.vector_load %arg7[%get3A_1658] {strides = array<i32>} : memref<528xi32, #tpu.memory_space<vmem>>, vector<16xi32>,
      %mul3A_1660 = arith.constant 2 : i32
      %mul3A_1661 = arith.muli %min3A_1655, %mul3A_1660 : i32
      %get3A_1662 = arith.index_cast %mul3A_1661 : i32 to index
      %get3A_1663 = tpu.vector_load %arg8[%get3A_1662] {strides = array<i32>} : memref<528xi32, #tpu.memory_space<vmem>>, vector<16xi32>,
      %slice3A_1664 = vector.extract_strided_slice %get3A_1659 {offsets = [0], sizes = [1], strides = [1]} : vector<16xi32> to vector<1xi32>
      %squeeze3A_1665 = vector.extract %slice3A_1664[0] : i32 from vector<1xi32>
      %shift_right_logical3A_1666 = arith.constant 7 : i32
      %shift_right_logical3A_1667 = arith.shrui %squeeze3A_1665, %shift_right_logical3A_1666 : i32
      %shift_left3A_1668 = arith.constant 7 : i32
      %shift_left3A_1669 = arith.shli %shift_right_logical3A_1667, %shift_left3A_1668 : i32
      %multiple_of3A_1670 = tpu.assume_multiple %shift_left3A_1669, 128 : i32
      %slice3A_1671 = vector.extract_strided_slice %get3A_1663 {offsets = [0], sizes = [1], strides = [1]} : vector<16xi32> to vector<1xi32>
      %squeeze3A_1672 = vector.extract %slice3A_1671[0] : i32 from vector<1xi32>
      %shift_right_logical3A_1673 = arith.constant 7 : i32
      %shift_right_logical3A_1674 = arith.shrui %squeeze3A_1672, %shift_right_logical3A_1673 : i32
      %shift_left3A_1675 = arith.constant 7 : i32
      %shift_left3A_1676 = arith.shli %shift_right_logical3A_1674, %shift_left3A_1675 : i32
      %multiple_of3A_1677 = tpu.assume_multiple %shift_left3A_1676, 128 : i32
      %dma_start3A_1678 = arith.constant 2 : i32
      %dma_start3A_1679 = arith.constant 0 : i32
      %dma_start3A_1680 = arith.constant 0 : i32
      %dma_start3A_1681 = arith.constant 0 : i32
      %dma_start3A_1682 = tpu.memref_slice %arg9[%dma_start3A_1678, %dma_start3A_1679, %dma_start3A_1680, %dma_start3A_1681] : memref<3x2x64x128xf32, #tpu.memory_space<vmem>> -> memref<1x1x64x128xf32, #tpu.memory_space<vmem>>
      %dma_start3A_1683 = tpu.memref_squeeze %dma_start3A_1682 : memref<1x1x64x128xf32, #tpu.memory_space<vmem>> -> memref<64x128xf32, #tpu.memory_space<vmem>>
      %dma_start3A_1684 = arith.constant 0 : i32
      %dma_start3A_1685 = tpu.memref_slice %arg4[%dma_start3A_1684, %multiple_of3A_1670] : memref<64x1000000xf32, #tpu.memory_space<hbm>> -> memref<64x128xf32, #tpu.memory_space<hbm>>
      %dma_start3A_1686 = arith.constant 0 : i32
      %dma_start3A_1687 = arith.constant 0 : i32
      %dma_start3A_1688 = tpu.memref_slice %arg9[%dma_start3A_1678, %dma_start3A_1679, %dma_start3A_1686, %dma_start3A_1687] : memref<3x2x64x128xf32, #tpu.memory_space<vmem>> -> memref<1x1x64x128xf32, #tpu.memory_space<vmem>>
      %dma_start3A_1689 = tpu.memref_squeeze %dma_start3A_1688 : memref<1x1x64x128xf32, #tpu.memory_space<vmem>> -> memref<64x128xf32, #tpu.memory_space<vmem>>
      %dma_start3A_1690 = arith.constant 0 : i32
      %dma_start3A_1691 = tpu.memref_slice %arg4[%dma_start3A_1690, %multiple_of3A_1670] : memref<64x1000000xf32, #tpu.memory_space<hbm>> -> memref<64x128xf32, #tpu.memory_space<hbm>>
      tpu.enqueue_dma source(%dma_start3A_1691 : memref<64x128xf32, #tpu.memory_space<hbm>>) target(%dma_start3A_1689 : memref<64x128xf32, #tpu.memory_space<vmem>>) target_semaphore(%arg16 : memref<!tpu.dma_semaphore, #tpu.memory_space<semaphore_mem>>)
      %dma_start3A_1692 = arith.constant 2 : i32
      %dma_start3A_1693 = arith.constant 0 : i32
      %dma_start3A_1694 = arith.constant 0 : i32
      %dma_start3A_1695 = arith.constant 0 : i32
      %dma_start3A_1696 = tpu.memref_slice %arg10[%dma_start3A_1692, %dma_start3A_1693, %dma_start3A_1694, %dma_start3A_1695] : memref<3x2x64x128xf32, #tpu.memory_space<vmem>> -> memref<1x1x64x128xf32, #tpu.memory_space<vmem>>
      %dma_start3A_1697 = tpu.memref_squeeze %dma_start3A_1696 : memref<1x1x64x128xf32, #tpu.memory_space<vmem>> -> memref<64x128xf32, #tpu.memory_space<vmem>>
      %dma_start3A_1698 = arith.constant 0 : i32
      %dma_start3A_1699 = tpu.memref_slice %arg5[%dma_start3A_1698, %multiple_of3A_1677] : memref<64x1000000xf32, #tpu.memory_space<hbm>> -> memref<64x128xf32, #tpu.memory_space<hbm>>
      %dma_start3A_1700 = arith.constant 0 : i32
      %dma_start3A_1701 = arith.constant 0 : i32
      %dma_start3A_1702 = tpu.memref_slice %arg10[%dma_start3A_1692, %dma_start3A_1693, %dma_start3A_1700, %dma_start3A_1701] : memref<3x2x64x128xf32, #tpu.memory_space<vmem>> -> memref<1x1x64x128xf32, #tpu.memory_space<vmem>>
      %dma_start3A_1703 = tpu.memref_squeeze %dma_start3A_1702 : memref<1x1x64x128xf32, #tpu.memory_space<vmem>> -> memref<64x128xf32, #tpu.memory_space<vmem>>
      %dma_start3A_1704 = arith.constant 0 : i32
      %dma_start3A_1705 = tpu.memref_slice %arg5[%dma_start3A_1704, %multiple_of3A_1677] : memref<64x1000000xf32, #tpu.memory_space<hbm>> -> memref<64x128xf32, #tpu.memory_space<hbm>>
      tpu.enqueue_dma source(%dma_start3A_1705 : memref<64x128xf32, #tpu.memory_space<hbm>>) target(%dma_start3A_1703 : memref<64x128xf32, #tpu.memory_space<vmem>>) target_semaphore(%arg17 : memref<!tpu.dma_semaphore, #tpu.memory_space<semaphore_mem>>)
      %slice3A_1706 = vector.extract_strided_slice %get3A_1659 {offsets = [1], sizes = [1], strides = [1]} : vector<16xi32> to vector<1xi32>
      %squeeze3A_1707 = vector.extract %slice3A_1706[0] : i32 from vector<1xi32>
      %shift_right_logical3A_1708 = arith.constant 7 : i32
      %shift_right_logical3A_1709 = arith.shrui %squeeze3A_1707, %shift_right_logical3A_1708 : i32
      %shift_left3A_1710 = arith.constant 7 : i32
      %shift_left3A_1711 = arith.shli %shift_right_logical3A_1709, %shift_left3A_1710 : i32
      %multiple_of3A_1712 = tpu.assume_multiple %shift_left3A_1711, 128 : i32
      %slice3A_1713 = vector.extract_strided_slice %get3A_1663 {offsets = [1], sizes = [1], strides = [1]} : vector<16xi32> to vector<1xi32>
      %squeeze3A_1714 = vector.extract %slice3A_1713[0] : i32 from vector<1xi32>
      %shift_right_logical3A_1715 = arith.constant 7 : i32
      %shift_right_logical3A_1716 = arith.shrui %squeeze3A_1714, %shift_right_logical3A_1715 : i32
      %shift_left3A_1717 = arith.constant 7 : i32
      %shift_left3A_1718 = arith.shli %shift_right_logical3A_1716, %shift_left3A_1717 : i32
      %multiple_of3A_1719 = tpu.assume_multiple %shift_left3A_1718, 128 : i32
      %dma_start3A_1720 = arith.constant 2 : i32
      %dma_start3A_1721 = arith.constant 1 : i32
      %dma_start3A_1722 = arith.constant 0 : i32
      %dma_start3A_1723 = arith.constant 0 : i32
      %dma_start3A_1724 = tpu.memref_slice %arg9[%dma_start3A_1720, %dma_start3A_1721, %dma_start3A_1722, %dma_start3A_1723] : memref<3x2x64x128xf32, #tpu.memory_space<vmem>> -> memref<1x1x64x128xf32, #tpu.memory_space<vmem>>
      %dma_start3A_1725 = tpu.memref_squeeze %dma_start3A_1724 : memref<1x1x64x128xf32, #tpu.memory_space<vmem>> -> memref<64x128xf32, #tpu.memory_space<vmem>>
      %dma_start3A_1726 = arith.constant 0 : i32
      %dma_start3A_1727 = tpu.memref_slice %arg4[%dma_start3A_1726, %multiple_of3A_1712] : memref<64x1000000xf32, #tpu.memory_space<hbm>> -> memref<64x128xf32, #tpu.memory_space<hbm>>
      %dma_start3A_1728 = arith.constant 0 : i32
      %dma_start3A_1729 = arith.constant 0 : i32
      %dma_start3A_1730 = tpu.memref_slice %arg9[%dma_start3A_1720, %dma_start3A_1721, %dma_start3A_1728, %dma_start3A_1729] : memref<3x2x64x128xf32, #tpu.memory_space<vmem>> -> memref<1x1x64x128xf32, #tpu.memory_space<vmem>>
      %dma_start3A_1731 = tpu.memref_squeeze %dma_start3A_1730 : memref<1x1x64x128xf32, #tpu.memory_space<vmem>> -> memref<64x128xf32, #tpu.memory_space<vmem>>
      %dma_start3A_1732 = arith.constant 0 : i32
      %dma_start3A_1733 = tpu.memref_slice %arg4[%dma_start3A_1732, %multiple_of3A_1712] : memref<64x1000000xf32, #tpu.memory_space<hbm>> -> memref<64x128xf32, #tpu.memory_space<hbm>>
      tpu.enqueue_dma source(%dma_start3A_1733 : memref<64x128xf32, #tpu.memory_space<hbm>>) target(%dma_start3A_1731 : memref<64x128xf32, #tpu.memory_space<vmem>>) target_semaphore(%arg16 : memref<!tpu.dma_semaphore, #tpu.memory_space<semaphore_mem>>)
      %dma_start3A_1734 = arith.constant 2 : i32
      %dma_start3A_1735 = arith.constant 1 : i32
      %dma_start3A_1736 = arith.constant 0 : i32
      %dma_start3A_1737 = arith.constant 0 : i32
      %dma_start3A_1738 = tpu.memref_slice %arg10[%dma_start3A_1734, %dma_start3A_1735, %dma_start3A_1736, %dma_start3A_1737] : memref<3x2x64x128xf32, #tpu.memory_space<vmem>> -> memref<1x1x64x128xf32, #tpu.memory_space<vmem>>
      %dma_start3A_1739 = tpu.memref_squeeze %dma_start3A_1738 : memref<1x1x64x128xf32, #tpu.memory_space<vmem>> -> memref<64x128xf32, #tpu.memory_space<vmem>>
      %dma_start3A_1740 = arith.constant 0 : i32
      %dma_start3A_1741 = tpu.memref_slice %arg5[%dma_start3A_1740, %multiple_of3A_1719] : memref<64x1000000xf32, #tpu.memory_space<hbm>> -> memref<64x128xf32, #tpu.memory_space<hbm>>
      %dma_start3A_1742 = arith.constant 0 : i32
      %dma_start3A_1743 = arith.constant 0 : i32
      %dma_start3A_1744 = tpu.memref_slice %arg10[%dma_start3A_1734, %dma_start3A_1735, %dma_start3A_1742, %dma_start3A_1743] : memref<3x2x64x128xf32, #tpu.memory_space<vmem>> -> memref<1x1x64x128xf32, #tpu.memory_space<vmem>>
      %dma_start3A_1745 = tpu.memref_squeeze %dma_start3A_1744 : memref<1x1x64x128xf32, #tpu.memory_space<vmem>> -> memref<64x128xf32, #tpu.memory_space<vmem>>
      %dma_start3A_1746 = arith.constant 0 : i32
      %dma_start3A_1747 = tpu.memref_slice %arg5[%dma_start3A_1746, %multiple_of3A_1719] : memref<64x1000000xf32, #tpu.memory_space<hbm>> -> memref<64x128xf32, #tpu.memory_space<hbm>>
      tpu.enqueue_dma source(%dma_start3A_1747 : memref<64x128xf32, #tpu.memory_space<hbm>>) target(%dma_start3A_1745 : memref<64x128xf32, #tpu.memory_space<vmem>>) target_semaphore(%arg17 : memref<!tpu.dma_semaphore, #tpu.memory_space<semaphore_mem>>)
    }
    %scan3A_276 = arith.constant 85 : i32
    %dma_wait3A = arith.constant 0 : i32
    %dma_wait3A_277 = arith.constant 0 : i32
    %dma_wait3A_278 = arith.constant 0 : i32
    %dma_wait3A_279 = arith.constant 0 : i32
    %dma_wait3A_280 = tpu.memref_slice %arg9[%dma_wait3A, %dma_wait3A_277, %dma_wait3A_278, %dma_wait3A_279] : memref<3x2x64x128xf32, #tpu.memory_space<vmem>> -> memref<1x1x64x128xf32, #tpu.memory_space<vmem>>
    %dma_wait3A_281 = tpu.memref_squeeze %dma_wait3A_280 : memref<1x1x64x128xf32, #tpu.memory_space<vmem>> -> memref<64x128xf32, #tpu.memory_space<vmem>>
    %dma_wait3A_282 = arith.constant 0 : i32
    %dma_wait3A_283 = arith.constant 0 : i32
    %dma_wait3A_284 = tpu.memref_slice %arg4[%dma_wait3A_282, %dma_wait3A_283] : memref<64x1000000xf32, #tpu.memory_space<hbm>> -> memref<64x128xf32, #tpu.memory_space<hbm>>
    %dma_wait3A_285 = arith.constant 0 : i32
    %dma_wait3A_286 = arith.constant 0 : i32
    %dma_wait3A_287 = tpu.memref_slice %arg9[%dma_wait3A, %dma_wait3A_277, %dma_wait3A_285, %dma_wait3A_286] : memref<3x2x64x128xf32, #tpu.memory_space<vmem>> -> memref<1x1x64x128xf32, #tpu.memory_space<vmem>>
    %dma_wait3A_288 = tpu.memref_squeeze %dma_wait3A_287 : memref<1x1x64x128xf32, #tpu.memory_space<vmem>> -> memref<64x128xf32, #tpu.memory_space<vmem>>
    %dma_wait3A_289 = arith.constant 0 : i32
    %dma_wait3A_290 = arith.constant 0 : i32
    %dma_wait3A_291 = tpu.memref_slice %arg4[%dma_wait3A_289, %dma_wait3A_290] : memref<64x1000000xf32, #tpu.memory_space<hbm>> -> memref<64x128xf32, #tpu.memory_space<hbm>>
    tpu.wait_dma2 semaphore(%arg12 : memref<!tpu.dma_semaphore, #tpu.memory_space<semaphore_mem>>) src(%dma_wait3A_291 : memref<64x128xf32, #tpu.memory_space<hbm>>) dst(%dma_wait3A_288 : memref<64x128xf32, #tpu.memory_space<vmem>>)
    %dma_wait3A_292 = arith.constant 0 : i32
    %dma_wait3A_293 = arith.constant 0 : i32
    %dma_wait3A_294 = arith.constant 0 : i32
    %dma_wait3A_295 = arith.constant 0 : i32
    %dma_wait3A_296 = tpu.memref_slice %arg10[%dma_wait3A_292, %dma_wait3A_293, %dma_wait3A_294, %dma_wait3A_295] : memref<3x2x64x128xf32, #tpu.memory_space<vmem>> -> memref<1x1x64x128xf32, #tpu.memory_space<vmem>>
    %dma_wait3A_297 = tpu.memref_squeeze %dma_wait3A_296 : memref<1x1x64x128xf32, #tpu.memory_space<vmem>> -> memref<64x128xf32, #tpu.memory_space<vmem>>
    %dma_wait3A_298 = arith.constant 0 : i32
    %dma_wait3A_299 = arith.constant 0 : i32
    %dma_wait3A_300 = tpu.memref_slice %arg5[%dma_wait3A_298, %dma_wait3A_299] : memref<64x1000000xf32, #tpu.memory_space<hbm>> -> memref<64x128xf32, #tpu.memory_space<hbm>>
    %dma_wait3A_301 = arith.constant 0 : i32
    %dma_wait3A_302 = arith.constant 0 : i32
    %dma_wait3A_303 = tpu.memref_slice %arg10[%dma_wait3A_292, %dma_wait3A_293, %dma_wait3A_301, %dma_wait3A_302] : memref<3x2x64x128xf32, #tpu.memory_space<vmem>> -> memref<1x1x64x128xf32, #tpu.memory_space<vmem>>
    %dma_wait3A_304 = tpu.memref_squeeze %dma_wait3A_303 : memref<1x1x64x128xf32, #tpu.memory_space<vmem>> -> memref<64x128xf32, #tpu.memory_space<vmem>>
    %dma_wait3A_305 = arith.constant 0 : i32
    %dma_wait3A_306 = arith.constant 0 : i32
    %dma_wait3A_307 = tpu.memref_slice %arg5[%dma_wait3A_305, %dma_wait3A_306] : memref<64x1000000xf32, #tpu.memory_space<hbm>> -> memref<64x128xf32, #tpu.memory_space<hbm>>
    tpu.wait_dma2 semaphore(%arg13 : memref<!tpu.dma_semaphore, #tpu.memory_space<semaphore_mem>>) src(%dma_wait3A_307 : memref<64x128xf32, #tpu.memory_space<hbm>>) dst(%dma_wait3A_304 : memref<64x128xf32, #tpu.memory_space<vmem>>)
    %dma_wait3A_308 = arith.constant 0 : i32
    %dma_wait3A_309 = arith.constant 1 : i32
    %dma_wait3A_310 = arith.constant 0 : i32
    %dma_wait3A_311 = arith.constant 0 : i32
    %dma_wait3A_312 = tpu.memref_slice %arg9[%dma_wait3A_308, %dma_wait3A_309, %dma_wait3A_310, %dma_wait3A_311] : memref<3x2x64x128xf32, #tpu.memory_space<vmem>> -> memref<1x1x64x128xf32, #tpu.memory_space<vmem>>
    %dma_wait3A_313 = tpu.memref_squeeze %dma_wait3A_312 : memref<1x1x64x128xf32, #tpu.memory_space<vmem>> -> memref<64x128xf32, #tpu.memory_space<vmem>>
    %dma_wait3A_314 = arith.constant 0 : i32
    %dma_wait3A_315 = arith.constant 0 : i32
    %dma_wait3A_316 = tpu.memref_slice %arg4[%dma_wait3A_314, %dma_wait3A_315] : memref<64x1000000xf32, #tpu.memory_space<hbm>> -> memref<64x128xf32, #tpu.memory_space<hbm>>
    %dma_wait3A_317 = arith.constant 0 : i32
    %dma_wait3A_318 = arith.constant 0 : i32
    %dma_wait3A_319 = tpu.memref_slice %arg9[%dma_wait3A_308, %dma_wait3A_309, %dma_wait3A_317, %dma_wait3A_318] : memref<3x2x64x128xf32, #tpu.memory_space<vmem>> -> memref<1x1x64x128xf32, #tpu.memory_space<vmem>>
    %dma_wait3A_320 = tpu.memref_squeeze %dma_wait3A_319 : memref<1x1x64x128xf32, #tpu.memory_space<vmem>> -> memref<64x128xf32, #tpu.memory_space<vmem>>
    %dma_wait3A_321 = arith.constant 0 : i32
    %dma_wait3A_322 = arith.constant 0 : i32
    %dma_wait3A_323 = tpu.memref_slice %arg4[%dma_wait3A_321, %dma_wait3A_322] : memref<64x1000000xf32, #tpu.memory_space<hbm>> -> memref<64x128xf32, #tpu.memory_space<hbm>>
    tpu.wait_dma2 semaphore(%arg12 : memref<!tpu.dma_semaphore, #tpu.memory_space<semaphore_mem>>) src(%dma_wait3A_323 : memref<64x128xf32, #tpu.memory_space<hbm>>) dst(%dma_wait3A_320 : memref<64x128xf32, #tpu.memory_space<vmem>>)
    %dma_wait3A_324 = arith.constant 0 : i32
    %dma_wait3A_325 = arith.constant 1 : i32
    %dma_wait3A_326 = arith.constant 0 : i32
    %dma_wait3A_327 = arith.constant 0 : i32
    %dma_wait3A_328 = tpu.memref_slice %arg10[%dma_wait3A_324, %dma_wait3A_325, %dma_wait3A_326, %dma_wait3A_327] : memref<3x2x64x128xf32, #tpu.memory_space<vmem>> -> memref<1x1x64x128xf32, #tpu.memory_space<vmem>>
    %dma_wait3A_329 = tpu.memref_squeeze %dma_wait3A_328 : memref<1x1x64x128xf32, #tpu.memory_space<vmem>> -> memref<64x128xf32, #tpu.memory_space<vmem>>
    %dma_wait3A_330 = arith.constant 0 : i32
    %dma_wait3A_331 = arith.constant 0 : i32
    %dma_wait3A_332 = tpu.memref_slice %arg5[%dma_wait3A_330, %dma_wait3A_331] : memref<64x1000000xf32, #tpu.memory_space<hbm>> -> memref<64x128xf32, #tpu.memory_space<hbm>>
    %dma_wait3A_333 = arith.constant 0 : i32
    %dma_wait3A_334 = arith.constant 0 : i32
    %dma_wait3A_335 = tpu.memref_slice %arg10[%dma_wait3A_324, %dma_wait3A_325, %dma_wait3A_333, %dma_wait3A_334] : memref<3x2x64x128xf32, #tpu.memory_space<vmem>> -> memref<1x1x64x128xf32, #tpu.memory_space<vmem>>
    %dma_wait3A_336 = tpu.memref_squeeze %dma_wait3A_335 : memref<1x1x64x128xf32, #tpu.memory_space<vmem>> -> memref<64x128xf32, #tpu.memory_space<vmem>>
    %dma_wait3A_337 = arith.constant 0 : i32
    %dma_wait3A_338 = arith.constant 0 : i32
    %dma_wait3A_339 = tpu.memref_slice %arg5[%dma_wait3A_337, %dma_wait3A_338] : memref<64x1000000xf32, #tpu.memory_space<hbm>> -> memref<64x128xf32, #tpu.memory_space<hbm>>
    tpu.wait_dma2 semaphore(%arg13 : memref<!tpu.dma_semaphore, #tpu.memory_space<semaphore_mem>>) src(%dma_wait3A_339 : memref<64x128xf32, #tpu.memory_space<hbm>>) dst(%dma_wait3A_336 : memref<64x128xf32, #tpu.memory_space<vmem>>)
    %add3A_340 = arith.constant 510 : i32
    %add3A_341 = vector.broadcast %add3A_340 : i32 to vector<16xi32>
    %add3A_342 = arith.addi %add3A_341, %and3A_10 : vector<16xi32>
    %gather3A = tpu.vector_load_idx %arg7[%add3A_342] : memref<528xi32, #tpu.memory_space<vmem>>[vector<16xi32>], vector<16xi32>,
    %and3A_343 = arith.constant 127 : i32
    %and3A_344 = vector.broadcast %and3A_343 : i32 to vector<16xi32>
    %and3A_345 = arith.andi %gather3A, %and3A_344 : vector<16xi32>
    %add3A_346 = arith.constant 510 : i32
    %add3A_347 = vector.broadcast %add3A_346 : i32 to vector<16xi32>
    %add3A_348 = arith.addi %add3A_347, %and3A_10 : vector<16xi32>
    %gather3A_349 = tpu.vector_load_idx %arg8[%add3A_348] : memref<528xi32, #tpu.memory_space<vmem>>[vector<16xi32>], vector<16xi32>,
    %and3A_350 = arith.constant 127 : i32
    %and3A_351 = vector.broadcast %and3A_350 : i32 to vector<16xi32>
    %and3A_352 = arith.andi %gather3A_349, %and3A_351 : vector<16xi32>
    %broadcast_in_dim3A_353 = arith.constant 0.000000e+00 : f32
    %broadcast_in_dim3A_354 = vector.broadcast %broadcast_in_dim3A_353 : f32 to vector<16xf32>
    %shift_left3A_355 = arith.constant 3 : i32
    %shift_left3A_356 = vector.broadcast %shift_left3A_355 : i32 to vector<16xi32>
    %shift_left3A_357 = arith.shli %shift_right_logical3A_12, %shift_left3A_356 : vector<16xi32>
    %add3A_358 = arith.constant 0 : i32
    %add3A_359 = vector.broadcast %add3A_358 : i32 to vector<16xi32>
    %add3A_360 = arith.addi %shift_left3A_357, %add3A_359 : vector<16xi32>
    %gather3A_361 = arith.constant 0 : i32
    %gather3A_362 = arith.constant 0 : i32
    %gather3A_363 = arith.constant 0 : i32
    %gather3A_364 = arith.constant 0 : i32
    %gather3A_365 = tpu.memref_slice %arg9[%gather3A_361, %gather3A_362, %gather3A_363, %gather3A_364] : memref<3x2x64x128xf32, #tpu.memory_space<vmem>> -> memref<1x2x64x128xf32, #tpu.memory_space<vmem>>
    %gather3A_366 = tpu.memref_squeeze %gather3A_365 : memref<1x2x64x128xf32, #tpu.memory_space<vmem>> -> memref<2x64x128xf32, #tpu.memory_space<vmem>>
    %gather3A_367 = tpu.vector_load_idx %gather3A_366[%and3A_10, %add3A_360, %and3A_345] : memref<2x64x128xf32, #tpu.memory_space<vmem>>[vector<16xi32>, vector<16xi32>, vector<16xi32>], vector<16xf32>,
    %gather3A_368 = arith.constant 0 : i32
    %gather3A_369 = arith.constant 0 : i32
    %gather3A_370 = arith.constant 0 : i32
    %gather3A_371 = arith.constant 0 : i32
    %gather3A_372 = tpu.memref_slice %arg10[%gather3A_368, %gather3A_369, %gather3A_370, %gather3A_371] : memref<3x2x64x128xf32, #tpu.memory_space<vmem>> -> memref<1x2x64x128xf32, #tpu.memory_space<vmem>>
    %gather3A_373 = tpu.memref_squeeze %gather3A_372 : memref<1x2x64x128xf32, #tpu.memory_space<vmem>> -> memref<2x64x128xf32, #tpu.memory_space<vmem>>
    %gather3A_374 = tpu.vector_load_idx %gather3A_373[%and3A_10, %add3A_360, %and3A_352] : memref<2x64x128xf32, #tpu.memory_space<vmem>>[vector<16xi32>, vector<16xi32>, vector<16xi32>], vector<16xf32>,
    %mul3A_375 = arith.mulf %gather3A_367, %gather3A_374 : vector<16xf32>
    %add3A_376 = arith.addf %broadcast_in_dim3A_354, %mul3A_375 : vector<16xf32>
    %shift_left3A_377 = arith.constant 3 : i32
    %shift_left3A_378 = vector.broadcast %shift_left3A_377 : i32 to vector<16xi32>
    %shift_left3A_379 = arith.shli %shift_right_logical3A_12, %shift_left3A_378 : vector<16xi32>
    %add3A_380 = arith.constant 1 : i32
    %add3A_381 = vector.broadcast %add3A_380 : i32 to vector<16xi32>
    %add3A_382 = arith.addi %shift_left3A_379, %add3A_381 : vector<16xi32>
    %gather3A_383 = arith.constant 0 : i32
    %gather3A_384 = arith.constant 0 : i32
    %gather3A_385 = arith.constant 0 : i32
    %gather3A_386 = arith.constant 0 : i32
    %gather3A_387 = tpu.memref_slice %arg9[%gather3A_383, %gather3A_384, %gather3A_385, %gather3A_386] : memref<3x2x64x128xf32, #tpu.memory_space<vmem>> -> memref<1x2x64x128xf32, #tpu.memory_space<vmem>>
    %gather3A_388 = tpu.memref_squeeze %gather3A_387 : memref<1x2x64x128xf32, #tpu.memory_space<vmem>> -> memref<2x64x128xf32, #tpu.memory_space<vmem>>
    %gather3A_389 = tpu.vector_load_idx %gather3A_388[%and3A_10, %add3A_382, %and3A_345] : memref<2x64x128xf32, #tpu.memory_space<vmem>>[vector<16xi32>, vector<16xi32>, vector<16xi32>], vector<16xf32>,
    %gather3A_390 = arith.constant 0 : i32
    %gather3A_391 = arith.constant 0 : i32
    %gather3A_392 = arith.constant 0 : i32
    %gather3A_393 = arith.constant 0 : i32
    %gather3A_394 = tpu.memref_slice %arg10[%gather3A_390, %gather3A_391, %gather3A_392, %gather3A_393] : memref<3x2x64x128xf32, #tpu.memory_space<vmem>> -> memref<1x2x64x128xf32, #tpu.memory_space<vmem>>
    %gather3A_395 = tpu.memref_squeeze %gather3A_394 : memref<1x2x64x128xf32, #tpu.memory_space<vmem>> -> memref<2x64x128xf32, #tpu.memory_space<vmem>>
    %gather3A_396 = tpu.vector_load_idx %gather3A_395[%and3A_10, %add3A_382, %and3A_352] : memref<2x64x128xf32, #tpu.memory_space<vmem>>[vector<16xi32>, vector<16xi32>, vector<16xi32>], vector<16xf32>,
    %mul3A_397 = arith.mulf %gather3A_389, %gather3A_396 : vector<16xf32>
    %add3A_398 = arith.addf %add3A_376, %mul3A_397 : vector<16xf32>
    %shift_left3A_399 = arith.constant 3 : i32
    %shift_left3A_400 = vector.broadcast %shift_left3A_399 : i32 to vector<16xi32>
    %shift_left3A_401 = arith.shli %shift_right_logical3A_12, %shift_left3A_400 : vector<16xi32>
    %add3A_402 = arith.constant 2 : i32
    %add3A_403 = vector.broadcast %add3A_402 : i32 to vector<16xi32>
    %add3A_404 = arith.addi %shift_left3A_401, %add3A_403 : vector<16xi32>
    %gather3A_405 = arith.constant 0 : i32
    %gather3A_406 = arith.constant 0 : i32
    %gather3A_407 = arith.constant 0 : i32
    %gather3A_408 = arith.constant 0 : i32
    %gather3A_409 = tpu.memref_slice %arg9[%gather3A_405, %gather3A_406, %gather3A_407, %gather3A_408] : memref<3x2x64x128xf32, #tpu.memory_space<vmem>> -> memref<1x2x64x128xf32, #tpu.memory_space<vmem>>
    %gather3A_410 = tpu.memref_squeeze %gather3A_409 : memref<1x2x64x128xf32, #tpu.memory_space<vmem>> -> memref<2x64x128xf32, #tpu.memory_space<vmem>>
    %gather3A_411 = tpu.vector_load_idx %gather3A_410[%and3A_10, %add3A_404, %and3A_345] : memref<2x64x128xf32, #tpu.memory_space<vmem>>[vector<16xi32>, vector<16xi32>, vector<16xi32>], vector<16xf32>,
    %gather3A_412 = arith.constant 0 : i32
    %gather3A_413 = arith.constant 0 : i32
    %gather3A_414 = arith.constant 0 : i32
    %gather3A_415 = arith.constant 0 : i32
    %gather3A_416 = tpu.memref_slice %arg10[%gather3A_412, %gather3A_413, %gather3A_414, %gather3A_415] : memref<3x2x64x128xf32, #tpu.memory_space<vmem>> -> memref<1x2x64x128xf32, #tpu.memory_space<vmem>>
    %gather3A_417 = tpu.memref_squeeze %gather3A_416 : memref<1x2x64x128xf32, #tpu.memory_space<vmem>> -> memref<2x64x128xf32, #tpu.memory_space<vmem>>
    %gather3A_418 = tpu.vector_load_idx %gather3A_417[%and3A_10, %add3A_404, %and3A_352] : memref<2x64x128xf32, #tpu.memory_space<vmem>>[vector<16xi32>, vector<16xi32>, vector<16xi32>], vector<16xf32>,
    %mul3A_419 = arith.mulf %gather3A_411, %gather3A_418 : vector<16xf32>
    %add3A_420 = arith.addf %add3A_398, %mul3A_419 : vector<16xf32>
    %shift_left3A_421 = arith.constant 3 : i32
    %shift_left3A_422 = vector.broadcast %shift_left3A_421 : i32 to vector<16xi32>
    %shift_left3A_423 = arith.shli %shift_right_logical3A_12, %shift_left3A_422 : vector<16xi32>
    %add3A_424 = arith.constant 3 : i32
    %add3A_425 = vector.broadcast %add3A_424 : i32 to vector<16xi32>
    %add3A_426 = arith.addi %shift_left3A_423, %add3A_425 : vector<16xi32>
    %gather3A_427 = arith.constant 0 : i32
    %gather3A_428 = arith.constant 0 : i32
    %gather3A_429 = arith.constant 0 : i32
    %gather3A_430 = arith.constant 0 : i32
    %gather3A_431 = tpu.memref_slice %arg9[%gather3A_427, %gather3A_428, %gather3A_429, %gather3A_430] : memref<3x2x64x128xf32, #tpu.memory_space<vmem>> -> memref<1x2x64x128xf32, #tpu.memory_space<vmem>>
    %gather3A_432 = tpu.memref_squeeze %gather3A_431 : memref<1x2x64x128xf32, #tpu.memory_space<vmem>> -> memref<2x64x128xf32, #tpu.memory_space<vmem>>
    %gather3A_433 = tpu.vector_load_idx %gather3A_432[%and3A_10, %add3A_426, %and3A_345] : memref<2x64x128xf32, #tpu.memory_space<vmem>>[vector<16xi32>, vector<16xi32>, vector<16xi32>], vector<16xf32>,
    %gather3A_434 = arith.constant 0 : i32
    %gather3A_435 = arith.constant 0 : i32
    %gather3A_436 = arith.constant 0 : i32
    %gather3A_437 = arith.constant 0 : i32
    %gather3A_438 = tpu.memref_slice %arg10[%gather3A_434, %gather3A_435, %gather3A_436, %gather3A_437] : memref<3x2x64x128xf32, #tpu.memory_space<vmem>> -> memref<1x2x64x128xf32, #tpu.memory_space<vmem>>
    %gather3A_439 = tpu.memref_squeeze %gather3A_438 : memref<1x2x64x128xf32, #tpu.memory_space<vmem>> -> memref<2x64x128xf32, #tpu.memory_space<vmem>>
    %gather3A_440 = tpu.vector_load_idx %gather3A_439[%and3A_10, %add3A_426, %and3A_352] : memref<2x64x128xf32, #tpu.memory_space<vmem>>[vector<16xi32>, vector<16xi32>, vector<16xi32>], vector<16xf32>,
    %mul3A_441 = arith.mulf %gather3A_433, %gather3A_440 : vector<16xf32>
    %add3A_442 = arith.addf %add3A_420, %mul3A_441 : vector<16xf32>
    %shift_left3A_443 = arith.constant 3 : i32
    %shift_left3A_444 = vector.broadcast %shift_left3A_443 : i32 to vector<16xi32>
    %shift_left3A_445 = arith.shli %shift_right_logical3A_12, %shift_left3A_444 : vector<16xi32>
    %add3A_446 = arith.constant 4 : i32
    %add3A_447 = vector.broadcast %add3A_446 : i32 to vector<16xi32>
    %add3A_448 = arith.addi %shift_left3A_445, %add3A_447 : vector<16xi32>
    %gather3A_449 = arith.constant 0 : i32
    %gather3A_450 = arith.constant 0 : i32
    %gather3A_451 = arith.constant 0 : i32
    %gather3A_452 = arith.constant 0 : i32
    %gather3A_453 = tpu.memref_slice %arg9[%gather3A_449, %gather3A_450, %gather3A_451, %gather3A_452] : memref<3x2x64x128xf32, #tpu.memory_space<vmem>> -> memref<1x2x64x128xf32, #tpu.memory_space<vmem>>
    %gather3A_454 = tpu.memref_squeeze %gather3A_453 : memref<1x2x64x128xf32, #tpu.memory_space<vmem>> -> memref<2x64x128xf32, #tpu.memory_space<vmem>>
    %gather3A_455 = tpu.vector_load_idx %gather3A_454[%and3A_10, %add3A_448, %and3A_345] : memref<2x64x128xf32, #tpu.memory_space<vmem>>[vector<16xi32>, vector<16xi32>, vector<16xi32>], vector<16xf32>,
    %gather3A_456 = arith.constant 0 : i32
    %gather3A_457 = arith.constant 0 : i32
    %gather3A_458 = arith.constant 0 : i32
    %gather3A_459 = arith.constant 0 : i32
    %gather3A_460 = tpu.memref_slice %arg10[%gather3A_456, %gather3A_457, %gather3A_458, %gather3A_459] : memref<3x2x64x128xf32, #tpu.memory_space<vmem>> -> memref<1x2x64x128xf32, #tpu.memory_space<vmem>>
    %gather3A_461 = tpu.memref_squeeze %gather3A_460 : memref<1x2x64x128xf32, #tpu.memory_space<vmem>> -> memref<2x64x128xf32, #tpu.memory_space<vmem>>
    %gather3A_462 = tpu.vector_load_idx %gather3A_461[%and3A_10, %add3A_448, %and3A_352] : memref<2x64x128xf32, #tpu.memory_space<vmem>>[vector<16xi32>, vector<16xi32>, vector<16xi32>], vector<16xf32>,
    %mul3A_463 = arith.mulf %gather3A_455, %gather3A_462 : vector<16xf32>
    %add3A_464 = arith.addf %add3A_442, %mul3A_463 : vector<16xf32>
    %shift_left3A_465 = arith.constant 3 : i32
    %shift_left3A_466 = vector.broadcast %shift_left3A_465 : i32 to vector<16xi32>
    %shift_left3A_467 = arith.shli %shift_right_logical3A_12, %shift_left3A_466 : vector<16xi32>
    %add3A_468 = arith.constant 5 : i32
    %add3A_469 = vector.broadcast %add3A_468 : i32 to vector<16xi32>
    %add3A_470 = arith.addi %shift_left3A_467, %add3A_469 : vector<16xi32>
    %gather3A_471 = arith.constant 0 : i32
    %gather3A_472 = arith.constant 0 : i32
    %gather3A_473 = arith.constant 0 : i32
    %gather3A_474 = arith.constant 0 : i32
    %gather3A_475 = tpu.memref_slice %arg9[%gather3A_471, %gather3A_472, %gather3A_473, %gather3A_474] : memref<3x2x64x128xf32, #tpu.memory_space<vmem>> -> memref<1x2x64x128xf32, #tpu.memory_space<vmem>>
    %gather3A_476 = tpu.memref_squeeze %gather3A_475 : memref<1x2x64x128xf32, #tpu.memory_space<vmem>> -> memref<2x64x128xf32, #tpu.memory_space<vmem>>
    %gather3A_477 = tpu.vector_load_idx %gather3A_476[%and3A_10, %add3A_470, %and3A_345] : memref<2x64x128xf32, #tpu.memory_space<vmem>>[vector<16xi32>, vector<16xi32>, vector<16xi32>], vector<16xf32>,
    %gather3A_478 = arith.constant 0 : i32
    %gather3A_479 = arith.constant 0 : i32
    %gather3A_480 = arith.constant 0 : i32
    %gather3A_481 = arith.constant 0 : i32
    %gather3A_482 = tpu.memref_slice %arg10[%gather3A_478, %gather3A_479, %gather3A_480, %gather3A_481] : memref<3x2x64x128xf32, #tpu.memory_space<vmem>> -> memref<1x2x64x128xf32, #tpu.memory_space<vmem>>
    %gather3A_483 = tpu.memref_squeeze %gather3A_482 : memref<1x2x64x128xf32, #tpu.memory_space<vmem>> -> memref<2x64x128xf32, #tpu.memory_space<vmem>>
    %gather3A_484 = tpu.vector_load_idx %gather3A_483[%and3A_10, %add3A_470, %and3A_352] : memref<2x64x128xf32, #tpu.memory_space<vmem>>[vector<16xi32>, vector<16xi32>, vector<16xi32>], vector<16xf32>,
    %mul3A_485 = arith.mulf %gather3A_477, %gather3A_484 : vector<16xf32>
    %add3A_486 = arith.addf %add3A_464, %mul3A_485 : vector<16xf32>
    %shift_left3A_487 = arith.constant 3 : i32
    %shift_left3A_488 = vector.broadcast %shift_left3A_487 : i32 to vector<16xi32>
    %shift_left3A_489 = arith.shli %shift_right_logical3A_12, %shift_left3A_488 : vector<16xi32>
    %add3A_490 = arith.constant 6 : i32
    %add3A_491 = vector.broadcast %add3A_490 : i32 to vector<16xi32>
    %add3A_492 = arith.addi %shift_left3A_489, %add3A_491 : vector<16xi32>
    %gather3A_493 = arith.constant 0 : i32
    %gather3A_494 = arith.constant 0 : i32
    %gather3A_495 = arith.constant 0 : i32
    %gather3A_496 = arith.constant 0 : i32
    %gather3A_497 = tpu.memref_slice %arg9[%gather3A_493, %gather3A_494, %gather3A_495, %gather3A_496] : memref<3x2x64x128xf32, #tpu.memory_space<vmem>> -> memref<1x2x64x128xf32, #tpu.memory_space<vmem>>
    %gather3A_498 = tpu.memref_squeeze %gather3A_497 : memref<1x2x64x128xf32, #tpu.memory_space<vmem>> -> memref<2x64x128xf32, #tpu.memory_space<vmem>>
    %gather3A_499 = tpu.vector_load_idx %gather3A_498[%and3A_10, %add3A_492, %and3A_345] : memref<2x64x128xf32, #tpu.memory_space<vmem>>[vector<16xi32>, vector<16xi32>, vector<16xi32>], vector<16xf32>,
    %gather3A_500 = arith.constant 0 : i32
    %gather3A_501 = arith.constant 0 : i32
    %gather3A_502 = arith.constant 0 : i32
    %gather3A_503 = arith.constant 0 : i32
    %gather3A_504 = tpu.memref_slice %arg10[%gather3A_500, %gather3A_501, %gather3A_502, %gather3A_503] : memref<3x2x64x128xf32, #tpu.memory_space<vmem>> -> memref<1x2x64x128xf32, #tpu.memory_space<vmem>>
    %gather3A_505 = tpu.memref_squeeze %gather3A_504 : memref<1x2x64x128xf32, #tpu.memory_space<vmem>> -> memref<2x64x128xf32, #tpu.memory_space<vmem>>
    %gather3A_506 = tpu.vector_load_idx %gather3A_505[%and3A_10, %add3A_492, %and3A_352] : memref<2x64x128xf32, #tpu.memory_space<vmem>>[vector<16xi32>, vector<16xi32>, vector<16xi32>], vector<16xf32>,
    %mul3A_507 = arith.mulf %gather3A_499, %gather3A_506 : vector<16xf32>
    %add3A_508 = arith.addf %add3A_486, %mul3A_507 : vector<16xf32>
    %shift_left3A_509 = arith.constant 3 : i32
    %shift_left3A_510 = vector.broadcast %shift_left3A_509 : i32 to vector<16xi32>
    %shift_left3A_511 = arith.shli %shift_right_logical3A_12, %shift_left3A_510 : vector<16xi32>
    %add3A_512 = arith.constant 7 : i32
    %add3A_513 = vector.broadcast %add3A_512 : i32 to vector<16xi32>
    %add3A_514 = arith.addi %shift_left3A_511, %add3A_513 : vector<16xi32>
    %gather3A_515 = arith.constant 0 : i32
    %gather3A_516 = arith.constant 0 : i32
    %gather3A_517 = arith.constant 0 : i32
    %gather3A_518 = arith.constant 0 : i32
    %gather3A_519 = tpu.memref_slice %arg9[%gather3A_515, %gather3A_516, %gather3A_517, %gather3A_518] : memref<3x2x64x128xf32, #tpu.memory_space<vmem>> -> memref<1x2x64x128xf32, #tpu.memory_space<vmem>>
    %gather3A_520 = tpu.memref_squeeze %gather3A_519 : memref<1x2x64x128xf32, #tpu.memory_space<vmem>> -> memref<2x64x128xf32, #tpu.memory_space<vmem>>
    %gather3A_521 = tpu.vector_load_idx %gather3A_520[%and3A_10, %add3A_514, %and3A_345] : memref<2x64x128xf32, #tpu.memory_space<vmem>>[vector<16xi32>, vector<16xi32>, vector<16xi32>], vector<16xf32>,
    %gather3A_522 = arith.constant 0 : i32
    %gather3A_523 = arith.constant 0 : i32
    %gather3A_524 = arith.constant 0 : i32
    %gather3A_525 = arith.constant 0 : i32
    %gather3A_526 = tpu.memref_slice %arg10[%gather3A_522, %gather3A_523, %gather3A_524, %gather3A_525] : memref<3x2x64x128xf32, #tpu.memory_space<vmem>> -> memref<1x2x64x128xf32, #tpu.memory_space<vmem>>
    %gather3A_527 = tpu.memref_squeeze %gather3A_526 : memref<1x2x64x128xf32, #tpu.memory_space<vmem>> -> memref<2x64x128xf32, #tpu.memory_space<vmem>>
    %gather3A_528 = tpu.vector_load_idx %gather3A_527[%and3A_10, %add3A_514, %and3A_352] : memref<2x64x128xf32, #tpu.memory_space<vmem>>[vector<16xi32>, vector<16xi32>, vector<16xi32>], vector<16xf32>,
    %mul3A_529 = arith.mulf %gather3A_521, %gather3A_528 : vector<16xf32>
    %add3A_530 = arith.addf %add3A_508, %mul3A_529 : vector<16xf32>
    %add3A_531 = arith.constant 510 : i32
    %add3A_532 = vector.broadcast %add3A_531 : i32 to vector<16xi32>
    %add3A_533 = arith.addi %add3A_532, %and3A_10 : vector<16xi32>
    tpu.vector_store_idx %arg11[%add3A_533], %add3A_530 {add = true} : memref<512xf32, #tpu.memory_space<vmem>>[vector<16xi32>], vector<16xf32>,
    %dma_wait3A_534 = arith.constant 1 : i32
    %dma_wait3A_535 = arith.constant 0 : i32
    %dma_wait3A_536 = arith.constant 0 : i32
    %dma_wait3A_537 = arith.constant 0 : i32
    %dma_wait3A_538 = tpu.memref_slice %arg9[%dma_wait3A_534, %dma_wait3A_535, %dma_wait3A_536, %dma_wait3A_537] : memref<3x2x64x128xf32, #tpu.memory_space<vmem>> -> memref<1x1x64x128xf32, #tpu.memory_space<vmem>>
    %dma_wait3A_539 = tpu.memref_squeeze %dma_wait3A_538 : memref<1x1x64x128xf32, #tpu.memory_space<vmem>> -> memref<64x128xf32, #tpu.memory_space<vmem>>
    %dma_wait3A_540 = arith.constant 0 : i32
    %dma_wait3A_541 = arith.constant 0 : i32
    %dma_wait3A_542 = tpu.memref_slice %arg4[%dma_wait3A_540, %dma_wait3A_541] : memref<64x1000000xf32, #tpu.memory_space<hbm>> -> memref<64x128xf32, #tpu.memory_space<hbm>>
    %dma_wait3A_543 = arith.constant 0 : i32
    %dma_wait3A_544 = arith.constant 0 : i32
    %dma_wait3A_545 = tpu.memref_slice %arg9[%dma_wait3A_534, %dma_wait3A_535, %dma_wait3A_543, %dma_wait3A_544] : memref<3x2x64x128xf32, #tpu.memory_space<vmem>> -> memref<1x1x64x128xf32, #tpu.memory_space<vmem>>
    %dma_wait3A_546 = tpu.memref_squeeze %dma_wait3A_545 : memref<1x1x64x128xf32, #tpu.memory_space<vmem>> -> memref<64x128xf32, #tpu.memory_space<vmem>>
    %dma_wait3A_547 = arith.constant 0 : i32
    %dma_wait3A_548 = arith.constant 0 : i32
    %dma_wait3A_549 = tpu.memref_slice %arg4[%dma_wait3A_547, %dma_wait3A_548] : memref<64x1000000xf32, #tpu.memory_space<hbm>> -> memref<64x128xf32, #tpu.memory_space<hbm>>
    tpu.wait_dma2 semaphore(%arg14 : memref<!tpu.dma_semaphore, #tpu.memory_space<semaphore_mem>>) src(%dma_wait3A_549 : memref<64x128xf32, #tpu.memory_space<hbm>>) dst(%dma_wait3A_546 : memref<64x128xf32, #tpu.memory_space<vmem>>)
    %dma_wait3A_550 = arith.constant 1 : i32
    %dma_wait3A_551 = arith.constant 0 : i32
    %dma_wait3A_552 = arith.constant 0 : i32
    %dma_wait3A_553 = arith.constant 0 : i32
    %dma_wait3A_554 = tpu.memref_slice %arg10[%dma_wait3A_550, %dma_wait3A_551, %dma_wait3A_552, %dma_wait3A_553] : memref<3x2x64x128xf32, #tpu.memory_space<vmem>> -> memref<1x1x64x128xf32, #tpu.memory_space<vmem>>
    %dma_wait3A_555 = tpu.memref_squeeze %dma_wait3A_554 : memref<1x1x64x128xf32, #tpu.memory_space<vmem>> -> memref<64x128xf32, #tpu.memory_space<vmem>>
    %dma_wait3A_556 = arith.constant 0 : i32
    %dma_wait3A_557 = arith.constant 0 : i32
    %dma_wait3A_558 = tpu.memref_slice %arg5[%dma_wait3A_556, %dma_wait3A_557] : memref<64x1000000xf32, #tpu.memory_space<hbm>> -> memref<64x128xf32, #tpu.memory_space<hbm>>
    %dma_wait3A_559 = arith.constant 0 : i32
    %dma_wait3A_560 = arith.constant 0 : i32
    %dma_wait3A_561 = tpu.memref_slice %arg10[%dma_wait3A_550, %dma_wait3A_551, %dma_wait3A_559, %dma_wait3A_560] : memref<3x2x64x128xf32, #tpu.memory_space<vmem>> -> memref<1x1x64x128xf32, #tpu.memory_space<vmem>>
    %dma_wait3A_562 = tpu.memref_squeeze %dma_wait3A_561 : memref<1x1x64x128xf32, #tpu.memory_space<vmem>> -> memref<64x128xf32, #tpu.memory_space<vmem>>
    %dma_wait3A_563 = arith.constant 0 : i32
    %dma_wait3A_564 = arith.constant 0 : i32
    %dma_wait3A_565 = tpu.memref_slice %arg5[%dma_wait3A_563, %dma_wait3A_564] : memref<64x1000000xf32, #tpu.memory_space<hbm>> -> memref<64x128xf32, #tpu.memory_space<hbm>>
    tpu.wait_dma2 semaphore(%arg15 : memref<!tpu.dma_semaphore, #tpu.memory_space<semaphore_mem>>) src(%dma_wait3A_565 : memref<64x128xf32, #tpu.memory_space<hbm>>) dst(%dma_wait3A_562 : memref<64x128xf32, #tpu.memory_space<vmem>>)
    %dma_wait3A_566 = arith.constant 1 : i32
    %dma_wait3A_567 = arith.constant 1 : i32
    %dma_wait3A_568 = arith.constant 0 : i32
    %dma_wait3A_569 = arith.constant 0 : i32
    %dma_wait3A_570 = tpu.memref_slice %arg9[%dma_wait3A_566, %dma_wait3A_567, %dma_wait3A_568, %dma_wait3A_569] : memref<3x2x64x128xf32, #tpu.memory_space<vmem>> -> memref<1x1x64x128xf32, #tpu.memory_space<vmem>>
    %dma_wait3A_571 = tpu.memref_squeeze %dma_wait3A_570 : memref<1x1x64x128xf32, #tpu.memory_space<vmem>> -> memref<64x128xf32, #tpu.memory_space<vmem>>
    %dma_wait3A_572 = arith.constant 0 : i32
    %dma_wait3A_573 = arith.constant 0 : i32
    %dma_wait3A_574 = tpu.memref_slice %arg4[%dma_wait3A_572, %dma_wait3A_573] : memref<64x1000000xf32, #tpu.memory_space<hbm>> -> memref<64x128xf32, #tpu.memory_space<hbm>>
    %dma_wait3A_575 = arith.constant 0 : i32
    %dma_wait3A_576 = arith.constant 0 : i32
    %dma_wait3A_577 = tpu.memref_slice %arg9[%dma_wait3A_566, %dma_wait3A_567, %dma_wait3A_575, %dma_wait3A_576] : memref<3x2x64x128xf32, #tpu.memory_space<vmem>> -> memref<1x1x64x128xf32, #tpu.memory_space<vmem>>
    %dma_wait3A_578 = tpu.memref_squeeze %dma_wait3A_577 : memref<1x1x64x128xf32, #tpu.memory_space<vmem>> -> memref<64x128xf32, #tpu.memory_space<vmem>>
    %dma_wait3A_579 = arith.constant 0 : i32
    %dma_wait3A_580 = arith.constant 0 : i32
    %dma_wait3A_581 = tpu.memref_slice %arg4[%dma_wait3A_579, %dma_wait3A_580] : memref<64x1000000xf32, #tpu.memory_space<hbm>> -> memref<64x128xf32, #tpu.memory_space<hbm>>
    tpu.wait_dma2 semaphore(%arg14 : memref<!tpu.dma_semaphore, #tpu.memory_space<semaphore_mem>>) src(%dma_wait3A_581 : memref<64x128xf32, #tpu.memory_space<hbm>>) dst(%dma_wait3A_578 : memref<64x128xf32, #tpu.memory_space<vmem>>)
    %dma_wait3A_582 = arith.constant 1 : i32
    %dma_wait3A_583 = arith.constant 1 : i32
    %dma_wait3A_584 = arith.constant 0 : i32
    %dma_wait3A_585 = arith.constant 0 : i32
    %dma_wait3A_586 = tpu.memref_slice %arg10[%dma_wait3A_582, %dma_wait3A_583, %dma_wait3A_584, %dma_wait3A_585] : memref<3x2x64x128xf32, #tpu.memory_space<vmem>> -> memref<1x1x64x128xf32, #tpu.memory_space<vmem>>
    %dma_wait3A_587 = tpu.memref_squeeze %dma_wait3A_586 : memref<1x1x64x128xf32, #tpu.memory_space<vmem>> -> memref<64x128xf32, #tpu.memory_space<vmem>>
    %dma_wait3A_588 = arith.constant 0 : i32
    %dma_wait3A_589 = arith.constant 0 : i32
    %dma_wait3A_590 = tpu.memref_slice %arg5[%dma_wait3A_588, %dma_wait3A_589] : memref<64x1000000xf32, #tpu.memory_space<hbm>> -> memref<64x128xf32, #tpu.memory_space<hbm>>
    %dma_wait3A_591 = arith.constant 0 : i32
    %dma_wait3A_592 = arith.constant 0 : i32
    %dma_wait3A_593 = tpu.memref_slice %arg10[%dma_wait3A_582, %dma_wait3A_583, %dma_wait3A_591, %dma_wait3A_592] : memref<3x2x64x128xf32, #tpu.memory_space<vmem>> -> memref<1x1x64x128xf32, #tpu.memory_space<vmem>>
    %dma_wait3A_594 = tpu.memref_squeeze %dma_wait3A_593 : memref<1x1x64x128xf32, #tpu.memory_space<vmem>> -> memref<64x128xf32, #tpu.memory_space<vmem>>
    %dma_wait3A_595 = arith.constant 0 : i32
    %dma_wait3A_596 = arith.constant 0 : i32
    %dma_wait3A_597 = tpu.memref_slice %arg5[%dma_wait3A_595, %dma_wait3A_596] : memref<64x1000000xf32, #tpu.memory_space<hbm>> -> memref<64x128xf32, #tpu.memory_space<hbm>>
    tpu.wait_dma2 semaphore(%arg15 : memref<!tpu.dma_semaphore, #tpu.memory_space<semaphore_mem>>) src(%dma_wait3A_597 : memref<64x128xf32, #tpu.memory_space<hbm>>) dst(%dma_wait3A_594 : memref<64x128xf32, #tpu.memory_space<vmem>>)
    %dma_wait3A_598 = arith.constant 2 : i32
    %dma_wait3A_599 = arith.constant 0 : i32
    %dma_wait3A_600 = arith.constant 0 : i32
    %dma_wait3A_601 = arith.constant 0 : i32
    %dma_wait3A_602 = tpu.memref_slice %arg9[%dma_wait3A_598, %dma_wait3A_599, %dma_wait3A_600, %dma_wait3A_601] : memref<3x2x64x128xf32, #tpu.memory_space<vmem>> -> memref<1x1x64x128xf32, #tpu.memory_space<vmem>>
    %dma_wait3A_603 = tpu.memref_squeeze %dma_wait3A_602 : memref<1x1x64x128xf32, #tpu.memory_space<vmem>> -> memref<64x128xf32, #tpu.memory_space<vmem>>
    %dma_wait3A_604 = arith.constant 0 : i32
    %dma_wait3A_605 = arith.constant 0 : i32
    %dma_wait3A_606 = tpu.memref_slice %arg4[%dma_wait3A_604, %dma_wait3A_605] : memref<64x1000000xf32, #tpu.memory_space<hbm>> -> memref<64x128xf32, #tpu.memory_space<hbm>>
    %dma_wait3A_607 = arith.constant 0 : i32
    %dma_wait3A_608 = arith.constant 0 : i32
    %dma_wait3A_609 = tpu.memref_slice %arg9[%dma_wait3A_598, %dma_wait3A_599, %dma_wait3A_607, %dma_wait3A_608] : memref<3x2x64x128xf32, #tpu.memory_space<vmem>> -> memref<1x1x64x128xf32, #tpu.memory_space<vmem>>
    %dma_wait3A_610 = tpu.memref_squeeze %dma_wait3A_609 : memref<1x1x64x128xf32, #tpu.memory_space<vmem>> -> memref<64x128xf32, #tpu.memory_space<vmem>>
    %dma_wait3A_611 = arith.constant 0 : i32
    %dma_wait3A_612 = arith.constant 0 : i32
    %dma_wait3A_613 = tpu.memref_slice %arg4[%dma_wait3A_611, %dma_wait3A_612] : memref<64x1000000xf32, #tpu.memory_space<hbm>> -> memref<64x128xf32, #tpu.memory_space<hbm>>
    tpu.wait_dma2 semaphore(%arg16 : memref<!tpu.dma_semaphore, #tpu.memory_space<semaphore_mem>>) src(%dma_wait3A_613 : memref<64x128xf32, #tpu.memory_space<hbm>>) dst(%dma_wait3A_610 : memref<64x128xf32, #tpu.memory_space<vmem>>)
    %dma_wait3A_614 = arith.constant 2 : i32
    %dma_wait3A_615 = arith.constant 0 : i32
    %dma_wait3A_616 = arith.constant 0 : i32
    %dma_wait3A_617 = arith.constant 0 : i32
    %dma_wait3A_618 = tpu.memref_slice %arg10[%dma_wait3A_614, %dma_wait3A_615, %dma_wait3A_616, %dma_wait3A_617] : memref<3x2x64x128xf32, #tpu.memory_space<vmem>> -> memref<1x1x64x128xf32, #tpu.memory_space<vmem>>
    %dma_wait3A_619 = tpu.memref_squeeze %dma_wait3A_618 : memref<1x1x64x128xf32, #tpu.memory_space<vmem>> -> memref<64x128xf32, #tpu.memory_space<vmem>>
    %dma_wait3A_620 = arith.constant 0 : i32
    %dma_wait3A_621 = arith.constant 0 : i32
    %dma_wait3A_622 = tpu.memref_slice %arg5[%dma_wait3A_620, %dma_wait3A_621] : memref<64x1000000xf32, #tpu.memory_space<hbm>> -> memref<64x128xf32, #tpu.memory_space<hbm>>
    %dma_wait3A_623 = arith.constant 0 : i32
    %dma_wait3A_624 = arith.constant 0 : i32
    %dma_wait3A_625 = tpu.memref_slice %arg10[%dma_wait3A_614, %dma_wait3A_615, %dma_wait3A_623, %dma_wait3A_624] : memref<3x2x64x128xf32, #tpu.memory_space<vmem>> -> memref<1x1x64x128xf32, #tpu.memory_space<vmem>>
    %dma_wait3A_626 = tpu.memref_squeeze %dma_wait3A_625 : memref<1x1x64x128xf32, #tpu.memory_space<vmem>> -> memref<64x128xf32, #tpu.memory_space<vmem>>
    %dma_wait3A_627 = arith.constant 0 : i32
    %dma_wait3A_628 = arith.constant 0 : i32
    %dma_wait3A_629 = tpu.memref_slice %arg5[%dma_wait3A_627, %dma_wait3A_628] : memref<64x1000000xf32, #tpu.memory_space<hbm>> -> memref<64x128xf32, #tpu.memory_space<hbm>>
    tpu.wait_dma2 semaphore(%arg17 : memref<!tpu.dma_semaphore, #tpu.memory_space<semaphore_mem>>) src(%dma_wait3A_629 : memref<64x128xf32, #tpu.memory_space<hbm>>) dst(%dma_wait3A_626 : memref<64x128xf32, #tpu.memory_space<vmem>>)
    %dma_wait3A_630 = arith.constant 2 : i32
    %dma_wait3A_631 = arith.constant 1 : i32
    %dma_wait3A_632 = arith.constant 0 : i32
    %dma_wait3A_633 = arith.constant 0 : i32
    %dma_wait3A_634 = tpu.memref_slice %arg9[%dma_wait3A_630, %dma_wait3A_631, %dma_wait3A_632, %dma_wait3A_633] : memref<3x2x64x128xf32, #tpu.memory_space<vmem>> -> memref<1x1x64x128xf32, #tpu.memory_space<vmem>>
    %dma_wait3A_635 = tpu.memref_squeeze %dma_wait3A_634 : memref<1x1x64x128xf32, #tpu.memory_space<vmem>> -> memref<64x128xf32, #tpu.memory_space<vmem>>
    %dma_wait3A_636 = arith.constant 0 : i32
    %dma_wait3A_637 = arith.constant 0 : i32
    %dma_wait3A_638 = tpu.memref_slice %arg4[%dma_wait3A_636, %dma_wait3A_637] : memref<64x1000000xf32, #tpu.memory_space<hbm>> -> memref<64x128xf32, #tpu.memory_space<hbm>>
    %dma_wait3A_639 = arith.constant 0 : i32
    %dma_wait3A_640 = arith.constant 0 : i32
    %dma_wait3A_641 = tpu.memref_slice %arg9[%dma_wait3A_630, %dma_wait3A_631, %dma_wait3A_639, %dma_wait3A_640] : memref<3x2x64x128xf32, #tpu.memory_space<vmem>> -> memref<1x1x64x128xf32, #tpu.memory_space<vmem>>
    %dma_wait3A_642 = tpu.memref_squeeze %dma_wait3A_641 : memref<1x1x64x128xf32, #tpu.memory_space<vmem>> -> memref<64x128xf32, #tpu.memory_space<vmem>>
    %dma_wait3A_643 = arith.constant 0 : i32
    %dma_wait3A_644 = arith.constant 0 : i32
    %dma_wait3A_645 = tpu.memref_slice %arg4[%dma_wait3A_643, %dma_wait3A_644] : memref<64x1000000xf32, #tpu.memory_space<hbm>> -> memref<64x128xf32, #tpu.memory_space<hbm>>
    tpu.wait_dma2 semaphore(%arg16 : memref<!tpu.dma_semaphore, #tpu.memory_space<semaphore_mem>>) src(%dma_wait3A_645 : memref<64x128xf32, #tpu.memory_space<hbm>>) dst(%dma_wait3A_642 : memref<64x128xf32, #tpu.memory_space<vmem>>)
    %dma_wait3A_646 = arith.constant 2 : i32
    %dma_wait3A_647 = arith.constant 1 : i32
    %dma_wait3A_648 = arith.constant 0 : i32
    %dma_wait3A_649 = arith.constant 0 : i32
    %dma_wait3A_650 = tpu.memref_slice %arg10[%dma_wait3A_646, %dma_wait3A_647, %dma_wait3A_648, %dma_wait3A_649] : memref<3x2x64x128xf32, #tpu.memory_space<vmem>> -> memref<1x1x64x128xf32, #tpu.memory_space<vmem>>
    %dma_wait3A_651 = tpu.memref_squeeze %dma_wait3A_650 : memref<1x1x64x128xf32, #tpu.memory_space<vmem>> -> memref<64x128xf32, #tpu.memory_space<vmem>>
    %dma_wait3A_652 = arith.constant 0 : i32
    %dma_wait3A_653 = arith.constant 0 : i32
    %dma_wait3A_654 = tpu.memref_slice %arg5[%dma_wait3A_652, %dma_wait3A_653] : memref<64x1000000xf32, #tpu.memory_space<hbm>> -> memref<64x128xf32, #tpu.memory_space<hbm>>
    %dma_wait3A_655 = arith.constant 0 : i32
    %dma_wait3A_656 = arith.constant 0 : i32
    %dma_wait3A_657 = tpu.memref_slice %arg10[%dma_wait3A_646, %dma_wait3A_647, %dma_wait3A_655, %dma_wait3A_656] : memref<3x2x64x128xf32, #tpu.memory_space<vmem>> -> memref<1x1x64x128xf32, #tpu.memory_space<vmem>>
    %dma_wait3A_658 = tpu.memref_squeeze %dma_wait3A_657 : memref<1x1x64x128xf32, #tpu.memory_space<vmem>> -> memref<64x128xf32, #tpu.memory_space<vmem>>
    %dma_wait3A_659 = arith.constant 0 : i32
    %dma_wait3A_660 = arith.constant 0 : i32
    %dma_wait3A_661 = tpu.memref_slice %arg5[%dma_wait3A_659, %dma_wait3A_660] : memref<64x1000000xf32, #tpu.memory_space<hbm>> -> memref<64x128xf32, #tpu.memory_space<hbm>>
    tpu.wait_dma2 semaphore(%arg17 : memref<!tpu.dma_semaphore, #tpu.memory_space<semaphore_mem>>) src(%dma_wait3A_661 : memref<64x128xf32, #tpu.memory_space<hbm>>) dst(%dma_wait3A_658 : memref<64x128xf32, #tpu.memory_space<vmem>>)
    "tpu.region"() ({
      %run_scoped3A = tpu.sem_alloc : memref<!tpu.dma_semaphore, #tpu.memory_space<semaphore_mem>>
      %dma_start3A_662 = tpu.memref_slice %arg6[%mul3A_2] : memref<16384xf32, #tpu.memory_space<hbm>> -> memref<512xf32, #tpu.memory_space<hbm>>
      %dma_start3A_663 = tpu.memref_slice %arg6[%mul3A_2] : memref<16384xf32, #tpu.memory_space<hbm>> -> memref<512xf32, #tpu.memory_space<hbm>>
      tpu.enqueue_dma source(%arg11 : memref<512xf32, #tpu.memory_space<vmem>>) target(%dma_start3A_663 : memref<512xf32, #tpu.memory_space<hbm>>) target_semaphore(%run_scoped3A : memref<!tpu.dma_semaphore, #tpu.memory_space<semaphore_mem>>)
      %dma_wait3A_664 = tpu.memref_slice %arg6[%mul3A_2] : memref<16384xf32, #tpu.memory_space<hbm>> -> memref<512xf32, #tpu.memory_space<hbm>>
      %dma_wait3A_665 = tpu.memref_slice %arg6[%mul3A_2] : memref<16384xf32, #tpu.memory_space<hbm>> -> memref<512xf32, #tpu.memory_space<hbm>>
      tpu.wait_dma2 semaphore(%run_scoped3A : memref<!tpu.dma_semaphore, #tpu.memory_space<semaphore_mem>>) src(%arg11 : memref<512xf32, #tpu.memory_space<vmem>>) dst(%dma_wait3A_665 : memref<512xf32, #tpu.memory_space<hbm>>)
      tpu.yield
    }) : () -> ()
    return
  }
}

</mosaic_0001>

<sc_bundles>
// kernel: kernel.3.cloned.1.call-start
scs
__scs_entry_jumppad:
0x0: {  	(pc) =	sbr.rel $0x88, $3  }
0x1: {  	(tag) =	ssettag $0x0;
	lr =	simm.s32 $0x1  }
0x2: {  	[smem:$0x3F9E] =	sst lr;
	_ =	strace $0xD0000000  }
0x3: {  	_ = 	snop  }
0x4: {  	_ = 	snop  }
0x5: {  	_ = 	snop  }
0x6: {  	_ = 	snop  }
0x7: {  	_ = 	snop  }
__scs_overlays_trampoline_lowered:
0x8: {  	[smem:$0x3FAD] =	sst s0  }
0x9: {  	[smem:$0x3FAE] =	sst s1  }
0xa: {  	[smem:$0x3FAF] =	sst s2  }
0xb: {  	[smem:$0x3FB0] =	sst s3  }
0xc: {  	[smem:$0x3FB1] =	sst s4  }
0xd: {  	[smem:$0x3FB2] =	sst s5  }
0xe: {  	[smem:$0x3FB3] =	sst s6  }
0xf: {  	[smem:$0x3FB4] =	sst s7  }
0x10: {  	[smem:$0x3FB5] =	sst s8  }
0x11: {  	[smem:$0x3FB6] =	sst s9;
	s0 =	simm.s32 @!p0 $0x0  }
0x12: {  	s1 =	sld [smem:$0x3F9C];
	s0 =	simm.s32 @p0 $0x1  }
0x13: {  	[smem:$0x3FB7] =	sst s0;
	s0 =	simm.s32 @!p1 $0x0  }
0x14: {  	s2 =	sld [smem:$0x3F9B];
	s0 =	simm.s32 @p1 $0x1  }
0x15: {  	[smem:$0x3FB8] =	sst s0;
	s0 =	simm.s32 @!p2 $0x0  }
0x16: {  	s3 =	sld [smem:$0x3FDB];
	s0 =	simm.s32 @p2 $0x1  }
0x17: {  	s4 =	simm.s32 $0x1BF5;
	[smem:$0x3FBA] =	sst s0  }
0x18: {  	s0 =	sld [smem:$0x3F9D];
	_ =	swait.ge [sflag:s4], $0x0  }
0x19: {  	s7 =	sld [smem:$0x3F9E]  }
0x1a: {  	s8 =	sadd.s32 $0xFFFFE003, lr  }
0x1b: {  	s9 =	sadd.s32 $0xFFFFFEF7, lr;
	s5 =	simm.s32 $0xFFFFFFFF;
	p2 =	slt.u32 s8, $0xFFFFF086  }
0x1c: {  	p1 =	slt.u32 s9, $0xF7A;
	s5 =	simm.s32 @!p2 $0x0  }
0x1d: {  	s5 =	simm.s32 @p1 $0x1;
	p0 =	seq.s32 s7, s2  }
0x1e: {  	s7 =	smul.u32 @!p0 $0xF7A, s2;
	p2 =	seq.s32 @!p0 s5, $0x0  }
0x1f: {  	s9 =	smul.u32 $0xF7A, s1;
	s8 =	simm.s32 @!p0 $0x1BF5;
	p2 =	por !p2, p0  }
0x20: {  	[sflag:s8] =	ssyncset.s32 @!p0 $0xFFFFF086;
	s6 =	sadd.s32 @!p0 s3, s7;
	s7 =	simm.s32 @!p0 $0x108  }
0x21: {  	s3 =	sadd.s32 s3, s9;
	s6 =	sadd.s32 @!p0 $0x88, s6;
	s7 =	simm.s32 @p2 $0x1082  }
0x22: {  	[simem:s7], [sflag:s8] =	dma.local @!p0 [hbm:s6], $0xF7A  }
0x23: {  	s9 =	sor.u32 $0xD0000000, s2;
	s6 =	simm.s32 $0x108;
	_ =	swait.ge @!p0 [sflag:s8], $0x0  }
0x24: {  	s3 =	sadd.s32 $0x88, s3;
	s6 =	simm.s32 @!p1 $0x1082;
	[sflag:s4] =	ssyncset.s32 $0xFFFFF086  }
0x25: {  	[simem:s6], [sflag:s4] =	dma.local [hbm:s3], $0xF7A  }
0x26: {  	[smem:$0x3F9E] =	sst s1;
	(tag) =	ssettag s2;
	_ =	strace s9  }
0x27: {  	s1 =	sld [smem:$0x3FAE]  }
0x28: {  	s2 =	sld [smem:$0x3FAF]  }
0x29: {  	s4 =	sld [smem:$0x3FB1]  }
0x2a: {  	p0 =	seq.s32 s5, $0x0;
	s5 =	sld [smem:$0x3FB2]  }
0x2b: {  	s6 =	sld [smem:$0x3FB3]  }
0x2c: {  	s7 =	sld [smem:$0x3FB4]  }
0x2d: {  	s3 =	simm.s32 $0x108;
	s8 =	sld [smem:$0x3FB5]  }
0x2e: {  	s3 =	simm.s32 @!p0 $0x1082;
	s9 =	sld [smem:$0x3FB6]  }
0x2f: {  	lr =	sadd.s32 s0, s3;
	s0 =	sld [smem:$0x3FAD]  }
0x30: {  	s3 =	sld [smem:$0x3FB0]  }
0x31: {  	[smem:$0x3FB9] =	sst s10  }
0x32: {  	s10 =	sld [smem:$0x3FB7];
	_ =	sdelay $0x3  }
0x33: {  	p0 =	seq.s32 s10, $0x1;
	s10 =	sld [smem:$0x3FB9];
	_ =	sdelay $0x3  }
0x34: {  	[smem:$0x3FB9] =	sst s10  }
0x35: {  	s10 =	sld [smem:$0x3FB8];
	_ =	sdelay $0x3  }
0x36: {  	p1 =	seq.s32 s10, $0x1;
	s10 =	sld [smem:$0x3FB9];
	_ =	sdelay $0x3  }
0x37: {  	[smem:$0x3FB9] =	sst s10  }
0x38: {  	s10 =	sld [smem:$0x3FBA]  }
0x39: {  	_ = 	snop;
	(pc) =	sbr.ind lr, $3  }
0x3a: {  	_ = 	snop  }
0x3b: {  	_ = 	snop  }
0x3c: {  	p2 =	seq.s32 s10, $0x1;
	s10 =	sld [smem:$0x3FB9]  }
0x3d: {  	_ =	shalt  }
0x3e: {  	_ =	shalt  }
0x3f: {  	_ =	shalt  }
0x40: {  	_ =	shalt  }
0x41: {  	_ =	shalt  }
0x42: {  	_ =	shalt  }
0x43: {  	_ =	shalt  }
0x44: {  	_ =	shalt  }
0x45: {  	_ =	shalt  }
0x46: {  	_ =	shalt  }
0x47: {  	_ =	shalt  }
0x48: {  	_ =	shalt  }
0x49: {  	_ =	shalt  }
0x4a: {  	_ =	shalt  }
0x4b: {  	_ =	shalt  }
0x4c: {  	_ =	shalt  }
0x4d: {  	_ =	shalt  }
0x4e: {  	_ =	shalt  }
0x4f: {  	_ =	shalt  }
0x50: {  	_ =	shalt  }
0x51: {  	_ =	shalt  }
0x52: {  	_ =	shalt  }
0x53: {  	_ =	shalt  }
0x54: {  	_ =	shalt  }
0x55: {  	_ =	shalt  }
0x56: {  	_ =	shalt  }
0x57: {  	_ =	shalt  }
0x58: {  	_ =	shalt  }
0x59: {  	_ =	shalt  }
0x5a: {  	_ =	shalt  }
0x5b: {  	_ =	shalt  }
0x5c: {  	_ =	shalt  }
0x5d: {  	_ =	shalt  }
0x5e: {  	_ =	shalt  }
0x5f: {  	_ =	shalt  }
0x60: {  	_ =	shalt  }
0x61: {  	_ =	shalt  }
0x62: {  	_ =	shalt  }
0x63: {  	_ =	shalt  }
0x64: {  	_ =	shalt  }
0x65: {  	_ =	shalt  }
0x66: {  	_ =	shalt  }
0x67: {  	_ =	shalt  }
0x68: {  	_ =	shalt  }
0x69: {  	_ =	shalt  }
0x6a: {  	_ =	shalt  }
0x6b: {  	_ =	shalt  }
0x6c: {  	_ =	shalt  }
0x6d: {  	_ =	shalt  }
0x6e: {  	_ =	shalt  }
0x6f: {  	_ =	shalt  }
0x70: {  	_ =	shalt  }
0x71: {  	_ =	shalt  }
0x72: {  	_ =	shalt  }
0x73: {  	_ =	shalt  }
0x74: {  	_ =	shalt  }
0x75: {  	_ =	shalt  }
0x76: {  	_ =	shalt  }
0x77: {  	_ =	shalt  }
0x78: {  	_ =	shalt  }
0x79: {  	_ =	shalt  }
0x7a: {  	_ =	shalt  }
0x7b: {  	_ =	shalt  }
0x7c: {  	_ =	shalt  }
0x7d: {  	_ =	shalt  }
0x7e: {  	_ =	shalt  }
0x7f: {  	_ =	shalt  }
0x80: {  	_ =	shalt  }
0x81: {  	_ =	shalt  }
0x82: {  	_ =	shalt  }
0x83: {  	_ =	shalt  }
0x84: {  	_ =	shalt  }
0x85: {  	_ =	shalt  }
0x86: {  	_ =	shalt  }
0x87: {  	_ =	shalt  }
.Lfunc_end0:
.L_simem_size_0:
called_computation_lowered:
.L_overlay_start_0:
0x88: {  	s2 =	sld [smem:$0x3FD9]  }
0x89: {  	s3 =	sld [smem:$0x3FFE];
	_ =	sdelay $0x1  }
0x8a: {  	s1 =	srdreg.scid  }
0x8b: {  	s0 =	sand.u32 $0x1, s1  }
0x8c: {  	s17 =	sshll.u32 s0, $0xA;
	s2 =	sadd.s32 s3, s2  }
0x8d: {  	s2 =	sadd.s32 s2, s17  }
0x8e: {  	[smem:$0x3FC5] =	sst s2  }
0x8f: {  	_ = 	snop  }
0x90: {  	s2 =	sld [smem:$0x3FC8]  }
0x91: {  	s18 =	sld [smem:$0x3FC7]  }
0x92: {  	s4 =	sld [smem:$0x3FD0];
	(tm) =	ssettm $0x1  }
0x93: {  	s5 =	sld [smem:$0x3FFB];
	_ =	sdelay $0x3  }
0x94: {  	_ =	strace s5  }
0x95: {  	s5 =	sld [smem:$0x3FFC];
	_ =	sdelay $0x3  }
0x96: {  	_ =	strace s5  }
0x97: {  	s5 =	sld [smem:$0x3FFD];
	_ =	sdelay $0x3  }
0x98: {  	_ =	strace s5  }
0x99: {  	_ =	strace $0x8FFFFFFF  }
0x9a: {  	s19 =	sld [smem:$0x3FDB];
	_ =	sdelay $0x1  }
0x9b: {  	s6 =	simm.s32 $_scs_section_size  }
0x9c: {  	s7 =	simm.s32 $_size__tile_overlayer_lowered;
	s8 =	simm.s32 $_tile_overlayer_lowered  }
0x9d: {  	s22 =	simm.s32 $0x1BFF;
	s21 =	sshll.u32 s8, $0x1;
	s5 =	sadd.s32 s6, s19  }
0x9e: {  	s9 =	simm.s32 $0x0;
	s20 =	sshll.u32 s7, $0x1;
	s7 =	sadd.s32 s21, s5  }
0x9f: {  	[timem:s9], [sflag:s22] =	dma.local [hbm:s7], s20  }
0xa0: {  	_ =	swait.ge [sflag:s22], s20  }
0xa1: {  	s6 =	ssub.s32 $0x0, s20;
	[sflag:s22] =	ssyncset.done $0x0  }
0xa2: {  	[sflag:s22] =	ssyncadd.s32 s6;
	_ =	sdelay $0x1  }
0xa3: {  	s23 =	simm.s32 $0x1B8B  }
0xa4: {  	_ =	swait.ge [sflag:s23], $0x1  }
0xa5: {  	[sflag:s23] =	ssyncset.done $0x0  }
0xa6: {  	s25 =	simm.s32 $0x1B8E;
	s24 =	sld [smem:$0x3FFE];
	[sflag:s23] =	ssyncadd.s32 $0xFFFFFFFF  }
0xa7: {  	s26 =	simm.s32 $execute0_lowered;
	[smem:$0x3FD2] =	sst s25  }
0xa8: {  	s7 =	sshll.u32 s26, $0x1;
	_ =	strace $0x80000046;
	[dreg:$0x1] =	wrdreg $0xFFFFFFFF  }
0xa9: {  	s28 =	simm.s32 $_size_execute0_lowered;
	s5 =	sadd.s32 s5, s7;
	[dreg:$0x0] =	wrdreg $0x0  }
0xaa: {  	s7 =	sshll.u32 s28, $0x1;
	[dreg:$0x2] =	wrdreg s5  }
0xab: {  	[dreg:$0x3] =	wrdreg s7  }
0xac: {  	[dreg:$0x4] =	wrdreg $0xC0  }
0xad: {  	_ =	task [dreg:s9], $0x5FFFF  }
0xae: {  	[dreg:$0x1] =	wrdreg $0xFFFFFFFF  }
0xaf: {  	[dreg:$0x0] =	wrdreg $0x60  }
0xb0: {  	[dreg:$0x2] =	wrdreg s24  }
0xb1: {  	[dreg:$0x3] =	wrdreg s2  }
0xb2: {  	[dreg:$0x4] =	wrdreg s18  }
0xb3: {  	[dreg:$0x5] =	wrdreg s4  }
0xb4: {  	[dreg:$0x6] =	wrdreg $0x9  }
0xb5: {  	_ =	task.clear_ibuf [dreg:s9], $0x7FFFF;
	_ =	strace $0x90000046  }
0xb6: {  	s29 =	simm.s32 $0x9;
	_ =	strace $0x80000048  }
0xb7: {  	_ =	swait.ge [sflag:s29], $0x1  }
0xb8: {  	[sflag:s29] =	ssyncadd.s32 $0xFFFFFFFF  }
0xb9: {  	_ =	strace $0x90000048  }
0xba: {  	_ =	sfence  }
0xbb: {  	s30 =	sld [smem:$0x0];
	_ =	sdelay $0x2  }
0xbc: {  	s31 =	sshll.u32 s1, $0xD;
	s1 =	sshrl.u32 s1, $0x2  }
0xbd: {  	s3 =	sand.u32 $0x4000, s31;
	s1 =	sadd.s32 s1, s30  }
0xbe: {  	s0 =	sor.u32 s3, s0;
	s1 =	sshll.u32 s1, $0x11  }
0xbf: {  	s0 =	sor.u32 s1, s0  }
0xc0: {  	s0 =	sadd.s32 $0x8F2B, s0  }
0xc1: {  	[sflag:s0] =	ssyncadd.remote.s32 $0x1  }
0xc2: {  	_ =	sfence.sel $0xFFFF  }
0xc3: {  	[dreg:$0x0] =	wrdreg $0xFFFFFFFF;
	(pc) =	sbr.abs _section_cstart, $3  }
0xc4: {  	[dreg:$0x1] =	wrdreg $0xFFFFFFFF  }
0xc5: {  	_ =	task.clear_ibuf [dreg:s9], $0x2FFFF;
	_ =	strace $0x9FFFFFFF  }
0xc6: {  	(tm) =	ssettm $0x7FFFFFFF  }
0xc7: {  	_ =	shalt  }
tec
execute0_lowered:
.L_overlay_start_1:
0x0: {  	(tag) =	ssettag $0x1  }
0x1: {  	v10 =	vlaneseq.u32;
	v0 =	vimm.f32 $0.0e+00;
	v2 =	vimm.s32 $0x3C00  }
0x2: {  	vm14 =	vcmask $0x300;
	v3 =	vimm.s32 $0x3C80;
	vm13 =	vcmask $0x704  }
0x3: {  	vm12 =	vcmask $0xB08;
	vm11 =	vcmask $0xF0C;
	vm10 =	vcmask $0x1310  }
0x4: {  	vm9 =	vcmask $0x1714;
	vm8 =	vcmask $0x1B18;
	vm7 =	vcmask $0x1F1C  }
0x5: {  	vm6 =	vcmask $0x2320;
	vm5 =	vcmask $0x2724;
	vm4 =	vcmask $0x2B28  }
0x6: {  	vm3 =	vcmask $0x2F2C;
	vm2 =	vcmask $0x3330;
	vm1 =	vcmask $0x3734  }
0x7: {  	vm0 =	vcmask $0x3B38;
	v4 =	vimm.s32 $0x3D00;
	v5 =	vimm.s32 $0x3D80  }
0x8: {  	v6 =	vimm.s32 $0x3E00;
	v7 =	vimm.s32 $0x3E80;
	v8 =	vimm.s32 $0x3F00  }
0x9: {  	v9 =	vimm.s32 $0x3F80;
	v1 =	vand.u32 $0x1, v10;
	v2 =	vsel vm14, $0x0, v2  }
0xa: {  	v3 =	vsel vm14, $0x80, v3;
	v4 =	vsel vm14, $0x100, v4;
	v5 =	vsel vm14, $0x180, v5  }
0xb: {  	v6 =	vsel vm14, $0x200, v6;
	v7 =	vsel vm14, $0x280, v7;
	v8 =	vsel vm14, $0x300, v8  }
0xc: {  	v9 =	vsel vm14, $0x380, v9;
	v10 =	vor.u32 $0x1FE, v10;
	v2 =	vsel vm13, $0x2000, v2  }
0xd: {  	v3 =	vsel vm13, $0x2080, v3;
	v4 =	vsel vm13, $0x2100, v4;
	v5 =	vsel vm13, $0x2180, v5  }
0xe: {  	v6 =	vsel vm13, $0x2200, v6;
	v7 =	vsel vm13, $0x2280, v7;
	v8 =	vsel vm13, $0x2300, v8  }
0xf: {  	v9 =	vsel vm13, $0x2380, v9;
	v2 =	vsel vm12, $0x400, v2;
	v3 =	vsel vm12, $0x480, v3  }
0x10: {  	v4 =	vsel vm12, $0x500, v4;
	v5 =	vsel vm12, $0x580, v5;
	v6 =	vsel vm12, $0x600, v6  }
0x11: {  	v7 =	vsel vm12, $0x680, v7;
	v8 =	vsel vm12, $0x700, v8;
	v9 =	vsel vm12, $0x780, v9  }
0x12: {  	v2 =	vsel vm11, $0x2400, v2;
	v3 =	vsel vm11, $0x2480, v3;
	v4 =	vsel vm11, $0x2500, v4  }
0x13: {  	v5 =	vsel vm11, $0x2580, v5;
	v6 =	vsel vm11, $0x2600, v6;
	v7 =	vsel vm11, $0x2680, v7  }
0x14: {  	v8 =	vsel vm11, $0x2700, v8;
	v9 =	vsel vm11, $0x2780, v9;
	v2 =	vsel vm10, $0x800, v2  }
0x15: {  	v3 =	vsel vm10, $0x880, v3;
	v4 =	vsel vm10, $0x900, v4;
	v5 =	vsel vm10, $0x980, v5  }
0x16: {  	v6 =	vsel vm10, $0xA00, v6;
	v7 =	vsel vm10, $0xA80, v7;
	v8 =	vsel vm10, $0xB00, v8  }
0x17: {  	v9 =	vsel vm10, $0xB80, v9;
	v2 =	vsel vm9, $0x2800, v2;
	v3 =	vsel vm9, $0x2880, v3  }
0x18: {  	v4 =	vsel vm9, $0x2900, v4;
	v5 =	vsel vm9, $0x2980, v5;
	v6 =	vsel vm9, $0x2A00, v6  }
0x19: {  	v7 =	vsel vm9, $0x2A80, v7;
	v8 =	vsel vm9, $0x2B00, v8;
	v9 =	vsel vm9, $0x2B80, v9  }
0x1a: {  	v2 =	vsel vm8, $0xC00, v2;
	v3 =	vsel vm8, $0xC80, v3;
	v4 =	vsel vm8, $0xD00, v4  }
0x1b: {  	v5 =	vsel vm8, $0xD80, v5;
	v6 =	vsel vm8, $0xE00, v6;
	v7 =	vsel vm8, $0xE80, v7  }
0x1c: {  	v8 =	vsel vm8, $0xF00, v8;
	v9 =	vsel vm8, $0xF80, v9;
	v2 =	vsel vm7, $0x2C00, v2  }
0x1d: {  	v3 =	vsel vm7, $0x2C80, v3;
	v4 =	vsel vm7, $0x2D00, v4;
	v5 =	vsel vm7, $0x2D80, v5  }
0x1e: {  	v6 =	vsel vm7, $0x2E00, v6;
	v7 =	vsel vm7, $0x2E80, v7;
	v8 =	vsel vm7, $0x2F00, v8  }
0x1f: {  	v9 =	vsel vm7, $0x2F80, v9;
	v2 =	vsel vm6, $0x1000, v2;
	v3 =	vsel vm6, $0x1080, v3  }
0x20: {  	s2 =	rddreg [dreg:$0x0];
	v4 =	vsel vm6, $0x1100, v4;
	v5 =	vsel vm6, $0x1180, v5;
	v6 =	vsel vm6, $0x1200, v6  }
0x21: {  	s0 =	rddreg [dreg:$0x1];
	v7 =	vsel vm6, $0x1280, v7;
	v8 =	vsel vm6, $0x1300, v8;
	v9 =	vsel vm6, $0x1380, v9  }
0x22: {  	s1 =	rddreg [dreg:$0x2];
	s3 =	srdreg.scid;
	v2 =	vsel vm5, $0x3000, v2;
	v3 =	vsel vm5, $0x3080, v3;
	v4 =	vsel vm5, $0x3100, v4  }
0x23: {  	s5 =	rddreg [dreg:$0x3];
	s4 =	stileid.u32;
	s11 =	simm.s32 $0x7A1400;
	v5 =	vsel vm5, $0x3180, v5;
	v6 =	vsel vm5, $0x3200, v6;
	v7 =	vsel vm5, $0x3280, v7  }
0x24: {  	s10 =	simm.s32 $0x280;
	s12 =	simm.s32 $0x400;
	s13 =	simm.s32 $0x500;
	v8 =	vsel vm5, $0x3300, v8;
	v9 =	vsel vm5, $0x3380, v9;
	v2 =	vsel vm4, $0x1400, v2  }
0x25: {  	s14 =	simm.s32 $0xC500;
	s15 =	simm.s32 $0x2500;
	s16 =	simm.s32 $0xE500;
	v3 =	vsel vm4, $0x1480, v3;
	v4 =	vsel vm4, $0x1500, v4;
	v5 =	vsel vm4, $0x1580, v5  }
0x26: {  	s17 =	simm.s32 $0x4500;
	s18 =	simm.s32 $0x10500;
	s19 =	simm.s32 $0x6500;
	v6 =	vsel vm4, $0x1600, v6;
	v7 =	vsel vm4, $0x1680, v7;
	v8 =	vsel vm4, $0x1700, v8  }
0x27: {  	s20 =	simm.s32 $0x12500;
	s21 =	simm.s32 $0x8500;
	s22 =	simm.s32 $0x14500;
	v9 =	vsel vm4, $0x1780, v9;
	v2 =	vsel vm3, $0x3400, v2;
	v3 =	vsel vm3, $0x3480, v3  }
0x28: {  	s28 =	simm.s32 $0x18500;
	s29 =	simm.s32 $0x3;
	s30 =	simm.s32 $0x4;
	v4 =	vsel vm3, $0x3500, v4;
	v5 =	vsel vm3, $0x3580, v5;
	v6 =	vsel vm3, $0x3600, v6  }
0x29: {  	s31 =	simm.s32 $0x5;
	s3 =	sand.u32 $0x1, s3;
	s6 =	sshll.u32 s4, $0x7;
	v7 =	vsel vm3, $0x3680, v7;
	v8 =	vsel vm3, $0x3700, v8;
	v9 =	vsel vm3, $0x3780, v9  }
0x2a: {  	s4 =	simm.s32 $0x0;
	s7 =	sshll.u32 s3, $0x6;
	s3 =	ssub.s32 $0x2, s3;
	v2 =	vsel vm2, $0x1800, v2;
	v3 =	vsel vm2, $0x1880, v3;
	v4 =	vsel vm2, $0x1900, v4  }
0x2b: {  	[smem:$0x7FF] =	sst s4;
	s6 =	sor.u32 s7, s6;
	s23 =	sshrl.u32 s3, $0x1;
	v5 =	vsel vm2, $0x1980, v5;
	v6 =	vsel vm2, $0x1A00, v6;
	v7 =	vsel vm2, $0x1A80, v7  }
0x2c: {  	_ =	strace $0x80000047;
	s2 =	sadd.s32 s6, s2;
	s25 =	sadd.s32 s5, s6;
	v8 =	vsel vm2, $0x1B00, v8;
	v9 =	vsel vm2, $0x1B80, v9;
	v2 =	vsel vm1, $0x3800, v2  }
0x2d: {  	s3 =	ssub.s32 s3, s23;
	s24 =	sadd.s32 $0xE00, s2;
	[dreg:$0x7] =	wrdreg s25;
	v3 =	vsel vm1, $0x3880, v3;
	v4 =	vsel vm1, $0x3900, v4;
	v5 =	vsel vm1, $0x3980, v5  }
0x2e: {  	s6 =	simm.s32 $0x7;
	s2 =	sadd.s32 $0x600, s2;
	[dreg:$0x5] =	wrdreg s24;
	v6 =	vsel vm1, $0x3A00, v6;
	v7 =	vsel vm1, $0x3A80, v7;
	v8 =	vsel vm1, $0x3B00, v8  }
0x2f: {  	s23 =	simm.s32 $0xA500;
	s26 =	smax.u32 s3, $0x1;
	[dreg:$0x6] =	wrdreg s2;
	v9 =	vsel vm1, $0x3B80, v9;
	v2 =	vsel vm0, $0x1C00, v2;
	v3 =	vsel vm0, $0x1C80, v3  }
0x30: {  	s25 =	simm.s32 $0x1;
	s3 =	simm.s32 $0x6;
	[dreg:$0x8] =	wrdreg s26;
	v4 =	vsel vm0, $0x1D00, v4;
	v5 =	vsel vm0, $0x1D80, v5;
	v6 =	vsel vm0, $0x1E00, v6  }
0x31: {  	s24 =	simm.s32 $0x16500;
	s26 =	simm.s32 $0x2;
	s2 =	simm.s32 $0x0;
	v7 =	vsel vm0, $0x1E80, v7;
	v8 =	vsel vm0, $0x1F00, v8;
	v9 =	vsel vm0, $0x1F80, v9  }
.LBB2_1:
0x32: {  	s5 =	rddreg [dreg:$0x5]  }
0x33: {  	[tilespmem:s4], [sflag:$0x7] =	stream.linear.gather [hbm4b:s5+s4], $0x200, $0x38;
	[tilespmem:$0x18700] =	vst v63  }
0x34: {  	_ =	swait.ge [sflag:s6], $0x200  }
0x35: {  	[sflag:s6] =	ssyncset.done $0x0  }
0x36: {  	s7 =	rddreg [dreg:$0x6];
	[sflag:s6] =	ssyncadd.s32 $0xFFFFFE00  }
0x37: {  	[tilespmem:s10], [sflag:$0x7] =	stream.linear.gather [hbm4b:s7+s4], $0x200, $0x38;
	[tilespmem:$0x18700] =	vst v63  }
0x38: {  	_ =	swait.ge [sflag:s6], $0x200  }
0x39: {  	[sflag:s6] =	ssyncset.done $0x0  }
0x3a: {  	[sflag:s6] =	ssyncadd.s32 $0xFFFFFE00  }
0x3b: {  	[tilespmem:$0x18500] =	vst v0  }
0x3c: {  	[tilespmem:$0x18510] =	vst v0  }
0x3d: {  	[tilespmem:$0x18520] =	vst v0  }
0x3e: {  	[tilespmem:$0x18530] =	vst v0  }
0x3f: {  	[tilespmem:$0x18540] =	vst v0  }
0x40: {  	[tilespmem:$0x18550] =	vst v0  }
0x41: {  	[tilespmem:$0x18560] =	vst v0  }
0x42: {  	[tilespmem:$0x18570] =	vst v0  }
0x43: {  	[tilespmem:$0x18580] =	vst v0  }
0x44: {  	[tilespmem:$0x18590] =	vst v0;
	v11 =	vld [tilespmem:$0x0]  }
0x45: {  	[tilespmem:$0x185A0] =	vst v0  }
0x46: {  	[tilespmem:$0x185B0] =	vst v0;
	v12 =	vld [tilespmem:$0x280]  }
0x47: {  	[tilespmem:$0x185C0] =	vst v0  }
0x48: {  	[tilespmem:$0x185D0] =	vst v0  }
0x49: {  	[tilespmem:$0x185E0] =	vst v0;
	(v2sf) =	vpush v11, $0x0  }
0x4a: {  	[tilespmem:$0x185F0] =	vst v0  }
0x4b: {  	[tilespmem:$0x18600] =	vst v0;
	(v2sf) =	vpush v12, $0x0  }
0x4c: {  	[tilespmem:$0x18610] =	vst v0  }
0x4d: {  	[tilespmem:$0x18620] =	vst v0  }
0x4e: {  	[tilespmem:$0x18630] =	vst v0;
	(v2sf) =	vpush v11, $0x1  }
0x4f: {  	[tilespmem:$0x18640] =	vst v0  }
0x50: {  	[tilespmem:$0x18650] =	vst v0  }
0x51: {  	[tilespmem:$0x18660] =	vst v0;
	(v2sf) =	vpush v12, $0x1  }
0x52: {  	[tilespmem:$0x18670] =	vst v0  }
0x53: {  	[tilespmem:$0x18680] =	vst v0  }
0x54: {  	[tilespmem:$0x18690] =	vst v0  }
0x55: {  	[tilespmem:$0x186A0] =	vst v0  }
0x56: {  	[tilespmem:$0x186B0] =	vst v0  }
0x57: {  	[tilespmem:$0x186C0] =	vst v0  }
0x58: {  	[tilespmem:$0x186D0] =	vst v0;
	s8 =	spop (v2sf)  }
0x59: {  	[tilespmem:$0x186E0] =	vst v0;
	s5 =	sand.u32 $0xFFFFF80, s8  }
0x5a: {  	[tilespmem:$0x186F0] =	vst v0;
	s9 =	spop (v2sf);
	s5 =	sadd.s32 s0, s5  }
0x5b: {  	[tilespmem:s13], [sflag:$0x1] =	stream.strided.gather [hbm4b:s5+s12], $0x2000, s11, s12, $0x38;
	[tilespmem:$0x18700] =	vst v63  }
0x5c: {  	s5 =	sand.u32 $0xFFFFF80, s9  }
0x5d: {  	s6 =	spop (v2sf);
	s5 =	sadd.s32 s1, s5  }
0x5e: {  	[tilespmem:s14], [sflag:$0x2] =	stream.strided.gather [hbm4b:s5+s12], $0x2000, s11, s12, $0x38;
	[tilespmem:$0x18700] =	vst v63  }
0x5f: {  	s5 =	sand.u32 $0xFFFFF80, s6  }
0x60: {  	s7 =	spop (v2sf);
	s5 =	sadd.s32 s0, s5  }
0x61: {  	[tilespmem:s15], [sflag:$0x1] =	stream.strided.gather [hbm4b:s5+s12], $0x2000, s11, s12, $0x38;
	[tilespmem:$0x18700] =	vst v63  }
0x62: {  	s5 =	sand.u32 $0xFFFFF80, s7  }
0x63: {  	s5 =	sadd.s32 s1, s5  }
0x64: {  	[tilespmem:s16], [sflag:$0x2] =	stream.strided.gather [hbm4b:s5+s12], $0x2000, s11, s12, $0x38;
	[tilespmem:$0x18700] =	vst v63  }
0x65: {  	v11 =	vld [tilespmem:$0x2];
	_ =	sdelay $0x1  }
0x66: {  	v62 =	vld [tilespmem:$0x282];
	_ =	sdelay $0x2  }
0x67: {  	(v2sf) =	vpush v11, $0x0;
	_ =	sdelay $0x1  }
0x68: {  	(v2sf) =	vpush v62, $0x0;
	_ =	sdelay $0x2  }
0x69: {  	(v2sf) =	vpush v11, $0x1;
	_ =	sdelay $0x2  }
0x6a: {  	(v2sf) =	vpush v62, $0x1;
	_ =	sdelay $0x6  }
0x6b: {  	s8 =	spop (v2sf)  }
0x6c: {  	s5 =	sand.u32 $0xFFFFF80, s8  }
0x6d: {  	s9 =	spop (v2sf);
	s5 =	sadd.s32 s0, s5  }
0x6e: {  	[tilespmem:s17], [sflag:$0x3] =	stream.strided.gather [hbm4b:s5+s12], $0x2000, s11, s12, $0x38;
	[tilespmem:$0x18700] =	vst v63  }
0x6f: {  	s5 =	sand.u32 $0xFFFFF80, s9  }
0x70: {  	s6 =	spop (v2sf);
	s5 =	sadd.s32 s1, s5  }
0x71: {  	[tilespmem:s18], [sflag:$0x4] =	stream.strided.gather [hbm4b:s5+s12], $0x2000, s11, s12, $0x38;
	[tilespmem:$0x18700] =	vst v63  }
0x72: {  	s5 =	sand.u32 $0xFFFFF80, s6  }
0x73: {  	s7 =	spop (v2sf);
	s5 =	sadd.s32 s0, s5  }
0x74: {  	[tilespmem:s19], [sflag:$0x3] =	stream.strided.gather [hbm4b:s5+s12], $0x2000, s11, s12, $0x38;
	[tilespmem:$0x18700] =	vst v63  }
0x75: {  	s5 =	sand.u32 $0xFFFFF80, s7  }
0x76: {  	s5 =	sadd.s32 s1, s5  }
0x77: {  	[tilespmem:s20], [sflag:$0x4] =	stream.strided.gather [hbm4b:s5+s12], $0x2000, s11, s12, $0x38;
	[tilespmem:$0x18700] =	vst v63  }
0x78: {  	v11 =	vld [tilespmem:$0x4]  }
0x79: {  	v63 =	vld [tilespmem:$0x284];
	_ =	sdelay $0x3  }
0x7a: {  	(v2sf) =	vpush v11, $0x0  }
0x7b: {  	(v2sf) =	vpush v63, $0x0  }
0x7c: {  	(v2sf) =	vpush v11, $0x1;
	_ =	sdelay $0x3  }
0x7d: {  	(v2sf) =	vpush v63, $0x1;
	_ =	sdelay $0x8  }
0x7e: {  	s8 =	spop (v2sf)  }
0x7f: {  	s5 =	sand.u32 $0xFFFFF80, s8;
	s9 =	spop (v2sf)  }
0x80: {  	s5 =	sadd.s32 s0, s5;
	s6 =	sand.u32 $0xFFFFF80, s9;
	s7 =	spop (v2sf)  }
0x81: {  	[tilespmem:s21], [sflag:$0x5] =	stream.strided.gather [hbm4b:s5+s12], $0x2000, s11, s12, $0x38;
	[tilespmem:$0x18700] =	vst v63  }
0x82: {  	s5 =	sadd.s32 s1, s6;
	s8 =	sand.u32 $0xFFFFF80, s7  }
0x83: {  	[tilespmem:s22], [sflag:$0x6] =	stream.strided.gather [hbm4b:s5+s12], $0x2000, s11, s12, $0x38;
	[tilespmem:$0x18700] =	vst v63  }
0x84: {  	s9 =	spop (v2sf);
	s5 =	sadd.s32 s0, s8  }
0x85: {  	[tilespmem:s23], [sflag:$0x5] =	stream.strided.gather [hbm4b:s5+s12], $0x2000, s11, s12, $0x38;
	[tilespmem:$0x18700] =	vst v63  }
0x86: {  	s5 =	sand.u32 $0xFFFFF80, s9  }
0x87: {  	s6 =	simm.s32 $0x0;
	s5 =	sadd.s32 s1, s5  }
0x88: {  	[tilespmem:s24], [sflag:$0x6] =	stream.strided.gather [hbm4b:s5+s12], $0x2000, s11, s12, $0x38;
	[tilespmem:$0x18700] =	vst v63  }
0x89: {  	s7 =	simm.s32 $0x6;
	s8 =	simm.s32 $0x0;
	s5 =	simm.s32 $0x286  }
.LBB2_2:
0x8a: {  	_ =	swait.ge [sflag:s25], $0x2000  }
0x8b: {  	[sflag:s25] =	ssyncset.done $0x0  }
0x8c: {  	[sflag:s25] =	ssyncadd.s32 $0xFFFFE000  }
0x8d: {  	_ =	swait.ge [sflag:s26], $0x2000  }
0x8e: {  	[sflag:s26] =	ssyncset.done $0x0  }
0x8f: {  	[sflag:s26] =	ssyncadd.s32 $0xFFFFE000  }
0x90: {  	_ =	swait.ge [sflag:s25], $0x2000  }
0x91: {  	v11 =	vor.u32 s6, v1;
	[sflag:s25] =	ssyncset.done $0x0  }
0x92: {  	[sflag:s25] =	ssyncadd.s32 $0xFFFFE000  }
0x93: {  	_ =	swait.ge [sflag:s26], $0x2000  }
0x94: {  	[sflag:s26] =	ssyncset.done $0x0  }
0x95: {  	[sflag:s26] =	ssyncadd.s32 $0xFFFFE000  }
0x96: {  	v12 =	vld.idx.msk [tilespmem:v11+s4+$0x0], $0xffff  }
0x97: {  	v13 =	vld.idx.msk [tilespmem:v11+s10+$0x0], $0xffff;
	_ =	sdelay $0x3  }
0x98: {  	v12 =	vand.u32 $0x7F, v12  }
0x99: {  	v13 =	vand.u32 $0x7F, v13;
	v14 =	vor.u32 v2, v12  }
0x9a: {  	v15 =	vor.u32 v2, v13  }
0x9b: {  	v16 =	vor.u32 v3, v12  }
0x9c: {  	v17 =	vor.u32 v3, v13  }
0x9d: {  	v18 =	vor.u32 v4, v12  }
0x9e: {  	v19 =	vor.u32 v4, v13;
	v14 =	vld.idx.msk [tilespmem:v14+s13+$0x0], $0xffff  }
0x9f: {  	v20 =	vor.u32 v5, v12;
	v15 =	vld.idx.msk [tilespmem:v15+s14+$0x0], $0xffff  }
0xa0: {  	v21 =	vor.u32 v5, v13;
	v16 =	vld.idx.msk [tilespmem:v16+s13+$0x0], $0xffff  }
0xa1: {  	v22 =	vor.u32 v6, v12;
	v17 =	vld.idx.msk [tilespmem:v17+s14+$0x0], $0xffff  }
0xa2: {  	v23 =	vor.u32 v6, v13;
	v18 =	vld.idx.msk [tilespmem:v18+s13+$0x0], $0xffff  }
0xa3: {  	v24 =	vor.u32 v7, v12;
	v19 =	vld.idx.msk [tilespmem:v19+s14+$0x0], $0xffff  }
0xa4: {  	v37 =	vor.u32 v7, v13;
	v36 =	vld.idx.msk [tilespmem:v20+s13+$0x0], $0xffff;
	v14 =	vmul.f32 v15, v14  }
0xa5: {  	v25 =	vor.u32 v8, v12;
	v21 =	vld.idx.msk [tilespmem:v21+s14+$0x0], $0xffff  }
0xa6: {  	v39 =	vor.u32 v8, v13;
	v38 =	vld.idx.msk [tilespmem:v22+s13+$0x0], $0xffff;
	v16 =	vmul.f32 v17, v16;
	v14 =	vadd.f32 $0.0e+00, v14  }
0xa7: {  	v12 =	vor.u32 v9, v12;
	v23 =	vld.idx.msk [tilespmem:v23+s14+$0x0], $0xffff  }
0xa8: {  	v13 =	vor.u32 v9, v13;
	v41 =	vld.idx.msk [tilespmem:v24+s13+$0x0], $0xffff;
	v40 =	vmul.f32 v19, v18;
	v14 =	vadd.f32 v16, v14  }
0xa9: {  	v42 =	vld.idx.msk [tilespmem:v37+s14+$0x0], $0xffff  }
0xaa: {  	v43 =	vld.idx.msk [tilespmem:v25+s13+$0x0], $0xffff;
	v15 =	vmul.f32 v21, v36;
	v14 =	vadd.f32 v40, v14  }
0xab: {  	v44 =	vld.idx.msk [tilespmem:v39+s14+$0x0], $0xffff  }
0xac: {  	v12 =	vld.idx.msk [tilespmem:v12+s13+$0x0], $0xffff;
	v45 =	vmul.f32 v23, v38;
	v14 =	vadd.f32 v15, v14  }
0xad: {  	v13 =	vld.idx.msk [tilespmem:v13+s14+$0x0], $0xffff  }
0xae: {  	v46 =	vmul.f32 v42, v41;
	v14 =	vadd.f32 v45, v14;
	_ =	sdelay $0x1  }
0xaf: {  	v47 =	vmul.f32 v44, v43;
	v14 =	vadd.f32 v46, v14;
	_ =	sdelay $0x1  }
0xb0: {  	v12 =	vmul.f32 v13, v12;
	v14 =	vadd.f32 v47, v14;
	_ =	sdelay $0x1  }
0xb1: {  	v12 =	vadd.f32 v12, v14;
	_ =	sdelay $0x1  }
0xb2: {  	[tilespmem:v11+s28+$0x0] =	vst.idx.add.f32.msk $0xffff, v12  }
0xb3: {  	v11 =	vld [tilespmem:s7+$0x0];
	_ =	sdelay $0x3  }
0xb4: {  	v12 =	vld [tilespmem:s5+$0x0]  }
0xb5: {  	(v2sf) =	vpush v11, $0x0;
	_ =	sdelay $0x3  }
0xb6: {  	(v2sf) =	vpush v12, $0x0;
	_ =	sdelay $0x3  }
0xb7: {  	(v2sf) =	vpush v11, $0x1;
	_ =	sdelay $0x3  }
0xb8: {  	(v2sf) =	vpush v12, $0x1;
	_ =	sdelay $0x2  }
0xb9: {  	s9 =	spop (v2sf)  }
0xba: {  	s9 =	sand.u32 $0xFFFFF80, s9  }
0xbb: {  	s9 =	sadd.s32 s0, s9  }
0xbc: {  	[tilespmem:s13], [sflag:$0x1] =	stream.strided.gather [hbm4b:s9+s12], $0x2000, s11, s12, $0x38;
	[tilespmem:$0x18700] =	vst v63  }
0xbd: {  	s9 =	spop (v2sf)  }
0xbe: {  	s9 =	sand.u32 $0xFFFFF80, s9  }
0xbf: {  	s9 =	sadd.s32 s1, s9  }
0xc0: {  	[tilespmem:s14], [sflag:$0x2] =	stream.strided.gather [hbm4b:s9+s12], $0x2000, s11, s12, $0x38;
	[tilespmem:$0x18700] =	vst v63  }
0xc1: {  	s9 =	spop (v2sf)  }
0xc2: {  	s9 =	sand.u32 $0xFFFFF80, s9  }
0xc3: {  	s9 =	sadd.s32 s0, s9  }
0xc4: {  	[tilespmem:s15], [sflag:$0x1] =	stream.strided.gather [hbm4b:s9+s12], $0x2000, s11, s12, $0x38;
	[tilespmem:$0x18700] =	vst v63  }
0xc5: {  	s9 =	spop (v2sf)  }
0xc6: {  	s9 =	sand.u32 $0xFFFFF80, s9  }
0xc7: {  	s9 =	sadd.s32 s1, s9  }
0xc8: {  	[tilespmem:s16], [sflag:$0x2] =	stream.strided.gather [hbm4b:s9+s12], $0x2000, s11, s12, $0x38;
	[tilespmem:$0x18700] =	vst v63  }
0xc9: {  	_ =	swait.ge [sflag:s29], $0x2000  }
0xca: {  	[sflag:s29] =	ssyncset.done $0x0  }
0xcb: {  	[sflag:s29] =	ssyncadd.s32 $0xFFFFE000  }
0xcc: {  	_ =	swait.ge [sflag:s30], $0x2000  }
0xcd: {  	[sflag:s30] =	ssyncset.done $0x0  }
0xce: {  	[sflag:s30] =	ssyncadd.s32 $0xFFFFE000  }
0xcf: {  	s9 =	sadd.s32 $0x2, s6;
	_ =	swait.ge [sflag:s29], $0x2000  }
0xd0: {  	v11 =	vor.u32 s9, v1;
	[sflag:s29] =	ssyncset.done $0x0  }
0xd1: {  	[sflag:s29] =	ssyncadd.s32 $0xFFFFE000  }
0xd2: {  	_ =	swait.ge [sflag:s30], $0x2000  }
0xd3: {  	[sflag:s30] =	ssyncset.done $0x0  }
0xd4: {  	[sflag:s30] =	ssyncadd.s32 $0xFFFFE000  }
0xd5: {  	v48 =	vld.idx.msk [tilespmem:v11+s4+$0x0], $0xffff  }
0xd6: {  	v49 =	vld.idx.msk [tilespmem:v11+s10+$0x0], $0xffff;
	_ =	sdelay $0x3  }
0xd7: {  	v12 =	vand.u32 $0x7F, v48  }
0xd8: {  	v13 =	vand.u32 $0x7F, v49;
	v50 =	vor.u32 v2, v12  }
0xd9: {  	v51 =	vor.u32 v2, v13  }
0xda: {  	v52 =	vor.u32 v3, v12  }
0xdb: {  	v53 =	vor.u32 v3, v13  }
0xdc: {  	v54 =	vor.u32 v4, v12  }
0xdd: {  	v55 =	vor.u32 v4, v13;
	v14 =	vld.idx.msk [tilespmem:v50+s17+$0x0], $0xffff  }
0xde: {  	v56 =	vor.u32 v5, v12;
	v15 =	vld.idx.msk [tilespmem:v51+s18+$0x0], $0xffff  }
0xdf: {  	v57 =	vor.u32 v5, v13;
	v16 =	vld.idx.msk [tilespmem:v52+s17+$0x0], $0xffff  }
0xe0: {  	v58 =	vor.u32 v6, v12;
	v17 =	vld.idx.msk [tilespmem:v53+s18+$0x0], $0xffff  }
0xe1: {  	v59 =	vor.u32 v6, v13;
	v18 =	vld.idx.msk [tilespmem:v54+s17+$0x0], $0xffff  }
0xe2: {  	v60 =	vor.u32 v7, v12;
	v19 =	vld.idx.msk [tilespmem:v55+s18+$0x0], $0xffff  }
0xe3: {  	v62 =	vor.u32 v7, v13;
	v61 =	vld.idx.msk [tilespmem:v56+s17+$0x0], $0xffff;
	v14 =	vmul.f32 v15, v14  }
0xe4: {  	v63 =	vor.u32 v8, v12;
	v21 =	vld.idx.msk [tilespmem:v57+s18+$0x0], $0xffff  }
0xe5: {  	v29 =	vor.u32 v8, v13;
	v28 =	vld.idx.msk [tilespmem:v58+s17+$0x0], $0xffff;
	v16 =	vmul.f32 v17, v16;
	v14 =	vadd.f32 $0.0e+00, v14  }
0xe6: {  	v12 =	vor.u32 v9, v12;
	v23 =	vld.idx.msk [tilespmem:v59+s18+$0x0], $0xffff  }
0xe7: {  	v13 =	vor.u32 v9, v13;
	v31 =	vld.idx.msk [tilespmem:v60+s17+$0x0], $0xffff;
	v30 =	vmul.f32 v19, v18;
	v14 =	vadd.f32 v16, v14  }
0xe8: {  	v32 =	vld.idx.msk [tilespmem:v62+s18+$0x0], $0xffff  }
0xe9: {  	v33 =	vld.idx.msk [tilespmem:v63+s17+$0x0], $0xffff;
	v15 =	vmul.f32 v21, v61;
	v14 =	vadd.f32 v30, v14  }
0xea: {  	v34 =	vld.idx.msk [tilespmem:v29+s18+$0x0], $0xffff  }
0xeb: {  	v12 =	vld.idx.msk [tilespmem:v12+s17+$0x0], $0xffff;
	v35 =	vmul.f32 v23, v28;
	v14 =	vadd.f32 v15, v14  }
0xec: {  	v13 =	vld.idx.msk [tilespmem:v13+s18+$0x0], $0xffff  }
0xed: {  	v36 =	vmul.f32 v32, v31;
	v14 =	vadd.f32 v35, v14;
	_ =	sdelay $0x1  }
0xee: {  	v37 =	vmul.f32 v34, v33;
	v14 =	vadd.f32 v36, v14;
	_ =	sdelay $0x1  }
0xef: {  	v12 =	vmul.f32 v13, v12;
	v14 =	vadd.f32 v37, v14;
	_ =	sdelay $0x1  }
0xf0: {  	v12 =	vadd.f32 v12, v14  }
0xf1: {  	s9 =	smin.u32 s8, $0xFB  }
0xf2: {  	s9 =	sshll.u32 s9, $0x1;
	[tilespmem:v11+s28+$0x0] =	vst.idx.add.f32.msk $0xffff, v12  }
0xf3: {  	v11 =	vld [tilespmem:s9+$0x8];
	_ =	sdelay $0x3  }
0xf4: {  	v12 =	vld [tilespmem:s9+$0x288]  }
0xf5: {  	(v2sf) =	vpush v11, $0x0;
	_ =	sdelay $0x3  }
0xf6: {  	(v2sf) =	vpush v12, $0x0;
	_ =	sdelay $0x3  }
0xf7: {  	(v2sf) =	vpush v11, $0x1;
	_ =	sdelay $0x3  }
0xf8: {  	(v2sf) =	vpush v12, $0x1;
	_ =	sdelay $0x2  }
0xf9: {  	s9 =	spop (v2sf)  }
0xfa: {  	s9 =	sand.u32 $0xFFFFF80, s9  }
0xfb: {  	s9 =	sadd.s32 s0, s9  }
0xfc: {  	[tilespmem:s17], [sflag:$0x3] =	stream.strided.gather [hbm4b:s9+s12], $0x2000, s11, s12, $0x38;
	[tilespmem:$0x18700] =	vst v63  }
0xfd: {  	s9 =	spop (v2sf)  }
0xfe: {  	s9 =	sand.u32 $0xFFFFF80, s9  }
0xff: {  	s9 =	sadd.s32 s1, s9  }
0x100: {  	[tilespmem:s18], [sflag:$0x4] =	stream.strided.gather [hbm4b:s9+s12], $0x2000, s11, s12, $0x38;
	[tilespmem:$0x18700] =	vst v63  }
0x101: {  	s9 =	spop (v2sf)  }
0x102: {  	s9 =	sand.u32 $0xFFFFF80, s9  }
0x103: {  	s9 =	sadd.s32 s0, s9  }
0x104: {  	[tilespmem:s19], [sflag:$0x3] =	stream.strided.gather [hbm4b:s9+s12], $0x2000, s11, s12, $0x38;
	[tilespmem:$0x18700] =	vst v63  }
0x105: {  	s9 =	spop (v2sf)  }
0x106: {  	s9 =	sand.u32 $0xFFFFF80, s9  }
0x107: {  	s9 =	sadd.s32 s1, s9  }
0x108: {  	[tilespmem:s20], [sflag:$0x4] =	stream.strided.gather [hbm4b:s9+s12], $0x2000, s11, s12, $0x38;
	[tilespmem:$0x18700] =	vst v63  }
0x109: {  	_ =	swait.ge [sflag:s31], $0x2000  }
0x10a: {  	[sflag:s31] =	ssyncset.done $0x0  }
0x10b: {  	[sflag:s31] =	ssyncadd.s32 $0xFFFFE000  }
0x10c: {  	_ =	swait.ge [sflag:s3], $0x2000  }
0x10d: {  	[sflag:s3] =	ssyncset.done $0x0  }
0x10e: {  	[sflag:s3] =	ssyncadd.s32 $0xFFFFE000  }
0x10f: {  	s9 =	sadd.s32 $0x4, s6;
	_ =	swait.ge [sflag:s31], $0x2000  }
0x110: {  	v11 =	vor.u32 s9, v1;
	[sflag:s31] =	ssyncset.done $0x0  }
0x111: {  	[sflag:s31] =	ssyncadd.s32 $0xFFFFE000  }
0x112: {  	_ =	swait.ge [sflag:s3], $0x2000  }
0x113: {  	[sflag:s3] =	ssyncset.done $0x0  }
0x114: {  	[sflag:s3] =	ssyncadd.s32 $0xFFFFE000  }
0x115: {  	v38 =	vld.idx.msk [tilespmem:v11+s4+$0x0], $0xffff  }
0x116: {  	v39 =	vld.idx.msk [tilespmem:v11+s10+$0x0], $0xffff;
	_ =	sdelay $0x3  }
0x117: {  	v12 =	vand.u32 $0x7F, v38  }
0x118: {  	v13 =	vand.u32 $0x7F, v39;
	v40 =	vor.u32 v2, v12  }
0x119: {  	v41 =	vor.u32 v2, v13  }
0x11a: {  	v42 =	vor.u32 v3, v12  }
0x11b: {  	v43 =	vor.u32 v3, v13  }
0x11c: {  	v44 =	vor.u32 v4, v12  }
0x11d: {  	v45 =	vor.u32 v4, v13;
	v14 =	vld.idx.msk [tilespmem:v40+s21+$0x0], $0xffff  }
0x11e: {  	v46 =	vor.u32 v5, v12;
	v15 =	vld.idx.msk [tilespmem:v41+s22+$0x0], $0xffff  }
0x11f: {  	v47 =	vor.u32 v5, v13;
	v16 =	vld.idx.msk [tilespmem:v42+s21+$0x0], $0xffff  }
0x120: {  	v48 =	vor.u32 v6, v12;
	v17 =	vld.idx.msk [tilespmem:v43+s22+$0x0], $0xffff  }
0x121: {  	v49 =	vor.u32 v6, v13;
	v18 =	vld.idx.msk [tilespmem:v44+s21+$0x0], $0xffff  }
0x122: {  	v50 =	vor.u32 v7, v12;
	v19 =	vld.idx.msk [tilespmem:v45+s22+$0x0], $0xffff  }
0x123: {  	v52 =	vor.u32 v7, v13;
	v51 =	vld.idx.msk [tilespmem:v46+s21+$0x0], $0xffff;
	v14 =	vmul.f32 v15, v14  }
0x124: {  	v53 =	vor.u32 v8, v12;
	v21 =	vld.idx.msk [tilespmem:v47+s22+$0x0], $0xffff  }
0x125: {  	v55 =	vor.u32 v8, v13;
	v54 =	vld.idx.msk [tilespmem:v48+s21+$0x0], $0xffff;
	v16 =	vmul.f32 v17, v16;
	v14 =	vadd.f32 $0.0e+00, v14  }
0x126: {  	v12 =	vor.u32 v9, v12;
	v23 =	vld.idx.msk [tilespmem:v49+s22+$0x0], $0xffff  }
0x127: {  	v13 =	vor.u32 v9, v13;
	v57 =	vld.idx.msk [tilespmem:v50+s21+$0x0], $0xffff;
	v56 =	vmul.f32 v19, v18;
	v14 =	vadd.f32 v16, v14  }
0x128: {  	v58 =	vld.idx.msk [tilespmem:v52+s22+$0x0], $0xffff  }
0x129: {  	v59 =	vld.idx.msk [tilespmem:v53+s21+$0x0], $0xffff;
	v15 =	vmul.f32 v21, v51;
	v14 =	vadd.f32 v56, v14  }
0x12a: {  	v60 =	vld.idx.msk [tilespmem:v55+s22+$0x0], $0xffff  }
0x12b: {  	v12 =	vld.idx.msk [tilespmem:v12+s21+$0x0], $0xffff;
	v61 =	vmul.f32 v23, v54;
	v14 =	vadd.f32 v15, v14  }
0x12c: {  	v13 =	vld.idx.msk [tilespmem:v13+s22+$0x0], $0xffff  }
0x12d: {  	v62 =	vmul.f32 v58, v57;
	v14 =	vadd.f32 v61, v14;
	_ =	sdelay $0x1  }
0x12e: {  	v63 =	vmul.f32 v60, v59;
	v14 =	vadd.f32 v62, v14;
	_ =	sdelay $0x1  }
0x12f: {  	v12 =	vmul.f32 v13, v12;
	v14 =	vadd.f32 v63, v14;
	_ =	sdelay $0x1  }
0x130: {  	v12 =	vadd.f32 v12, v14  }
0x131: {  	s9 =	smin.u32 s8, $0xFA  }
0x132: {  	s9 =	sshll.u32 s9, $0x1;
	[tilespmem:v11+s28+$0x0] =	vst.idx.add.f32.msk $0xffff, v12  }
0x133: {  	v11 =	vld [tilespmem:s9+$0xA];
	_ =	sdelay $0x3  }
0x134: {  	v12 =	vld [tilespmem:s9+$0x28A]  }
0x135: {  	(v2sf) =	vpush v11, $0x0;
	_ =	sdelay $0x3  }
0x136: {  	(v2sf) =	vpush v12, $0x0;
	_ =	sdelay $0x3  }
0x137: {  	(v2sf) =	vpush v11, $0x1;
	_ =	sdelay $0x4  }
0x138: {  	(v2sf) =	vpush v12, $0x1;
	_ =	sdelay $0x1  }
0x139: {  	s9 =	spop (v2sf)  }
0x13a: {  	s9 =	sand.u32 $0xFFFFF80, s9  }
0x13b: {  	s9 =	sadd.s32 s0, s9  }
0x13c: {  	[tilespmem:s21], [sflag:$0x5] =	stream.strided.gather [hbm4b:s9+s12], $0x2000, s11, s12, $0x38;
	[tilespmem:$0x18700] =	vst v63  }
0x13d: {  	s9 =	spop (v2sf)  }
0x13e: {  	s9 =	sand.u32 $0xFFFFF80, s9  }
0x13f: {  	s9 =	sadd.s32 s1, s9  }
0x140: {  	[tilespmem:s22], [sflag:$0x6] =	stream.strided.gather [hbm4b:s9+s12], $0x2000, s11, s12, $0x38;
	[tilespmem:$0x18700] =	vst v63  }
0x141: {  	s9 =	spop (v2sf)  }
0x142: {  	s9 =	sand.u32 $0xFFFFF80, s9  }
0x143: {  	p0 =	sne.s32 s8, $0xFC;
	s9 =	sadd.s32 s0, s9  }
0x144: {  	[tilespmem:s23], [sflag:$0x5] =	stream.strided.gather [hbm4b:s9+s12], $0x2000, s11, s12, $0x38;
	[tilespmem:$0x18700] =	vst v63  }
.Ltmp0:
0x145: {  	_ = 	snop;
	(pc) =	sbr.rel @p0 .LBB2_2-.Ltmp0, $4  }
0x146: {  	s9 =	spop (v2sf)  }
0x147: {  	s5 =	sadd.s32 $0x6, s5;
	s7 =	sadd.s32 $0x6, s7;
	s9 =	sand.u32 $0xFFFFF80, s9  }
0x148: {  	s6 =	sadd.s32 $0x6, s6;
	s8 =	sadd.s32 $0x3, s8;
	s9 =	sadd.s32 s1, s9  }
0x149: {  	[tilespmem:s24], [sflag:$0x6] =	stream.strided.gather [hbm4b:s9+s12], $0x2000, s11, s12, $0x38;
	[tilespmem:$0x18700] =	vst v63  }
0x14a: {  	_ =	swait.ge [sflag:s25], $0x2000  }
0x14b: {  	[sflag:s25] =	ssyncset.done $0x0  }
0x14c: {  	[sflag:s25] =	ssyncadd.s32 $0xFFFFE000  }
0x14d: {  	_ =	swait.ge [sflag:s26], $0x2000  }
0x14e: {  	[sflag:s26] =	ssyncset.done $0x0  }
0x14f: {  	[sflag:s26] =	ssyncadd.s32 $0xFFFFE000  }
0x150: {  	_ =	swait.ge [sflag:s25], $0x2000  }
0x151: {  	[sflag:s25] =	ssyncset.done $0x0  }
0x152: {  	[sflag:s25] =	ssyncadd.s32 $0xFFFFE000  }
0x153: {  	_ =	swait.ge [sflag:s26], $0x2000  }
0x154: {  	[sflag:s26] =	ssyncset.done $0x0  }
0x155: {  	[sflag:s26] =	ssyncadd.s32 $0xFFFFE000  }
0x156: {  	v11 =	vld.idx.msk [tilespmem:v10+s4+$0x0], $0xffff  }
0x157: {  	v12 =	vld.idx.msk [tilespmem:v10+s10+$0x0], $0xffff;
	_ =	sdelay $0x3  }
0x158: {  	v11 =	vand.u32 $0x7F, v11  }
0x159: {  	v12 =	vand.u32 $0x7F, v12;
	v13 =	vor.u32 v2, v11  }
0x15a: {  	v14 =	vor.u32 v2, v12  }
0x15b: {  	v15 =	vor.u32 v3, v11  }
0x15c: {  	v16 =	vor.u32 v3, v12  }
0x15d: {  	v17 =	vor.u32 v4, v11  }
0x15e: {  	v18 =	vor.u32 v4, v12;
	v13 =	vld.idx.msk [tilespmem:v13+s13+$0x0], $0xffff  }
0x15f: {  	v19 =	vor.u32 v5, v11;
	v14 =	vld.idx.msk [tilespmem:v14+s14+$0x0], $0xffff  }
0x160: {  	v20 =	vor.u32 v5, v12;
	v15 =	vld.idx.msk [tilespmem:v15+s13+$0x0], $0xffff  }
0x161: {  	v21 =	vor.u32 v6, v11;
	v16 =	vld.idx.msk [tilespmem:v16+s14+$0x0], $0xffff  }
0x162: {  	v22 =	vor.u32 v6, v12;
	v17 =	vld.idx.msk [tilespmem:v17+s13+$0x0], $0xffff  }
0x163: {  	v23 =	vor.u32 v7, v11;
	v18 =	vld.idx.msk [tilespmem:v18+s14+$0x0], $0xffff  }
0x164: {  	v53 =	vor.u32 v7, v12;
	v52 =	vld.idx.msk [tilespmem:v19+s13+$0x0], $0xffff;
	v13 =	vmul.f32 v14, v13  }
0x165: {  	v24 =	vor.u32 v8, v11;
	v20 =	vld.idx.msk [tilespmem:v20+s14+$0x0], $0xffff  }
0x166: {  	v55 =	vor.u32 v8, v12;
	v54 =	vld.idx.msk [tilespmem:v21+s13+$0x0], $0xffff;
	v15 =	vmul.f32 v16, v15;
	v13 =	vadd.f32 $0.0e+00, v13  }
0x167: {  	v11 =	vor.u32 v9, v11;
	v22 =	vld.idx.msk [tilespmem:v22+s14+$0x0], $0xffff  }
0x168: {  	v12 =	vor.u32 v9, v12;
	v57 =	vld.idx.msk [tilespmem:v23+s13+$0x0], $0xffff;
	v56 =	vmul.f32 v18, v17;
	v13 =	vadd.f32 v15, v13  }
0x169: {  	v58 =	vld.idx.msk [tilespmem:v53+s14+$0x0], $0xffff  }
0x16a: {  	v59 =	vld.idx.msk [tilespmem:v24+s13+$0x0], $0xffff;
	v14 =	vmul.f32 v20, v52;
	v13 =	vadd.f32 v56, v13  }
0x16b: {  	v60 =	vld.idx.msk [tilespmem:v55+s14+$0x0], $0xffff  }
0x16c: {  	v11 =	vld.idx.msk [tilespmem:v11+s13+$0x0], $0xffff;
	v61 =	vmul.f32 v22, v54;
	v13 =	vadd.f32 v14, v13  }
0x16d: {  	v12 =	vld.idx.msk [tilespmem:v12+s14+$0x0], $0xffff  }
0x16e: {  	v62 =	vmul.f32 v58, v57;
	v13 =	vadd.f32 v61, v13;
	_ =	sdelay $0x1  }
0x16f: {  	v63 =	vmul.f32 v60, v59;
	v13 =	vadd.f32 v62, v13;
	_ =	sdelay $0x1  }
0x170: {  	v11 =	vmul.f32 v12, v11;
	v13 =	vadd.f32 v63, v13;
	_ =	sdelay $0x1  }
0x171: {  	v11 =	vadd.f32 v11, v13;
	_ =	sdelay $0x1  }
0x172: {  	[tilespmem:v10+s28+$0x0] =	vst.idx.add.f32.msk $0xffff, v11  }
0x173: {  	_ =	swait.ge [sflag:s29], $0x2000  }
0x174: {  	[sflag:s29] =	ssyncset.done $0x0  }
0x175: {  	[sflag:s29] =	ssyncadd.s32 $0xFFFFE000  }
0x176: {  	_ =	swait.ge [sflag:s30], $0x2000  }
0x177: {  	[sflag:s30] =	ssyncset.done $0x0  }
0x178: {  	[sflag:s30] =	ssyncadd.s32 $0xFFFFE000  }
0x179: {  	_ =	swait.ge [sflag:s29], $0x2000  }
0x17a: {  	[sflag:s29] =	ssyncset.done $0x0  }
0x17b: {  	[sflag:s29] =	ssyncadd.s32 $0xFFFFE000  }
0x17c: {  	_ =	swait.ge [sflag:s30], $0x2000  }
0x17d: {  	[sflag:s30] =	ssyncset.done $0x0  }
0x17e: {  	[sflag:s30] =	ssyncadd.s32 $0xFFFFE000  }
0x17f: {  	_ =	swait.ge [sflag:s31], $0x2000  }
0x180: {  	[sflag:s31] =	ssyncset.done $0x0  }
0x181: {  	[sflag:s31] =	ssyncadd.s32 $0xFFFFE000  }
0x182: {  	_ =	swait.ge [sflag:s3], $0x2000  }
0x183: {  	[sflag:s3] =	ssyncset.done $0x0  }
0x184: {  	[sflag:s3] =	ssyncadd.s32 $0xFFFFE000  }
0x185: {  	_ =	swait.ge [sflag:s31], $0x2000  }
0x186: {  	[sflag:s31] =	ssyncset.done $0x0  }
0x187: {  	[sflag:s31] =	ssyncadd.s32 $0xFFFFE000  }
0x188: {  	_ =	swait.ge [sflag:s3], $0x2000  }
0x189: {  	[sflag:s3] =	ssyncset.done $0x0  }
0x18a: {  	s6 =	simm.s32 $0x7;
	s5 =	rddreg [dreg:$0x7];
	[sflag:s3] =	ssyncadd.s32 $0xFFFFE000  }
0x18b: {  	[hbm4b:s5+s4] =	stream.linear.scatter [tilespmem:s28], [sflag:$0x7], $0x200, $0x38;
	[tilespmem:$0x18700] =	vst v63  }
0x18c: {  	_ =	swait.ge [sflag:s6], $0x200  }
0x18d: {  	s2 =	sadd.s32 $0x1, s2;
	s9 =	rddreg [dreg:$0x8]  }
0x18e: {  	p0 =	sne.s32 s2, s9  }
.Ltmp1:
0x18f: {  	_ = 	snop;
	(pc) =	sbr.rel @p0 .LBB2_1-.Ltmp1, $3  }
0x190: {  	_ =	sdelay $0x1  }
0x191: {  	[sflag:s6] =	ssyncset.done $0x0  }
0x192: {  	[sflag:s6] =	ssyncadd.s32 $0xFFFFFE00  }
0x193: {  	_ =	sfence.sel $0x180000  }
0x194: {  	[bflag:$0x0] =	sbarrier.arrive $0xFFFF  }
0x195: {  	_ =	strace $0x90000047  }
0x196: {  	s0 =	stileid.u32;
	[bflag:$0x2] =	sbarrier.arrive $0xFFFF  }
0x197: {  	p0 =	sne.s32 s0, $0x0;
	s0 =	rddreg [dreg:$0x4]  }
0x198: {  	s0 =	sadd.s32 @!p0 $0x100000, s0  }
0x199: {  	[sflag:s0] =	ssyncadd.tile.s32 @!p0 $0x1;
	_ =	shalt  }
.Lfunc_end2:
_tile_overlayer_lowered:
.L_overlay_start_2:
0x19a: {  	(tag) =	ssettag $0x2  }
0x19b: {  	s0 =	rddreg [dreg:$0x0];
	s2 =	stileid.u32  }
0x19c: {  	s1 =	rddreg [dreg:$0x1];
	p0 =	sne.s32 s2, $0x0  }
0x19d: {  	s3 =	rddreg [dreg:$0x2];
	[bflag:$0x3] =	sbarrier.arrive $0xFFFF;
	s2 =	simm.s32 @!p0 $0x1C07  }
0x19e: {  	[timem:s3], [sflag:s2] =	dma.local @!p0 [hbm:s0], s1  }
0x19f: {  	s0 =	simm.s32 @!p0 $0x7  }
0x1a0: {  	_ =	swait.ge @!p0 [sflag:s0], s1  }
0x1a1: {  	s1 =	ssub.s32 @!p0 $0x0, s1;
	[sflag:s0] =	ssyncset.done @!p0 $0x0  }
0x1a2: {  	[sflag:s0] =	ssyncadd.s32 @!p0 s1  }
0x1a3: {  	[bflag:$0x3] =	sbarrier.arrive $0xFFFF  }
0x1a4: {  	_ =	shalt  }

</sc_bundles>
